<compile_context>
chip_gen: v7x
topology: tpu7x:2x2x1
jax: 0.10.2.dev20260603
libtpu: 0.0.44.dev20260713+nightly
codegen_flags: <defaults>
</compile_context>

<pallas_src>
import functools

import jax
import jax.numpy as jnp
from jax import lax
from jax.experimental import pallas as pl
from jax.experimental.pallas import tpu as pltpu
from jax.experimental.pallas import tpu_sc as plsc

B, M, T, S = 2, 16, 512, 2048
NC, NS, L = 2, 16, 16
NW = NC * NS
ROWS_PER_W = (B * T) // NW
BR, BC = 8, 128
NRB = ROWS_PER_W // BR
NCB = S // BC
NCHUNK = NRB * NCB
NSLOT = 4
GRP = (BR * BC) // L
EPS = 0.0001

_SORT4 = [(0, 1), (2, 3), (0, 2), (1, 3), (1, 2)]


def _pruned_merge44():
    ces = []

    def merge(lo, hi, r):
        step = r * 2
        if step < hi - lo:
            merge(lo, hi, step)
            merge(lo + r, hi, step)
            for i in range(lo + r, hi - r, step):
                ces.append((i, i + r))
        else:
            ces.append((lo, lo + r))

    merge(0, 7, 1)
    needed = set(range(3, 8))
    kept = []
    for (i, j) in reversed(ces):
        ni, nj = i in needed, j in needed
        if ni or nj:
            kept.append((i, j, ni, nj))
            needed.add(i)
            needed.add(j)
    kept.reverse()
    return kept


_MERGE44 = _pruned_merge44()


def _fifth_largest(xs):
    w = list(xs)
    for g in range(4):
        for (i, j) in _SORT4:
            a, c = w[4 * g + i], w[4 * g + j]
            w[4 * g + i] = jnp.minimum(a, c)
            w[4 * g + j] = jnp.maximum(a, c)

    def merge_top5(sub):
        v = list(sub)
        for (i, j, ni, nj) in _MERGE44:
            a, c = v[i], v[j]
            if ni:
                v[i] = jnp.minimum(a, c)
            if nj:
                v[j] = jnp.maximum(a, c)
        return v[3:8]

    a5 = merge_top5(w[0:8])
    b5 = merge_top5(w[8:16])
    t = jnp.maximum(a5[4], b5[0])
    for i in range(1, 5):
        t = jnp.minimum(t, jnp.maximum(a5[4 - i], b5[i]))
    return t


def _sc_body(x_hbm, o_hbm, bufs, isems, osems):
    wid = lax.axis_index("s") * NC + lax.axis_index("c")
    row_g = wid * ROWS_PER_W
    b = row_g // T
    row0 = row_g % T

    def in_copy(t, buf, sem):
        rb, cb = t // NCB, t % NCB
        return pltpu.make_async_copy(
            x_hbm.at[b, :, pl.ds(row0 + rb * BR, BR), pl.ds(cb * BC, BC)],
            buf, sem)

    def out_copy(t, buf, sem):
        rb, cb = t // NCB, t % NCB
        return pltpu.make_async_copy(
            buf,
            o_hbm.at[b, :, pl.ds(row0 + rb * BR, BR), pl.ds(cb * BC, BC)],
            sem)

    def compute(buf):
        def grp(idx, carry):
            rr = idx // (BC // L)
            sl = pl.ds((idx % (BC // L)) * L, L)
            xs = [buf[m, rr, sl] for m in range(M)]
            thr = _fifth_largest(xs) - EPS
            for m in range(M):
                buf[m, rr, sl] = jnp.where(xs[m] > thr, xs[m], 0.0)
            return carry

        lax.fori_loop(0, GRP, grp, 0)

    def chunk(t, s):
        sp = (s + 1) % NSLOT
        tn = t + 1

        @pl.when(tn < NCHUNK)
        def _prefetch():
            @pl.when(tn >= NSLOT)
            def _drain():
                out_copy(tn - NSLOT, bufs[sp], osems[sp]).wait()

            in_copy(tn, bufs[sp], isems[sp]).start()

        in_copy(t, bufs[s], isems[s]).wait()
        compute(bufs[s])
        out_copy(t, bufs[s], osems[s]).start()

    in_copy(0, bufs[0], isems[0]).start()

    def superstep(ss, carry):
        for s in range(NSLOT):
            chunk(ss * NSLOT + s, s)
        return carry

    lax.fori_loop(0, NCHUNK // NSLOT, superstep, 0)

    for k in range(NSLOT):
        t = NCHUNK - NSLOT + k
        out_copy(t, bufs[t % NSLOT], osems[t % NSLOT]).wait()


@functools.partial(
    pl.kernel,
    out_type=jax.ShapeDtypeStruct((B, M, T, S), jnp.float32),
    mesh=plsc.VectorSubcoreMesh(core_axis_name="c", subcore_axis_name="s"),
    compiler_params=pltpu.CompilerParams(use_tc_tiling_on_sc=True),
    scratch_types=(
        [pltpu.VMEM((M, BR, BC), jnp.float32) for _ in range(NSLOT)]
        + [pltpu.SemaphoreType.DMA for _ in range(2 * NSLOT)]
    ),
)
def _sc_topk_mask(x_hbm, o_hbm, b0, b1, b2, b3, i0, i1, i2, i3, o0, o1, o2, o3):
    _sc_body(x_hbm, o_hbm, [b0, b1, b2, b3], [i0, i1, i2, i3],
             [o0, o1, o2, o3])


def kernel(attn_s):
    return _sc_topk_mask(attn_s)

# --- scband reference (transcript-rebuilt; emitter-appended) ---
"""Pipeline reference for scband-sparse-attention-11544872091752 (READ-ONLY COPY).

The authoritative reference and input builder live on the scoring server;
editing this copy changes nothing except your own understanding.
"""

import jax, jax.numpy as jnp
import numpy as np

TOP_K = 5

def setup_inputs(seed: int = 0) -> dict:
    key = jax.random.key(seed)
    attn_s = jax.random.normal(key, (2, 16, 512, 2048), dtype=jnp.float32)
    return {"attn_s": attn_s}

def reference(attn_s):
    bsz, num_modules, trg_len, src_len = attn_s.shape
    eps = 0.0001
    x = jnp.transpose(attn_s, (0, 2, 3, 1)).reshape((bsz * trg_len * src_len, num_modules))
    # k-th largest value per row over the modules dimension
    topk_vals = jax.lax.top_k(x, TOP_K)[0]
    delta = topk_vals[:, -1].reshape((-1, 1))
    mask = (x > (delta - eps)).astype(jnp.float32)
    attn_w = x * mask
    attn_w = attn_w.reshape((bsz, trg_len, src_len, num_modules))
    attn_w = jnp.transpose(attn_w, (0, 3, 1, 2))
    attn_w = attn_w.reshape((bsz * num_modules * trg_len, src_len))
    # do_normalize is False in the original module
    attn_w_normalize = attn_w.reshape((bsz, num_modules, trg_len, src_len))
    return attn_w_normalize

if __name__ == "__main__":
    import jax
    _d = setup_inputs()
    print(jax.jit(kernel)(*tuple(_d.values())))

</pallas_src>

<mosaic_0001>
#map = affine_map<(d0, d1) -> (0, 0, 0, 0)>
module attributes {stable_mosaic.version = 14 : i64} {
  func.func @_sc_topk_mask(%arg0: i32, %arg1: i32, %arg2: memref<2x16x512x2048xf32, #tpu.memory_space<hbm>>, %arg3: memref<2x16x512x2048xf32, #tpu.memory_space<hbm>>, %arg4: memref<16x8x128xf32, #tpu.memory_space<vmem>>, %arg5: memref<16x8x128xf32, #tpu.memory_space<vmem>>, %arg6: memref<16x8x128xf32, #tpu.memory_space<vmem>>, %arg7: memref<16x8x128xf32, #tpu.memory_space<vmem>>, %arg8: memref<!tpu.dma_semaphore, #tpu.memory_space<semaphore_mem>>, %arg9: memref<!tpu.dma_semaphore, #tpu.memory_space<semaphore_mem>>, %arg10: memref<!tpu.dma_semaphore, #tpu.memory_space<semaphore_mem>>, %arg11: memref<!tpu.dma_semaphore, #tpu.memory_space<semaphore_mem>>, %arg12: memref<!tpu.dma_semaphore, #tpu.memory_space<semaphore_mem>>, %arg13: memref<!tpu.dma_semaphore, #tpu.memory_space<semaphore_mem>>, %arg14: memref<!tpu.dma_semaphore, #tpu.memory_space<semaphore_mem>>, %arg15: memref<!tpu.dma_semaphore, #tpu.memory_space<semaphore_mem>>) attributes {dimension_semantics = [#tpu.dimension_semantics<core_parallel>, #tpu.dimension_semantics<subcore_parallel>], iteration_bounds = array<i64: 2, 16>, scalar_prefetch = 0 : i64, scratch_operands = 12 : i64, tpu.core_type = #tpu.core_type<sc_vector_subcore>, window_params = [{transform_indices = #map}, {transform_indices = #map}]} {
    %mul3A = arith.constant 2 : i32
    %mul3A_0 = arith.muli %arg1, %mul3A : i32
    %add3A = arith.addi %mul3A_0, %arg0 : i32
    %mul3A_1 = arith.constant 32 : i32
    %mul3A_2 = arith.muli %add3A, %mul3A_1 : i32
    %jit3A = arith.constant 512 : i32
    %div3A = arith.divsi %mul3A_2, %jit3A : i32
    %sign3A = arith.constant 0 : i32
    %sign3A_3 = arith.cmpi sgt, %mul3A_2, %sign3A : i32
    %sign3A_4 = arith.extui %sign3A_3 : i1 to i32
    %sign3A_5 = arith.constant 0 : i32
    %sign3A_6 = arith.cmpi slt, %mul3A_2, %sign3A_5 : i32
    %sign3A_7 = arith.extui %sign3A_6 : i1 to i32
    %sign3A_8 = arith.subi %sign3A_4, %sign3A_7 : i32
    %sign3A_9 = arith.constant 0 : i32
    %sign3A_10 = arith.cmpi sgt, %jit3A, %sign3A_9 : i32
    %sign3A_11 = arith.extui %sign3A_10 : i1 to i32
    %sign3A_12 = arith.constant 0 : i32
    %sign3A_13 = arith.cmpi slt, %jit3A, %sign3A_12 : i32
    %sign3A_14 = arith.extui %sign3A_13 : i1 to i32
    %sign3A_15 = arith.subi %sign3A_11, %sign3A_14 : i32
    %ne3A = arith.cmpi ne, %sign3A_8, %sign3A_15 : i32
    %rem3A = arith.remsi %mul3A_2, %jit3A : i32
    %ne3A_16 = arith.constant 0 : i32
    %ne3A_17 = arith.cmpi ne, %rem3A, %ne3A_16 : i32
    %and3A = arith.andi %ne3A, %ne3A_17 : i1
    %sub3A = arith.constant 1 : i32
    %sub3A_18 = arith.subi %div3A, %sub3A : i32
    %select_n3A = arith.select %and3A, %sub3A_18, %div3A : i32
    %jit3A_19 = arith.constant 512 : i32
    %eq3A = arith.constant 0 : i32
    %eq3A_20 = arith.cmpi eq, %jit3A_19, %eq3A : i32
    %jit3A_21 = arith.constant 1 : i32
    %select_n3A_22 = arith.select %eq3A_20, %jit3A_21, %jit3A_19 : i32
    %rem3A_23 = arith.remsi %mul3A_2, %select_n3A_22 : i32
    %ne3A_24 = arith.constant 0 : i32
    %ne3A_25 = arith.cmpi ne, %rem3A_23, %ne3A_24 : i32
    %lt3A = arith.constant 0 : i32
    %lt3A_26 = arith.cmpi slt, %rem3A_23, %lt3A : i32
    %lt3A_27 = arith.constant 0 : i32
    %lt3A_28 = arith.cmpi slt, %select_n3A_22, %lt3A_27 : i32
    %ne3A_29 = arith.xori %lt3A_26, %lt3A_28 : i1
    %and3A_30 = arith.andi %ne3A_29, %ne3A_25 : i1
    %add3A_31 = arith.addi %rem3A_23, %select_n3A_22 : i32
    %select_n3A_32 = arith.select %and3A_30, %add3A_31, %rem3A_23 : i32
    %add3A_33 = arith.constant 0 : i32
    %add3A_34 = arith.addi %select_n3A_32, %add3A_33 : i32
    %dma_start3A = arith.constant 0 : i32
    %dma_start3A_35 = arith.constant 0 : i32
    %dma_start3A_36 = tpu.memref_slice %arg2[%select_n3A, %dma_start3A, %add3A_34, %dma_start3A_35] : memref<2x16x512x2048xf32, #tpu.memory_space<hbm>> -> memref<1x16x8x128xf32, #tpu.memory_space<hbm>>
    %dma_start3A_37 = tpu.memref_squeeze %dma_start3A_36 : memref<1x16x8x128xf32, #tpu.memory_space<hbm>> -> memref<16x8x128xf32, #tpu.memory_space<hbm>>
    %dma_start3A_38 = arith.constant 0 : i32
    %dma_start3A_39 = arith.constant 0 : i32
    %dma_start3A_40 = tpu.memref_slice %arg2[%select_n3A, %dma_start3A_38, %add3A_34, %dma_start3A_39] : memref<2x16x512x2048xf32, #tpu.memory_space<hbm>> -> memref<1x16x8x128xf32, #tpu.memory_space<hbm>>
    %dma_start3A_41 = tpu.memref_squeeze %dma_start3A_40 : memref<1x16x8x128xf32, #tpu.memory_space<hbm>> -> memref<16x8x128xf32, #tpu.memory_space<hbm>>
    tpu.enqueue_dma source(%dma_start3A_41 : memref<16x8x128xf32, #tpu.memory_space<hbm>>) target(%arg4 : memref<16x8x128xf32, #tpu.memory_space<vmem>>) target_semaphore(%arg8 : memref<!tpu.dma_semaphore, #tpu.memory_space<semaphore_mem>>)
    %scan3A = arith.constant 0 : i32
    %scan3A_42 = arith.constant 0 : i32
    %scan3A_43 = arith.constant 16 : i32
    %scan3A_44 = arith.addi %scan3A_42, %scan3A_43 : i32
    %scan3A_45 = arith.constant 1 : i32
    scf.for %scan3A_86 = %scan3A_42 to %scan3A_44 step %scan3A_45  : i32 {
      %mul3A_87 = arith.constant 4 : i32
      %mul3A_88 = arith.muli %scan3A_86, %mul3A_87 : i32
      %add3A_89 = arith.constant 0 : i32
      %add3A_90 = arith.addi %mul3A_88, %add3A_89 : i32
      %add3A_91 = arith.constant 1 : i32
      %add3A_92 = arith.addi %add3A_90, %add3A_91 : i32
      %lt3A_93 = arith.constant 64 : i32
      %lt3A_94 = arith.cmpi slt, %add3A_92, %lt3A_93 : i32
      %convert_element_type3A = arith.extui %lt3A_94 : i1 to i32
      %cond3A = arith.constant 0 : i32
      %cond3A_95 = arith.cmpi ne, %convert_element_type3A, %cond3A : i32
      scf.if %cond3A_95 {
        %ge3A = arith.constant 4 : i32
        %ge3A_561 = arith.cmpi sge, %add3A_92, %ge3A : i32
        %convert_element_type3A_562 = arith.extui %ge3A_561 : i1 to i32
        %cond3A_563 = arith.constant 0 : i32
        %cond3A_564 = arith.cmpi ne, %convert_element_type3A_562, %cond3A_563 : i32
        scf.if %cond3A_564 {
          %sub3A_616 = arith.constant 4 : i32
          %sub3A_617 = arith.subi %add3A_92, %sub3A_616 : i32
          %jit3A_618 = arith.constant 16 : i32
          %div3A_619 = arith.divsi %sub3A_617, %jit3A_618 : i32
          %sign3A_620 = arith.constant 0 : i32
          %sign3A_621 = arith.cmpi sgt, %sub3A_617, %sign3A_620 : i32
          %sign3A_622 = arith.extui %sign3A_621 : i1 to i32
          %sign3A_623 = arith.constant 0 : i32
          %sign3A_624 = arith.cmpi slt, %sub3A_617, %sign3A_623 : i32
          %sign3A_625 = arith.extui %sign3A_624 : i1 to i32
          %sign3A_626 = arith.subi %sign3A_622, %sign3A_625 : i32
          %sign3A_627 = arith.constant 0 : i32
          %sign3A_628 = arith.cmpi sgt, %jit3A_618, %sign3A_627 : i32
          %sign3A_629 = arith.extui %sign3A_628 : i1 to i32
          %sign3A_630 = arith.constant 0 : i32
          %sign3A_631 = arith.cmpi slt, %jit3A_618, %sign3A_630 : i32
          %sign3A_632 = arith.extui %sign3A_631 : i1 to i32
          %sign3A_633 = arith.subi %sign3A_629, %sign3A_632 : i32
          %ne3A_634 = arith.cmpi ne, %sign3A_626, %sign3A_633 : i32
          %rem3A_635 = arith.remsi %sub3A_617, %jit3A_618 : i32
          %ne3A_636 = arith.constant 0 : i32
          %ne3A_637 = arith.cmpi ne, %rem3A_635, %ne3A_636 : i32
          %and3A_638 = arith.andi %ne3A_634, %ne3A_637 : i1
          %sub3A_639 = arith.constant 1 : i32
          %sub3A_640 = arith.subi %div3A_619, %sub3A_639 : i32
          %select_n3A_641 = arith.select %and3A_638, %sub3A_640, %div3A_619 : i32
          %jit3A_642 = arith.constant 16 : i32
          %eq3A_643 = arith.constant 0 : i32
          %eq3A_644 = arith.cmpi eq, %jit3A_642, %eq3A_643 : i32
          %jit3A_645 = arith.constant 1 : i32
          %select_n3A_646 = arith.select %eq3A_644, %jit3A_645, %jit3A_642 : i32
          %rem3A_647 = arith.remsi %sub3A_617, %select_n3A_646 : i32
          %ne3A_648 = arith.constant 0 : i32
          %ne3A_649 = arith.cmpi ne, %rem3A_647, %ne3A_648 : i32
          %lt3A_650 = arith.constant 0 : i32
          %lt3A_651 = arith.cmpi slt, %rem3A_647, %lt3A_650 : i32
          %lt3A_652 = arith.constant 0 : i32
          %lt3A_653 = arith.cmpi slt, %select_n3A_646, %lt3A_652 : i32
          %ne3A_654 = arith.xori %lt3A_651, %lt3A_653 : i1
          %and3A_655 = arith.andi %ne3A_654, %ne3A_649 : i1
          %add3A_656 = arith.addi %rem3A_647, %select_n3A_646 : i32
          %select_n3A_657 = arith.select %and3A_655, %add3A_656, %rem3A_647 : i32
          %mul3A_658 = arith.constant 8 : i32
          %mul3A_659 = arith.muli %select_n3A_641, %mul3A_658 : i32
          %add3A_660 = arith.addi %select_n3A_32, %mul3A_659 : i32
          %mul3A_661 = arith.constant 128 : i32
          %mul3A_662 = arith.muli %select_n3A_657, %mul3A_661 : i32
          %dma_wait3A_663 = arith.constant 0 : i32
          %dma_wait3A_664 = tpu.memref_slice %arg3[%select_n3A, %dma_wait3A_663, %add3A_660, %mul3A_662] : memref<2x16x512x2048xf32, #tpu.memory_space<hbm>> -> memref<1x16x8x128xf32, #tpu.memory_space<hbm>>
          %dma_wait3A_665 = tpu.memref_squeeze %dma_wait3A_664 : memref<1x16x8x128xf32, #tpu.memory_space<hbm>> -> memref<16x8x128xf32, #tpu.memory_space<hbm>>
          %dma_wait3A_666 = arith.constant 0 : i32
          %dma_wait3A_667 = tpu.memref_slice %arg3[%select_n3A, %dma_wait3A_666, %add3A_660, %mul3A_662] : memref<2x16x512x2048xf32, #tpu.memory_space<hbm>> -> memref<1x16x8x128xf32, #tpu.memory_space<hbm>>
          %dma_wait3A_668 = tpu.memref_squeeze %dma_wait3A_667 : memref<1x16x8x128xf32, #tpu.memory_space<hbm>> -> memref<16x8x128xf32, #tpu.memory_space<hbm>>
          tpu.wait_dma2 semaphore(%arg13 : memref<!tpu.dma_semaphore, #tpu.memory_space<semaphore_mem>>) src(%arg5 : memref<16x8x128xf32, #tpu.memory_space<vmem>>) dst(%dma_wait3A_668 : memref<16x8x128xf32, #tpu.memory_space<hbm>>)
        } else {
        }
        %jit3A_565 = arith.constant 16 : i32
        %div3A_566 = arith.divsi %add3A_92, %jit3A_565 : i32
        %sign3A_567 = arith.constant 0 : i32
        %sign3A_568 = arith.cmpi sgt, %add3A_92, %sign3A_567 : i32
        %sign3A_569 = arith.extui %sign3A_568 : i1 to i32
        %sign3A_570 = arith.constant 0 : i32
        %sign3A_571 = arith.cmpi slt, %add3A_92, %sign3A_570 : i32
        %sign3A_572 = arith.extui %sign3A_571 : i1 to i32
        %sign3A_573 = arith.subi %sign3A_569, %sign3A_572 : i32
        %sign3A_574 = arith.constant 0 : i32
        %sign3A_575 = arith.cmpi sgt, %jit3A_565, %sign3A_574 : i32
        %sign3A_576 = arith.extui %sign3A_575 : i1 to i32
        %sign3A_577 = arith.constant 0 : i32
        %sign3A_578 = arith.cmpi slt, %jit3A_565, %sign3A_577 : i32
        %sign3A_579 = arith.extui %sign3A_578 : i1 to i32
        %sign3A_580 = arith.subi %sign3A_576, %sign3A_579 : i32
        %ne3A_581 = arith.cmpi ne, %sign3A_573, %sign3A_580 : i32
        %rem3A_582 = arith.remsi %add3A_92, %jit3A_565 : i32
        %ne3A_583 = arith.constant 0 : i32
        %ne3A_584 = arith.cmpi ne, %rem3A_582, %ne3A_583 : i32
        %and3A_585 = arith.andi %ne3A_581, %ne3A_584 : i1
        %sub3A_586 = arith.constant 1 : i32
        %sub3A_587 = arith.subi %div3A_566, %sub3A_586 : i32
        %select_n3A_588 = arith.select %and3A_585, %sub3A_587, %div3A_566 : i32
        %jit3A_589 = arith.constant 16 : i32
        %eq3A_590 = arith.constant 0 : i32
        %eq3A_591 = arith.cmpi eq, %jit3A_589, %eq3A_590 : i32
        %jit3A_592 = arith.constant 1 : i32
        %select_n3A_593 = arith.select %eq3A_591, %jit3A_592, %jit3A_589 : i32
        %rem3A_594 = arith.remsi %add3A_92, %select_n3A_593 : i32
        %ne3A_595 = arith.constant 0 : i32
        %ne3A_596 = arith.cmpi ne, %rem3A_594, %ne3A_595 : i32
        %lt3A_597 = arith.constant 0 : i32
        %lt3A_598 = arith.cmpi slt, %rem3A_594, %lt3A_597 : i32
        %lt3A_599 = arith.constant 0 : i32
        %lt3A_600 = arith.cmpi slt, %select_n3A_593, %lt3A_599 : i32
        %ne3A_601 = arith.xori %lt3A_598, %lt3A_600 : i1
        %and3A_602 = arith.andi %ne3A_601, %ne3A_596 : i1
        %add3A_603 = arith.addi %rem3A_594, %select_n3A_593 : i32
        %select_n3A_604 = arith.select %and3A_602, %add3A_603, %rem3A_594 : i32
        %mul3A_605 = arith.constant 8 : i32
        %mul3A_606 = arith.muli %select_n3A_588, %mul3A_605 : i32
        %add3A_607 = arith.addi %select_n3A_32, %mul3A_606 : i32
        %mul3A_608 = arith.constant 128 : i32
        %mul3A_609 = arith.muli %select_n3A_604, %mul3A_608 : i32
        %dma_start3A_610 = arith.constant 0 : i32
        %dma_start3A_611 = tpu.memref_slice %arg2[%select_n3A, %dma_start3A_610, %add3A_607, %mul3A_609] : memref<2x16x512x2048xf32, #tpu.memory_space<hbm>> -> memref<1x16x8x128xf32, #tpu.memory_space<hbm>>
        %dma_start3A_612 = tpu.memref_squeeze %dma_start3A_611 : memref<1x16x8x128xf32, #tpu.memory_space<hbm>> -> memref<16x8x128xf32, #tpu.memory_space<hbm>>
        %dma_start3A_613 = arith.constant 0 : i32
        %dma_start3A_614 = tpu.memref_slice %arg2[%select_n3A, %dma_start3A_613, %add3A_607, %mul3A_609] : memref<2x16x512x2048xf32, #tpu.memory_space<hbm>> -> memref<1x16x8x128xf32, #tpu.memory_space<hbm>>
        %dma_start3A_615 = tpu.memref_squeeze %dma_start3A_614 : memref<1x16x8x128xf32, #tpu.memory_space<hbm>> -> memref<16x8x128xf32, #tpu.memory_space<hbm>>
        tpu.enqueue_dma source(%dma_start3A_615 : memref<16x8x128xf32, #tpu.memory_space<hbm>>) target(%arg5 : memref<16x8x128xf32, #tpu.memory_space<vmem>>) target_semaphore(%arg9 : memref<!tpu.dma_semaphore, #tpu.memory_space<semaphore_mem>>)
      } else {
      }
      %jit3A_96 = arith.constant 16 : i32
      %div3A_97 = arith.divsi %add3A_90, %jit3A_96 : i32
      %sign3A_98 = arith.constant 0 : i32
      %sign3A_99 = arith.cmpi sgt, %add3A_90, %sign3A_98 : i32
      %sign3A_100 = arith.extui %sign3A_99 : i1 to i32
      %sign3A_101 = arith.constant 0 : i32
      %sign3A_102 = arith.cmpi slt, %add3A_90, %sign3A_101 : i32
      %sign3A_103 = arith.extui %sign3A_102 : i1 to i32
      %sign3A_104 = arith.subi %sign3A_100, %sign3A_103 : i32
      %sign3A_105 = arith.constant 0 : i32
      %sign3A_106 = arith.cmpi sgt, %jit3A_96, %sign3A_105 : i32
      %sign3A_107 = arith.extui %sign3A_106 : i1 to i32
      %sign3A_108 = arith.constant 0 : i32
      %sign3A_109 = arith.cmpi slt, %jit3A_96, %sign3A_108 : i32
      %sign3A_110 = arith.extui %sign3A_109 : i1 to i32
      %sign3A_111 = arith.subi %sign3A_107, %sign3A_110 : i32
      %ne3A_112 = arith.cmpi ne, %sign3A_104, %sign3A_111 : i32
      %rem3A_113 = arith.remsi %add3A_90, %jit3A_96 : i32
      %ne3A_114 = arith.constant 0 : i32
      %ne3A_115 = arith.cmpi ne, %rem3A_113, %ne3A_114 : i32
      %and3A_116 = arith.andi %ne3A_112, %ne3A_115 : i1
      %sub3A_117 = arith.constant 1 : i32
      %sub3A_118 = arith.subi %div3A_97, %sub3A_117 : i32
      %select_n3A_119 = arith.select %and3A_116, %sub3A_118, %div3A_97 : i32
      %jit3A_120 = arith.constant 16 : i32
      %eq3A_121 = arith.constant 0 : i32
      %eq3A_122 = arith.cmpi eq, %jit3A_120, %eq3A_121 : i32
      %jit3A_123 = arith.constant 1 : i32
      %select_n3A_124 = arith.select %eq3A_122, %jit3A_123, %jit3A_120 : i32
      %rem3A_125 = arith.remsi %add3A_90, %select_n3A_124 : i32
      %ne3A_126 = arith.constant 0 : i32
      %ne3A_127 = arith.cmpi ne, %rem3A_125, %ne3A_126 : i32
      %lt3A_128 = arith.constant 0 : i32
      %lt3A_129 = arith.cmpi slt, %rem3A_125, %lt3A_128 : i32
      %lt3A_130 = arith.constant 0 : i32
      %lt3A_131 = arith.cmpi slt, %select_n3A_124, %lt3A_130 : i32
      %ne3A_132 = arith.xori %lt3A_129, %lt3A_131 : i1
      %and3A_133 = arith.andi %ne3A_132, %ne3A_127 : i1
      %add3A_134 = arith.addi %rem3A_125, %select_n3A_124 : i32
      %select_n3A_135 = arith.select %and3A_133, %add3A_134, %rem3A_125 : i32
      %mul3A_136 = arith.constant 8 : i32
      %mul3A_137 = arith.muli %select_n3A_119, %mul3A_136 : i32
      %add3A_138 = arith.addi %select_n3A_32, %mul3A_137 : i32
      %mul3A_139 = arith.constant 128 : i32
      %mul3A_140 = arith.muli %select_n3A_135, %mul3A_139 : i32
      %dma_wait3A_141 = arith.constant 0 : i32
      %dma_wait3A_142 = tpu.memref_slice %arg2[%select_n3A, %dma_wait3A_141, %add3A_138, %mul3A_140] : memref<2x16x512x2048xf32, #tpu.memory_space<hbm>> -> memref<1x16x8x128xf32, #tpu.memory_space<hbm>>
      %dma_wait3A_143 = tpu.memref_squeeze %dma_wait3A_142 : memref<1x16x8x128xf32, #tpu.memory_space<hbm>> -> memref<16x8x128xf32, #tpu.memory_space<hbm>>
      %dma_wait3A_144 = arith.constant 0 : i32
      %dma_wait3A_145 = tpu.memref_slice %arg2[%select_n3A, %dma_wait3A_144, %add3A_138, %mul3A_140] : memref<2x16x512x2048xf32, #tpu.memory_space<hbm>> -> memref<1x16x8x128xf32, #tpu.memory_space<hbm>>
      %dma_wait3A_146 = tpu.memref_squeeze %dma_wait3A_145 : memref<1x16x8x128xf32, #tpu.memory_space<hbm>> -> memref<16x8x128xf32, #tpu.memory_space<hbm>>
      tpu.wait_dma2 semaphore(%arg8 : memref<!tpu.dma_semaphore, #tpu.memory_space<semaphore_mem>>) src(%dma_wait3A_146 : memref<16x8x128xf32, #tpu.memory_space<hbm>>) dst(%arg4 : memref<16x8x128xf32, #tpu.memory_space<vmem>>)
      %scan3A_147 = arith.constant 0 : i32
      %scan3A_148 = arith.constant 0 : i32
      %scan3A_149 = arith.constant 64 : i32
      %scan3A_150 = arith.addi %scan3A_148, %scan3A_149 : i32
      %scan3A_151 = arith.constant 1 : i32
      scf.for %scan3A_561 = %scan3A_148 to %scan3A_150 step %scan3A_151  : i32 {
        %jit3A_562 = arith.constant 8 : i32
        %div3A_563 = arith.divsi %scan3A_561, %jit3A_562 : i32
        %sign3A_564 = arith.constant 0 : i32
        %sign3A_565 = arith.cmpi sgt, %scan3A_561, %sign3A_564 : i32
        %sign3A_566 = arith.extui %sign3A_565 : i1 to i32
        %sign3A_567 = arith.constant 0 : i32
        %sign3A_568 = arith.cmpi slt, %scan3A_561, %sign3A_567 : i32
        %sign3A_569 = arith.extui %sign3A_568 : i1 to i32
        %sign3A_570 = arith.subi %sign3A_566, %sign3A_569 : i32
        %sign3A_571 = arith.constant 0 : i32
        %sign3A_572 = arith.cmpi sgt, %jit3A_562, %sign3A_571 : i32
        %sign3A_573 = arith.extui %sign3A_572 : i1 to i32
        %sign3A_574 = arith.constant 0 : i32
        %sign3A_575 = arith.cmpi slt, %jit3A_562, %sign3A_574 : i32
        %sign3A_576 = arith.extui %sign3A_575 : i1 to i32
        %sign3A_577 = arith.subi %sign3A_573, %sign3A_576 : i32
        %ne3A_578 = arith.cmpi ne, %sign3A_570, %sign3A_577 : i32
        %rem3A_579 = arith.remsi %scan3A_561, %jit3A_562 : i32
        %ne3A_580 = arith.constant 0 : i32
        %ne3A_581 = arith.cmpi ne, %rem3A_579, %ne3A_580 : i32
        %and3A_582 = arith.andi %ne3A_578, %ne3A_581 : i1
        %sub3A_583 = arith.constant 1 : i32
        %sub3A_584 = arith.subi %div3A_563, %sub3A_583 : i32
        %select_n3A_585 = arith.select %and3A_582, %sub3A_584, %div3A_563 : i32
        %jit3A_586 = arith.constant 8 : i32
        %eq3A_587 = arith.constant 0 : i32
        %eq3A_588 = arith.cmpi eq, %jit3A_586, %eq3A_587 : i32
        %jit3A_589 = arith.constant 1 : i32
        %select_n3A_590 = arith.select %eq3A_588, %jit3A_589, %jit3A_586 : i32
        %rem3A_591 = arith.remsi %scan3A_561, %select_n3A_590 : i32
        %ne3A_592 = arith.constant 0 : i32
        %ne3A_593 = arith.cmpi ne, %rem3A_591, %ne3A_592 : i32
        %lt3A_594 = arith.constant 0 : i32
        %lt3A_595 = arith.cmpi slt, %rem3A_591, %lt3A_594 : i32
        %lt3A_596 = arith.constant 0 : i32
        %lt3A_597 = arith.cmpi slt, %select_n3A_590, %lt3A_596 : i32
        %ne3A_598 = arith.xori %lt3A_595, %lt3A_597 : i1
        %and3A_599 = arith.andi %ne3A_598, %ne3A_593 : i1
        %add3A_600 = arith.addi %rem3A_591, %select_n3A_590 : i32
        %select_n3A_601 = arith.select %and3A_599, %add3A_600, %rem3A_591 : i32
        %mul3A_602 = arith.constant 16 : i32
        %mul3A_603 = arith.muli %select_n3A_601, %mul3A_602 : i32
        %get3A = arith.constant 0 : i32
        %get3A_604 = arith.index_cast %get3A : i32 to index
        %get3A_605 = arith.index_cast %select_n3A_585 : i32 to index
        %get3A_606 = arith.index_cast %mul3A_603 : i32 to index
        %get3A_607 = tpu.vector_load %arg4[%get3A_604, %get3A_605, %get3A_606] {strides = array<i32>} : memref<16x8x128xf32, #tpu.memory_space<vmem>>, vector<1x1x16xf32>,
        %get3A_608 = vector.shape_cast %get3A_607 : vector<1x1x16xf32> to vector<16xf32>
        %get3A_609 = arith.constant 1 : i32
        %get3A_610 = arith.index_cast %get3A_609 : i32 to index
        %get3A_611 = arith.index_cast %select_n3A_585 : i32 to index
        %get3A_612 = arith.index_cast %mul3A_603 : i32 to index
        %get3A_613 = tpu.vector_load %arg4[%get3A_610, %get3A_611, %get3A_612] {strides = array<i32>} : memref<16x8x128xf32, #tpu.memory_space<vmem>>, vector<1x1x16xf32>,
        %get3A_614 = vector.shape_cast %get3A_613 : vector<1x1x16xf32> to vector<16xf32>
        %get3A_615 = arith.constant 2 : i32
        %get3A_616 = arith.index_cast %get3A_615 : i32 to index
        %get3A_617 = arith.index_cast %select_n3A_585 : i32 to index
        %get3A_618 = arith.index_cast %mul3A_603 : i32 to index
        %get3A_619 = tpu.vector_load %arg4[%get3A_616, %get3A_617, %get3A_618] {strides = array<i32>} : memref<16x8x128xf32, #tpu.memory_space<vmem>>, vector<1x1x16xf32>,
        %get3A_620 = vector.shape_cast %get3A_619 : vector<1x1x16xf32> to vector<16xf32>
        %get3A_621 = arith.constant 3 : i32
        %get3A_622 = arith.index_cast %get3A_621 : i32 to index
        %get3A_623 = arith.index_cast %select_n3A_585 : i32 to index
        %get3A_624 = arith.index_cast %mul3A_603 : i32 to index
        %get3A_625 = tpu.vector_load %arg4[%get3A_622, %get3A_623, %get3A_624] {strides = array<i32>} : memref<16x8x128xf32, #tpu.memory_space<vmem>>, vector<1x1x16xf32>,
        %get3A_626 = vector.shape_cast %get3A_625 : vector<1x1x16xf32> to vector<16xf32>
        %get3A_627 = arith.constant 4 : i32
        %get3A_628 = arith.index_cast %get3A_627 : i32 to index
        %get3A_629 = arith.index_cast %select_n3A_585 : i32 to index
        %get3A_630 = arith.index_cast %mul3A_603 : i32 to index
        %get3A_631 = tpu.vector_load %arg4[%get3A_628, %get3A_629, %get3A_630] {strides = array<i32>} : memref<16x8x128xf32, #tpu.memory_space<vmem>>, vector<1x1x16xf32>,
        %get3A_632 = vector.shape_cast %get3A_631 : vector<1x1x16xf32> to vector<16xf32>
        %get3A_633 = arith.constant 5 : i32
        %get3A_634 = arith.index_cast %get3A_633 : i32 to index
        %get3A_635 = arith.index_cast %select_n3A_585 : i32 to index
        %get3A_636 = arith.index_cast %mul3A_603 : i32 to index
        %get3A_637 = tpu.vector_load %arg4[%get3A_634, %get3A_635, %get3A_636] {strides = array<i32>} : memref<16x8x128xf32, #tpu.memory_space<vmem>>, vector<1x1x16xf32>,
        %get3A_638 = vector.shape_cast %get3A_637 : vector<1x1x16xf32> to vector<16xf32>
        %get3A_639 = arith.constant 6 : i32
        %get3A_640 = arith.index_cast %get3A_639 : i32 to index
        %get3A_641 = arith.index_cast %select_n3A_585 : i32 to index
        %get3A_642 = arith.index_cast %mul3A_603 : i32 to index
        %get3A_643 = tpu.vector_load %arg4[%get3A_640, %get3A_641, %get3A_642] {strides = array<i32>} : memref<16x8x128xf32, #tpu.memory_space<vmem>>, vector<1x1x16xf32>,
        %get3A_644 = vector.shape_cast %get3A_643 : vector<1x1x16xf32> to vector<16xf32>
        %get3A_645 = arith.constant 7 : i32
        %get3A_646 = arith.index_cast %get3A_645 : i32 to index
        %get3A_647 = arith.index_cast %select_n3A_585 : i32 to index
        %get3A_648 = arith.index_cast %mul3A_603 : i32 to index
        %get3A_649 = tpu.vector_load %arg4[%get3A_646, %get3A_647, %get3A_648] {strides = array<i32>} : memref<16x8x128xf32, #tpu.memory_space<vmem>>, vector<1x1x16xf32>,
        %get3A_650 = vector.shape_cast %get3A_649 : vector<1x1x16xf32> to vector<16xf32>
        %get3A_651 = arith.constant 8 : i32
        %get3A_652 = arith.index_cast %get3A_651 : i32 to index
        %get3A_653 = arith.index_cast %select_n3A_585 : i32 to index
        %get3A_654 = arith.index_cast %mul3A_603 : i32 to index
        %get3A_655 = tpu.vector_load %arg4[%get3A_652, %get3A_653, %get3A_654] {strides = array<i32>} : memref<16x8x128xf32, #tpu.memory_space<vmem>>, vector<1x1x16xf32>,
        %get3A_656 = vector.shape_cast %get3A_655 : vector<1x1x16xf32> to vector<16xf32>
        %get3A_657 = arith.constant 9 : i32
        %get3A_658 = arith.index_cast %get3A_657 : i32 to index
        %get3A_659 = arith.index_cast %select_n3A_585 : i32 to index
        %get3A_660 = arith.index_cast %mul3A_603 : i32 to index
        %get3A_661 = tpu.vector_load %arg4[%get3A_658, %get3A_659, %get3A_660] {strides = array<i32>} : memref<16x8x128xf32, #tpu.memory_space<vmem>>, vector<1x1x16xf32>,
        %get3A_662 = vector.shape_cast %get3A_661 : vector<1x1x16xf32> to vector<16xf32>
        %get3A_663 = arith.constant 10 : i32
        %get3A_664 = arith.index_cast %get3A_663 : i32 to index
        %get3A_665 = arith.index_cast %select_n3A_585 : i32 to index
        %get3A_666 = arith.index_cast %mul3A_603 : i32 to index
        %get3A_667 = tpu.vector_load %arg4[%get3A_664, %get3A_665, %get3A_666] {strides = array<i32>} : memref<16x8x128xf32, #tpu.memory_space<vmem>>, vector<1x1x16xf32>,
        %get3A_668 = vector.shape_cast %get3A_667 : vector<1x1x16xf32> to vector<16xf32>
        %get3A_669 = arith.constant 11 : i32
        %get3A_670 = arith.index_cast %get3A_669 : i32 to index
        %get3A_671 = arith.index_cast %select_n3A_585 : i32 to index
        %get3A_672 = arith.index_cast %mul3A_603 : i32 to index
        %get3A_673 = tpu.vector_load %arg4[%get3A_670, %get3A_671, %get3A_672] {strides = array<i32>} : memref<16x8x128xf32, #tpu.memory_space<vmem>>, vector<1x1x16xf32>,
        %get3A_674 = vector.shape_cast %get3A_673 : vector<1x1x16xf32> to vector<16xf32>
        %get3A_675 = arith.constant 12 : i32
        %get3A_676 = arith.index_cast %get3A_675 : i32 to index
        %get3A_677 = arith.index_cast %select_n3A_585 : i32 to index
        %get3A_678 = arith.index_cast %mul3A_603 : i32 to index
        %get3A_679 = tpu.vector_load %arg4[%get3A_676, %get3A_677, %get3A_678] {strides = array<i32>} : memref<16x8x128xf32, #tpu.memory_space<vmem>>, vector<1x1x16xf32>,
        %get3A_680 = vector.shape_cast %get3A_679 : vector<1x1x16xf32> to vector<16xf32>
        %get3A_681 = arith.constant 13 : i32
        %get3A_682 = arith.index_cast %get3A_681 : i32 to index
        %get3A_683 = arith.index_cast %select_n3A_585 : i32 to index
        %get3A_684 = arith.index_cast %mul3A_603 : i32 to index
        %get3A_685 = tpu.vector_load %arg4[%get3A_682, %get3A_683, %get3A_684] {strides = array<i32>} : memref<16x8x128xf32, #tpu.memory_space<vmem>>, vector<1x1x16xf32>,
        %get3A_686 = vector.shape_cast %get3A_685 : vector<1x1x16xf32> to vector<16xf32>
        %get3A_687 = arith.constant 14 : i32
        %get3A_688 = arith.index_cast %get3A_687 : i32 to index
        %get3A_689 = arith.index_cast %select_n3A_585 : i32 to index
        %get3A_690 = arith.index_cast %mul3A_603 : i32 to index
        %get3A_691 = tpu.vector_load %arg4[%get3A_688, %get3A_689, %get3A_690] {strides = array<i32>} : memref<16x8x128xf32, #tpu.memory_space<vmem>>, vector<1x1x16xf32>,
        %get3A_692 = vector.shape_cast %get3A_691 : vector<1x1x16xf32> to vector<16xf32>
        %get3A_693 = arith.constant 15 : i32
        %get3A_694 = arith.index_cast %get3A_693 : i32 to index
        %get3A_695 = arith.index_cast %select_n3A_585 : i32 to index
        %get3A_696 = arith.index_cast %mul3A_603 : i32 to index
        %get3A_697 = tpu.vector_load %arg4[%get3A_694, %get3A_695, %get3A_696] {strides = array<i32>} : memref<16x8x128xf32, #tpu.memory_space<vmem>>, vector<1x1x16xf32>,
        %get3A_698 = vector.shape_cast %get3A_697 : vector<1x1x16xf32> to vector<16xf32>
        %min3A = arith.minimumf %get3A_608, %get3A_614 : vector<16xf32>
        %max3A = arith.maximumf %get3A_608, %get3A_614 : vector<16xf32>
        %min3A_699 = arith.minimumf %get3A_620, %get3A_626 : vector<16xf32>
        %max3A_700 = arith.maximumf %get3A_620, %get3A_626 : vector<16xf32>
        %min3A_701 = arith.minimumf %min3A, %min3A_699 : vector<16xf32>
        %max3A_702 = arith.maximumf %min3A, %min3A_699 : vector<16xf32>
        %min3A_703 = arith.minimumf %max3A, %max3A_700 : vector<16xf32>
        %max3A_704 = arith.maximumf %max3A, %max3A_700 : vector<16xf32>
        %min3A_705 = arith.minimumf %min3A_703, %max3A_702 : vector<16xf32>
        %max3A_706 = arith.maximumf %min3A_703, %max3A_702 : vector<16xf32>
        %min3A_707 = arith.minimumf %get3A_632, %get3A_638 : vector<16xf32>
        %max3A_708 = arith.maximumf %get3A_632, %get3A_638 : vector<16xf32>
        %min3A_709 = arith.minimumf %get3A_644, %get3A_650 : vector<16xf32>
        %max3A_710 = arith.maximumf %get3A_644, %get3A_650 : vector<16xf32>
        %min3A_711 = arith.minimumf %min3A_707, %min3A_709 : vector<16xf32>
        %max3A_712 = arith.maximumf %min3A_707, %min3A_709 : vector<16xf32>
        %min3A_713 = arith.minimumf %max3A_708, %max3A_710 : vector<16xf32>
        %max3A_714 = arith.maximumf %max3A_708, %max3A_710 : vector<16xf32>
        %min3A_715 = arith.minimumf %min3A_713, %max3A_712 : vector<16xf32>
        %max3A_716 = arith.maximumf %min3A_713, %max3A_712 : vector<16xf32>
        %min3A_717 = arith.minimumf %get3A_656, %get3A_662 : vector<16xf32>
        %max3A_718 = arith.maximumf %get3A_656, %get3A_662 : vector<16xf32>
        %min3A_719 = arith.minimumf %get3A_668, %get3A_674 : vector<16xf32>
        %max3A_720 = arith.maximumf %get3A_668, %get3A_674 : vector<16xf32>
        %min3A_721 = arith.minimumf %min3A_717, %min3A_719 : vector<16xf32>
        %max3A_722 = arith.maximumf %min3A_717, %min3A_719 : vector<16xf32>
        %min3A_723 = arith.minimumf %max3A_718, %max3A_720 : vector<16xf32>
        %max3A_724 = arith.maximumf %max3A_718, %max3A_720 : vector<16xf32>
        %min3A_725 = arith.minimumf %min3A_723, %max3A_722 : vector<16xf32>
        %max3A_726 = arith.maximumf %min3A_723, %max3A_722 : vector<16xf32>
        %min3A_727 = arith.minimumf %get3A_680, %get3A_686 : vector<16xf32>
        %max3A_728 = arith.maximumf %get3A_680, %get3A_686 : vector<16xf32>
        %min3A_729 = arith.minimumf %get3A_692, %get3A_698 : vector<16xf32>
        %max3A_730 = arith.maximumf %get3A_692, %get3A_698 : vector<16xf32>
        %min3A_731 = arith.minimumf %min3A_727, %min3A_729 : vector<16xf32>
        %max3A_732 = arith.maximumf %min3A_727, %min3A_729 : vector<16xf32>
        %min3A_733 = arith.minimumf %max3A_728, %max3A_730 : vector<16xf32>
        %max3A_734 = arith.maximumf %max3A_728, %max3A_730 : vector<16xf32>
        %min3A_735 = arith.minimumf %min3A_733, %max3A_732 : vector<16xf32>
        %max3A_736 = arith.maximumf %min3A_733, %max3A_732 : vector<16xf32>
        %max3A_737 = arith.maximumf %min3A_701, %min3A_711 : vector<16xf32>
        %min3A_738 = arith.minimumf %max3A_706, %max3A_716 : vector<16xf32>
        %max3A_739 = arith.maximumf %max3A_706, %max3A_716 : vector<16xf32>
        %max3A_740 = arith.maximumf %min3A_738, %max3A_737 : vector<16xf32>
        %max3A_741 = arith.maximumf %min3A_705, %min3A_715 : vector<16xf32>
        %min3A_742 = arith.minimumf %max3A_704, %max3A_714 : vector<16xf32>
        %max3A_743 = arith.maximumf %max3A_704, %max3A_714 : vector<16xf32>
        %min3A_744 = arith.minimumf %min3A_742, %max3A_741 : vector<16xf32>
        %max3A_745 = arith.maximumf %min3A_742, %max3A_741 : vector<16xf32>
        %min3A_746 = arith.minimumf %min3A_744, %max3A_740 : vector<16xf32>
        %max3A_747 = arith.maximumf %min3A_744, %max3A_740 : vector<16xf32>
        %min3A_748 = arith.minimumf %max3A_745, %max3A_739 : vector<16xf32>
        %max3A_749 = arith.maximumf %max3A_745, %max3A_739 : vector<16xf32>
        %max3A_750 = arith.maximumf %min3A_721, %min3A_731 : vector<16xf32>
        %min3A_751 = arith.minimumf %max3A_726, %max3A_736 : vector<16xf32>
        %max3A_752 = arith.maximumf %max3A_726, %max3A_736 : vector<16xf32>
        %max3A_753 = arith.maximumf %min3A_751, %max3A_750 : vector<16xf32>
        %max3A_754 = arith.maximumf %min3A_725, %min3A_735 : vector<16xf32>
        %min3A_755 = arith.minimumf %max3A_724, %max3A_734 : vector<16xf32>
        %max3A_756 = arith.maximumf %max3A_724, %max3A_734 : vector<16xf32>
        %min3A_757 = arith.minimumf %min3A_755, %max3A_754 : vector<16xf32>
        %max3A_758 = arith.maximumf %min3A_755, %max3A_754 : vector<16xf32>
        %min3A_759 = arith.minimumf %min3A_757, %max3A_753 : vector<16xf32>
        %max3A_760 = arith.maximumf %min3A_757, %max3A_753 : vector<16xf32>
        %min3A_761 = arith.minimumf %max3A_758, %max3A_752 : vector<16xf32>
        %max3A_762 = arith.maximumf %max3A_758, %max3A_752 : vector<16xf32>
        %max3A_763 = arith.maximumf %max3A_743, %min3A_759 : vector<16xf32>
        %max3A_764 = arith.maximumf %max3A_749, %max3A_760 : vector<16xf32>
        %min3A_765 = arith.minimumf %max3A_763, %max3A_764 : vector<16xf32>
        %max3A_766 = arith.maximumf %min3A_748, %min3A_761 : vector<16xf32>
        %min3A_767 = arith.minimumf %min3A_765, %max3A_766 : vector<16xf32>
        %max3A_768 = arith.maximumf %max3A_747, %max3A_762 : vector<16xf32>
        %min3A_769 = arith.minimumf %min3A_767, %max3A_768 : vector<16xf32>
        %max3A_770 = arith.maximumf %min3A_746, %max3A_756 : vector<16xf32>
        %min3A_771 = arith.minimumf %min3A_769, %max3A_770 : vector<16xf32>
        %sub3A_772 = arith.constant 9.99999974E-5 : f32
        %sub3A_773 = vector.broadcast %sub3A_772 : f32 to vector<16xf32>
        %sub3A_774 = arith.subf %min3A_771, %sub3A_773 : vector<16xf32>
        %gt3A = arith.cmpf ogt, %get3A_608, %sub3A_774 : vector<16xf32>
        %jit3A_775 = arith.constant 0.000000e+00 : f32
        %broadcast_in_dim3A = vector.broadcast %jit3A_775 : f32 to vector<16xf32>
        %select_n3A_776 = arith.select %gt3A, %get3A_608, %broadcast_in_dim3A : vector<16xi1>, vector<16xf32>
        %swap3A = arith.constant 0 : i32
        %swap3A_777 = arith.index_cast %swap3A : i32 to index
        %swap3A_778 = arith.index_cast %select_n3A_585 : i32 to index
        %swap3A_779 = arith.index_cast %mul3A_603 : i32 to index
        %swap3A_780 = tpu.vector_load %arg4[%swap3A_777, %swap3A_778, %swap3A_779] {strides = array<i32>} : memref<16x8x128xf32, #tpu.memory_space<vmem>>, vector<1x1x16xf32>,
        %swap3A_781 = vector.shape_cast %swap3A_780 : vector<1x1x16xf32> to vector<16xf32>
        %swap3A_782 = vector.shape_cast %select_n3A_776 : vector<16xf32> to vector<1x1x16xf32>
        tpu.vector_store %arg4[%swap3A_777, %swap3A_778, %swap3A_779], %swap3A_782 {strides = array<i32>} : memref<16x8x128xf32, #tpu.memory_space<vmem>>, vector<1x1x16xf32>,
        %gt3A_783 = arith.cmpf ogt, %get3A_614, %sub3A_774 : vector<16xf32>
        %jit3A_784 = arith.constant 0.000000e+00 : f32
        %broadcast_in_dim3A_785 = vector.broadcast %jit3A_784 : f32 to vector<16xf32>
        %select_n3A_786 = arith.select %gt3A_783, %get3A_614, %broadcast_in_dim3A_785 : vector<16xi1>, vector<16xf32>
        %swap3A_787 = arith.constant 1 : i32
        %swap3A_788 = arith.index_cast %swap3A_787 : i32 to index
        %swap3A_789 = arith.index_cast %select_n3A_585 : i32 to index
        %swap3A_790 = arith.index_cast %mul3A_603 : i32 to index
        %swap3A_791 = tpu.vector_load %arg4[%swap3A_788, %swap3A_789, %swap3A_790] {strides = array<i32>} : memref<16x8x128xf32, #tpu.memory_space<vmem>>, vector<1x1x16xf32>,
        %swap3A_792 = vector.shape_cast %swap3A_791 : vector<1x1x16xf32> to vector<16xf32>
        %swap3A_793 = vector.shape_cast %select_n3A_786 : vector<16xf32> to vector<1x1x16xf32>
        tpu.vector_store %arg4[%swap3A_788, %swap3A_789, %swap3A_790], %swap3A_793 {strides = array<i32>} : memref<16x8x128xf32, #tpu.memory_space<vmem>>, vector<1x1x16xf32>,
        %gt3A_794 = arith.cmpf ogt, %get3A_620, %sub3A_774 : vector<16xf32>
        %jit3A_795 = arith.constant 0.000000e+00 : f32
        %broadcast_in_dim3A_796 = vector.broadcast %jit3A_795 : f32 to vector<16xf32>
        %select_n3A_797 = arith.select %gt3A_794, %get3A_620, %broadcast_in_dim3A_796 : vector<16xi1>, vector<16xf32>
        %swap3A_798 = arith.constant 2 : i32
        %swap3A_799 = arith.index_cast %swap3A_798 : i32 to index
        %swap3A_800 = arith.index_cast %select_n3A_585 : i32 to index
        %swap3A_801 = arith.index_cast %mul3A_603 : i32 to index
        %swap3A_802 = tpu.vector_load %arg4[%swap3A_799, %swap3A_800, %swap3A_801] {strides = array<i32>} : memref<16x8x128xf32, #tpu.memory_space<vmem>>, vector<1x1x16xf32>,
        %swap3A_803 = vector.shape_cast %swap3A_802 : vector<1x1x16xf32> to vector<16xf32>
        %swap3A_804 = vector.shape_cast %select_n3A_797 : vector<16xf32> to vector<1x1x16xf32>
        tpu.vector_store %arg4[%swap3A_799, %swap3A_800, %swap3A_801], %swap3A_804 {strides = array<i32>} : memref<16x8x128xf32, #tpu.memory_space<vmem>>, vector<1x1x16xf32>,
        %gt3A_805 = arith.cmpf ogt, %get3A_626, %sub3A_774 : vector<16xf32>
        %jit3A_806 = arith.constant 0.000000e+00 : f32
        %broadcast_in_dim3A_807 = vector.broadcast %jit3A_806 : f32 to vector<16xf32>
        %select_n3A_808 = arith.select %gt3A_805, %get3A_626, %broadcast_in_dim3A_807 : vector<16xi1>, vector<16xf32>
        %swap3A_809 = arith.constant 3 : i32
        %swap3A_810 = arith.index_cast %swap3A_809 : i32 to index
        %swap3A_811 = arith.index_cast %select_n3A_585 : i32 to index
        %swap3A_812 = arith.index_cast %mul3A_603 : i32 to index
        %swap3A_813 = tpu.vector_load %arg4[%swap3A_810, %swap3A_811, %swap3A_812] {strides = array<i32>} : memref<16x8x128xf32, #tpu.memory_space<vmem>>, vector<1x1x16xf32>,
        %swap3A_814 = vector.shape_cast %swap3A_813 : vector<1x1x16xf32> to vector<16xf32>
        %swap3A_815 = vector.shape_cast %select_n3A_808 : vector<16xf32> to vector<1x1x16xf32>
        tpu.vector_store %arg4[%swap3A_810, %swap3A_811, %swap3A_812], %swap3A_815 {strides = array<i32>} : memref<16x8x128xf32, #tpu.memory_space<vmem>>, vector<1x1x16xf32>,
        %gt3A_816 = arith.cmpf ogt, %get3A_632, %sub3A_774 : vector<16xf32>
        %jit3A_817 = arith.constant 0.000000e+00 : f32
        %broadcast_in_dim3A_818 = vector.broadcast %jit3A_817 : f32 to vector<16xf32>
        %select_n3A_819 = arith.select %gt3A_816, %get3A_632, %broadcast_in_dim3A_818 : vector<16xi1>, vector<16xf32>
        %swap3A_820 = arith.constant 4 : i32
        %swap3A_821 = arith.index_cast %swap3A_820 : i32 to index
        %swap3A_822 = arith.index_cast %select_n3A_585 : i32 to index
        %swap3A_823 = arith.index_cast %mul3A_603 : i32 to index
        %swap3A_824 = tpu.vector_load %arg4[%swap3A_821, %swap3A_822, %swap3A_823] {strides = array<i32>} : memref<16x8x128xf32, #tpu.memory_space<vmem>>, vector<1x1x16xf32>,
        %swap3A_825 = vector.shape_cast %swap3A_824 : vector<1x1x16xf32> to vector<16xf32>
        %swap3A_826 = vector.shape_cast %select_n3A_819 : vector<16xf32> to vector<1x1x16xf32>
        tpu.vector_store %arg4[%swap3A_821, %swap3A_822, %swap3A_823], %swap3A_826 {strides = array<i32>} : memref<16x8x128xf32, #tpu.memory_space<vmem>>, vector<1x1x16xf32>,
        %gt3A_827 = arith.cmpf ogt, %get3A_638, %sub3A_774 : vector<16xf32>
        %jit3A_828 = arith.constant 0.000000e+00 : f32
        %broadcast_in_dim3A_829 = vector.broadcast %jit3A_828 : f32 to vector<16xf32>
        %select_n3A_830 = arith.select %gt3A_827, %get3A_638, %broadcast_in_dim3A_829 : vector<16xi1>, vector<16xf32>
        %swap3A_831 = arith.constant 5 : i32
        %swap3A_832 = arith.index_cast %swap3A_831 : i32 to index
        %swap3A_833 = arith.index_cast %select_n3A_585 : i32 to index
        %swap3A_834 = arith.index_cast %mul3A_603 : i32 to index
        %swap3A_835 = tpu.vector_load %arg4[%swap3A_832, %swap3A_833, %swap3A_834] {strides = array<i32>} : memref<16x8x128xf32, #tpu.memory_space<vmem>>, vector<1x1x16xf32>,
        %swap3A_836 = vector.shape_cast %swap3A_835 : vector<1x1x16xf32> to vector<16xf32>
        %swap3A_837 = vector.shape_cast %select_n3A_830 : vector<16xf32> to vector<1x1x16xf32>
        tpu.vector_store %arg4[%swap3A_832, %swap3A_833, %swap3A_834], %swap3A_837 {strides = array<i32>} : memref<16x8x128xf32, #tpu.memory_space<vmem>>, vector<1x1x16xf32>,
        %gt3A_838 = arith.cmpf ogt, %get3A_644, %sub3A_774 : vector<16xf32>
        %jit3A_839 = arith.constant 0.000000e+00 : f32
        %broadcast_in_dim3A_840 = vector.broadcast %jit3A_839 : f32 to vector<16xf32>
        %select_n3A_841 = arith.select %gt3A_838, %get3A_644, %broadcast_in_dim3A_840 : vector<16xi1>, vector<16xf32>
        %swap3A_842 = arith.constant 6 : i32
        %swap3A_843 = arith.index_cast %swap3A_842 : i32 to index
        %swap3A_844 = arith.index_cast %select_n3A_585 : i32 to index
        %swap3A_845 = arith.index_cast %mul3A_603 : i32 to index
        %swap3A_846 = tpu.vector_load %arg4[%swap3A_843, %swap3A_844, %swap3A_845] {strides = array<i32>} : memref<16x8x128xf32, #tpu.memory_space<vmem>>, vector<1x1x16xf32>,
        %swap3A_847 = vector.shape_cast %swap3A_846 : vector<1x1x16xf32> to vector<16xf32>
        %swap3A_848 = vector.shape_cast %select_n3A_841 : vector<16xf32> to vector<1x1x16xf32>
        tpu.vector_store %arg4[%swap3A_843, %swap3A_844, %swap3A_845], %swap3A_848 {strides = array<i32>} : memref<16x8x128xf32, #tpu.memory_space<vmem>>, vector<1x1x16xf32>,
        %gt3A_849 = arith.cmpf ogt, %get3A_650, %sub3A_774 : vector<16xf32>
        %jit3A_850 = arith.constant 0.000000e+00 : f32
        %broadcast_in_dim3A_851 = vector.broadcast %jit3A_850 : f32 to vector<16xf32>
        %select_n3A_852 = arith.select %gt3A_849, %get3A_650, %broadcast_in_dim3A_851 : vector<16xi1>, vector<16xf32>
        %swap3A_853 = arith.constant 7 : i32
        %swap3A_854 = arith.index_cast %swap3A_853 : i32 to index
        %swap3A_855 = arith.index_cast %select_n3A_585 : i32 to index
        %swap3A_856 = arith.index_cast %mul3A_603 : i32 to index
        %swap3A_857 = tpu.vector_load %arg4[%swap3A_854, %swap3A_855, %swap3A_856] {strides = array<i32>} : memref<16x8x128xf32, #tpu.memory_space<vmem>>, vector<1x1x16xf32>,
        %swap3A_858 = vector.shape_cast %swap3A_857 : vector<1x1x16xf32> to vector<16xf32>
        %swap3A_859 = vector.shape_cast %select_n3A_852 : vector<16xf32> to vector<1x1x16xf32>
        tpu.vector_store %arg4[%swap3A_854, %swap3A_855, %swap3A_856], %swap3A_859 {strides = array<i32>} : memref<16x8x128xf32, #tpu.memory_space<vmem>>, vector<1x1x16xf32>,
        %gt3A_860 = arith.cmpf ogt, %get3A_656, %sub3A_774 : vector<16xf32>
        %jit3A_861 = arith.constant 0.000000e+00 : f32
        %broadcast_in_dim3A_862 = vector.broadcast %jit3A_861 : f32 to vector<16xf32>
        %select_n3A_863 = arith.select %gt3A_860, %get3A_656, %broadcast_in_dim3A_862 : vector<16xi1>, vector<16xf32>
        %swap3A_864 = arith.constant 8 : i32
        %swap3A_865 = arith.index_cast %swap3A_864 : i32 to index
        %swap3A_866 = arith.index_cast %select_n3A_585 : i32 to index
        %swap3A_867 = arith.index_cast %mul3A_603 : i32 to index
        %swap3A_868 = tpu.vector_load %arg4[%swap3A_865, %swap3A_866, %swap3A_867] {strides = array<i32>} : memref<16x8x128xf32, #tpu.memory_space<vmem>>, vector<1x1x16xf32>,
        %swap3A_869 = vector.shape_cast %swap3A_868 : vector<1x1x16xf32> to vector<16xf32>
        %swap3A_870 = vector.shape_cast %select_n3A_863 : vector<16xf32> to vector<1x1x16xf32>
        tpu.vector_store %arg4[%swap3A_865, %swap3A_866, %swap3A_867], %swap3A_870 {strides = array<i32>} : memref<16x8x128xf32, #tpu.memory_space<vmem>>, vector<1x1x16xf32>,
        %gt3A_871 = arith.cmpf ogt, %get3A_662, %sub3A_774 : vector<16xf32>
        %jit3A_872 = arith.constant 0.000000e+00 : f32
        %broadcast_in_dim3A_873 = vector.broadcast %jit3A_872 : f32 to vector<16xf32>
        %select_n3A_874 = arith.select %gt3A_871, %get3A_662, %broadcast_in_dim3A_873 : vector<16xi1>, vector<16xf32>
        %swap3A_875 = arith.constant 9 : i32
        %swap3A_876 = arith.index_cast %swap3A_875 : i32 to index
        %swap3A_877 = arith.index_cast %select_n3A_585 : i32 to index
        %swap3A_878 = arith.index_cast %mul3A_603 : i32 to index
        %swap3A_879 = tpu.vector_load %arg4[%swap3A_876, %swap3A_877, %swap3A_878] {strides = array<i32>} : memref<16x8x128xf32, #tpu.memory_space<vmem>>, vector<1x1x16xf32>,
        %swap3A_880 = vector.shape_cast %swap3A_879 : vector<1x1x16xf32> to vector<16xf32>
        %swap3A_881 = vector.shape_cast %select_n3A_874 : vector<16xf32> to vector<1x1x16xf32>
        tpu.vector_store %arg4[%swap3A_876, %swap3A_877, %swap3A_878], %swap3A_881 {strides = array<i32>} : memref<16x8x128xf32, #tpu.memory_space<vmem>>, vector<1x1x16xf32>,
        %gt3A_882 = arith.cmpf ogt, %get3A_668, %sub3A_774 : vector<16xf32>
        %jit3A_883 = arith.constant 0.000000e+00 : f32
        %broadcast_in_dim3A_884 = vector.broadcast %jit3A_883 : f32 to vector<16xf32>
        %select_n3A_885 = arith.select %gt3A_882, %get3A_668, %broadcast_in_dim3A_884 : vector<16xi1>, vector<16xf32>
        %swap3A_886 = arith.constant 10 : i32
        %swap3A_887 = arith.index_cast %swap3A_886 : i32 to index
        %swap3A_888 = arith.index_cast %select_n3A_585 : i32 to index
        %swap3A_889 = arith.index_cast %mul3A_603 : i32 to index
        %swap3A_890 = tpu.vector_load %arg4[%swap3A_887, %swap3A_888, %swap3A_889] {strides = array<i32>} : memref<16x8x128xf32, #tpu.memory_space<vmem>>, vector<1x1x16xf32>,
        %swap3A_891 = vector.shape_cast %swap3A_890 : vector<1x1x16xf32> to vector<16xf32>
        %swap3A_892 = vector.shape_cast %select_n3A_885 : vector<16xf32> to vector<1x1x16xf32>
        tpu.vector_store %arg4[%swap3A_887, %swap3A_888, %swap3A_889], %swap3A_892 {strides = array<i32>} : memref<16x8x128xf32, #tpu.memory_space<vmem>>, vector<1x1x16xf32>,
        %gt3A_893 = arith.cmpf ogt, %get3A_674, %sub3A_774 : vector<16xf32>
        %jit3A_894 = arith.constant 0.000000e+00 : f32
        %broadcast_in_dim3A_895 = vector.broadcast %jit3A_894 : f32 to vector<16xf32>
        %select_n3A_896 = arith.select %gt3A_893, %get3A_674, %broadcast_in_dim3A_895 : vector<16xi1>, vector<16xf32>
        %swap3A_897 = arith.constant 11 : i32
        %swap3A_898 = arith.index_cast %swap3A_897 : i32 to index
        %swap3A_899 = arith.index_cast %select_n3A_585 : i32 to index
        %swap3A_900 = arith.index_cast %mul3A_603 : i32 to index
        %swap3A_901 = tpu.vector_load %arg4[%swap3A_898, %swap3A_899, %swap3A_900] {strides = array<i32>} : memref<16x8x128xf32, #tpu.memory_space<vmem>>, vector<1x1x16xf32>,
        %swap3A_902 = vector.shape_cast %swap3A_901 : vector<1x1x16xf32> to vector<16xf32>
        %swap3A_903 = vector.shape_cast %select_n3A_896 : vector<16xf32> to vector<1x1x16xf32>
        tpu.vector_store %arg4[%swap3A_898, %swap3A_899, %swap3A_900], %swap3A_903 {strides = array<i32>} : memref<16x8x128xf32, #tpu.memory_space<vmem>>, vector<1x1x16xf32>,
        %gt3A_904 = arith.cmpf ogt, %get3A_680, %sub3A_774 : vector<16xf32>
        %jit3A_905 = arith.constant 0.000000e+00 : f32
        %broadcast_in_dim3A_906 = vector.broadcast %jit3A_905 : f32 to vector<16xf32>
        %select_n3A_907 = arith.select %gt3A_904, %get3A_680, %broadcast_in_dim3A_906 : vector<16xi1>, vector<16xf32>
        %swap3A_908 = arith.constant 12 : i32
        %swap3A_909 = arith.index_cast %swap3A_908 : i32 to index
        %swap3A_910 = arith.index_cast %select_n3A_585 : i32 to index
        %swap3A_911 = arith.index_cast %mul3A_603 : i32 to index
        %swap3A_912 = tpu.vector_load %arg4[%swap3A_909, %swap3A_910, %swap3A_911] {strides = array<i32>} : memref<16x8x128xf32, #tpu.memory_space<vmem>>, vector<1x1x16xf32>,
        %swap3A_913 = vector.shape_cast %swap3A_912 : vector<1x1x16xf32> to vector<16xf32>
        %swap3A_914 = vector.shape_cast %select_n3A_907 : vector<16xf32> to vector<1x1x16xf32>
        tpu.vector_store %arg4[%swap3A_909, %swap3A_910, %swap3A_911], %swap3A_914 {strides = array<i32>} : memref<16x8x128xf32, #tpu.memory_space<vmem>>, vector<1x1x16xf32>,
        %gt3A_915 = arith.cmpf ogt, %get3A_686, %sub3A_774 : vector<16xf32>
        %jit3A_916 = arith.constant 0.000000e+00 : f32
        %broadcast_in_dim3A_917 = vector.broadcast %jit3A_916 : f32 to vector<16xf32>
        %select_n3A_918 = arith.select %gt3A_915, %get3A_686, %broadcast_in_dim3A_917 : vector<16xi1>, vector<16xf32>
        %swap3A_919 = arith.constant 13 : i32
        %swap3A_920 = arith.index_cast %swap3A_919 : i32 to index
        %swap3A_921 = arith.index_cast %select_n3A_585 : i32 to index
        %swap3A_922 = arith.index_cast %mul3A_603 : i32 to index
        %swap3A_923 = tpu.vector_load %arg4[%swap3A_920, %swap3A_921, %swap3A_922] {strides = array<i32>} : memref<16x8x128xf32, #tpu.memory_space<vmem>>, vector<1x1x16xf32>,
        %swap3A_924 = vector.shape_cast %swap3A_923 : vector<1x1x16xf32> to vector<16xf32>
        %swap3A_925 = vector.shape_cast %select_n3A_918 : vector<16xf32> to vector<1x1x16xf32>
        tpu.vector_store %arg4[%swap3A_920, %swap3A_921, %swap3A_922], %swap3A_925 {strides = array<i32>} : memref<16x8x128xf32, #tpu.memory_space<vmem>>, vector<1x1x16xf32>,
        %gt3A_926 = arith.cmpf ogt, %get3A_692, %sub3A_774 : vector<16xf32>
        %jit3A_927 = arith.constant 0.000000e+00 : f32
        %broadcast_in_dim3A_928 = vector.broadcast %jit3A_927 : f32 to vector<16xf32>
        %select_n3A_929 = arith.select %gt3A_926, %get3A_692, %broadcast_in_dim3A_928 : vector<16xi1>, vector<16xf32>
        %swap3A_930 = arith.constant 14 : i32
        %swap3A_931 = arith.index_cast %swap3A_930 : i32 to index
        %swap3A_932 = arith.index_cast %select_n3A_585 : i32 to index
        %swap3A_933 = arith.index_cast %mul3A_603 : i32 to index
        %swap3A_934 = tpu.vector_load %arg4[%swap3A_931, %swap3A_932, %swap3A_933] {strides = array<i32>} : memref<16x8x128xf32, #tpu.memory_space<vmem>>, vector<1x1x16xf32>,
        %swap3A_935 = vector.shape_cast %swap3A_934 : vector<1x1x16xf32> to vector<16xf32>
        %swap3A_936 = vector.shape_cast %select_n3A_929 : vector<16xf32> to vector<1x1x16xf32>
        tpu.vector_store %arg4[%swap3A_931, %swap3A_932, %swap3A_933], %swap3A_936 {strides = array<i32>} : memref<16x8x128xf32, #tpu.memory_space<vmem>>, vector<1x1x16xf32>,
        %gt3A_937 = arith.cmpf ogt, %get3A_698, %sub3A_774 : vector<16xf32>
        %jit3A_938 = arith.constant 0.000000e+00 : f32
        %broadcast_in_dim3A_939 = vector.broadcast %jit3A_938 : f32 to vector<16xf32>
        %select_n3A_940 = arith.select %gt3A_937, %get3A_698, %broadcast_in_dim3A_939 : vector<16xi1>, vector<16xf32>
        %swap3A_941 = arith.constant 15 : i32
        %swap3A_942 = arith.index_cast %swap3A_941 : i32 to index
        %swap3A_943 = arith.index_cast %select_n3A_585 : i32 to index
        %swap3A_944 = arith.index_cast %mul3A_603 : i32 to index
        %swap3A_945 = tpu.vector_load %arg4[%swap3A_942, %swap3A_943, %swap3A_944] {strides = array<i32>} : memref<16x8x128xf32, #tpu.memory_space<vmem>>, vector<1x1x16xf32>,
        %swap3A_946 = vector.shape_cast %swap3A_945 : vector<1x1x16xf32> to vector<16xf32>
        %swap3A_947 = vector.shape_cast %select_n3A_940 : vector<16xf32> to vector<1x1x16xf32>
        tpu.vector_store %arg4[%swap3A_942, %swap3A_943, %swap3A_944], %swap3A_947 {strides = array<i32>} : memref<16x8x128xf32, #tpu.memory_space<vmem>>, vector<1x1x16xf32>,
      }
      %scan3A_152 = arith.constant 64 : i32
      %jit3A_153 = arith.constant 16 : i32
      %div3A_154 = arith.divsi %add3A_90, %jit3A_153 : i32
      %sign3A_155 = arith.constant 0 : i32
      %sign3A_156 = arith.cmpi sgt, %add3A_90, %sign3A_155 : i32
      %sign3A_157 = arith.extui %sign3A_156 : i1 to i32
      %sign3A_158 = arith.constant 0 : i32
      %sign3A_159 = arith.cmpi slt, %add3A_90, %sign3A_158 : i32
      %sign3A_160 = arith.extui %sign3A_159 : i1 to i32
      %sign3A_161 = arith.subi %sign3A_157, %sign3A_160 : i32
      %sign3A_162 = arith.constant 0 : i32
      %sign3A_163 = arith.cmpi sgt, %jit3A_153, %sign3A_162 : i32
      %sign3A_164 = arith.extui %sign3A_163 : i1 to i32
      %sign3A_165 = arith.constant 0 : i32
      %sign3A_166 = arith.cmpi slt, %jit3A_153, %sign3A_165 : i32
      %sign3A_167 = arith.extui %sign3A_166 : i1 to i32
      %sign3A_168 = arith.subi %sign3A_164, %sign3A_167 : i32
      %ne3A_169 = arith.cmpi ne, %sign3A_161, %sign3A_168 : i32
      %rem3A_170 = arith.remsi %add3A_90, %jit3A_153 : i32
      %ne3A_171 = arith.constant 0 : i32
      %ne3A_172 = arith.cmpi ne, %rem3A_170, %ne3A_171 : i32
      %and3A_173 = arith.andi %ne3A_169, %ne3A_172 : i1
      %sub3A_174 = arith.constant 1 : i32
      %sub3A_175 = arith.subi %div3A_154, %sub3A_174 : i32
      %select_n3A_176 = arith.select %and3A_173, %sub3A_175, %div3A_154 : i32
      %jit3A_177 = arith.constant 16 : i32
      %eq3A_178 = arith.constant 0 : i32
      %eq3A_179 = arith.cmpi eq, %jit3A_177, %eq3A_178 : i32
      %jit3A_180 = arith.constant 1 : i32
      %select_n3A_181 = arith.select %eq3A_179, %jit3A_180, %jit3A_177 : i32
      %rem3A_182 = arith.remsi %add3A_90, %select_n3A_181 : i32
      %ne3A_183 = arith.constant 0 : i32
      %ne3A_184 = arith.cmpi ne, %rem3A_182, %ne3A_183 : i32
      %lt3A_185 = arith.constant 0 : i32
      %lt3A_186 = arith.cmpi slt, %rem3A_182, %lt3A_185 : i32
      %lt3A_187 = arith.constant 0 : i32
      %lt3A_188 = arith.cmpi slt, %select_n3A_181, %lt3A_187 : i32
      %ne3A_189 = arith.xori %lt3A_186, %lt3A_188 : i1
      %and3A_190 = arith.andi %ne3A_189, %ne3A_184 : i1
      %add3A_191 = arith.addi %rem3A_182, %select_n3A_181 : i32
      %select_n3A_192 = arith.select %and3A_190, %add3A_191, %rem3A_182 : i32
      %mul3A_193 = arith.constant 8 : i32
      %mul3A_194 = arith.muli %select_n3A_176, %mul3A_193 : i32
      %add3A_195 = arith.addi %select_n3A_32, %mul3A_194 : i32
      %mul3A_196 = arith.constant 128 : i32
      %mul3A_197 = arith.muli %select_n3A_192, %mul3A_196 : i32
      %dma_start3A_198 = arith.constant 0 : i32
      %dma_start3A_199 = tpu.memref_slice %arg3[%select_n3A, %dma_start3A_198, %add3A_195, %mul3A_197] : memref<2x16x512x2048xf32, #tpu.memory_space<hbm>> -> memref<1x16x8x128xf32, #tpu.memory_space<hbm>>
      %dma_start3A_200 = tpu.memref_squeeze %dma_start3A_199 : memref<1x16x8x128xf32, #tpu.memory_space<hbm>> -> memref<16x8x128xf32, #tpu.memory_space<hbm>>
      %dma_start3A_201 = arith.constant 0 : i32
      %dma_start3A_202 = tpu.memref_slice %arg3[%select_n3A, %dma_start3A_201, %add3A_195, %mul3A_197] : memref<2x16x512x2048xf32, #tpu.memory_space<hbm>> -> memref<1x16x8x128xf32, #tpu.memory_space<hbm>>
      %dma_start3A_203 = tpu.memref_squeeze %dma_start3A_202 : memref<1x16x8x128xf32, #tpu.memory_space<hbm>> -> memref<16x8x128xf32, #tpu.memory_space<hbm>>
      tpu.enqueue_dma source(%arg4 : memref<16x8x128xf32, #tpu.memory_space<vmem>>) target(%dma_start3A_203 : memref<16x8x128xf32, #tpu.memory_space<hbm>>) target_semaphore(%arg12 : memref<!tpu.dma_semaphore, #tpu.memory_space<semaphore_mem>>)
      %mul3A_204 = arith.constant 4 : i32
      %mul3A_205 = arith.muli %scan3A_86, %mul3A_204 : i32
      %add3A_206 = arith.constant 1 : i32
      %add3A_207 = arith.addi %mul3A_205, %add3A_206 : i32
      %add3A_208 = arith.constant 1 : i32
      %add3A_209 = arith.addi %add3A_207, %add3A_208 : i32
      %lt3A_210 = arith.constant 64 : i32
      %lt3A_211 = arith.cmpi slt, %add3A_209, %lt3A_210 : i32
      %convert_element_type3A_212 = arith.extui %lt3A_211 : i1 to i32
      %cond3A_213 = arith.constant 0 : i32
      %cond3A_214 = arith.cmpi ne, %convert_element_type3A_212, %cond3A_213 : i32
      scf.if %cond3A_214 {
        %ge3A = arith.constant 4 : i32
        %ge3A_561 = arith.cmpi sge, %add3A_209, %ge3A : i32
        %convert_element_type3A_562 = arith.extui %ge3A_561 : i1 to i32
        %cond3A_563 = arith.constant 0 : i32
        %cond3A_564 = arith.cmpi ne, %convert_element_type3A_562, %cond3A_563 : i32
        scf.if %cond3A_564 {
          %sub3A_616 = arith.constant 4 : i32
          %sub3A_617 = arith.subi %add3A_209, %sub3A_616 : i32
          %jit3A_618 = arith.constant 16 : i32
          %div3A_619 = arith.divsi %sub3A_617, %jit3A_618 : i32
          %sign3A_620 = arith.constant 0 : i32
          %sign3A_621 = arith.cmpi sgt, %sub3A_617, %sign3A_620 : i32
          %sign3A_622 = arith.extui %sign3A_621 : i1 to i32
          %sign3A_623 = arith.constant 0 : i32
          %sign3A_624 = arith.cmpi slt, %sub3A_617, %sign3A_623 : i32
          %sign3A_625 = arith.extui %sign3A_624 : i1 to i32
          %sign3A_626 = arith.subi %sign3A_622, %sign3A_625 : i32
          %sign3A_627 = arith.constant 0 : i32
          %sign3A_628 = arith.cmpi sgt, %jit3A_618, %sign3A_627 : i32
          %sign3A_629 = arith.extui %sign3A_628 : i1 to i32
          %sign3A_630 = arith.constant 0 : i32
          %sign3A_631 = arith.cmpi slt, %jit3A_618, %sign3A_630 : i32
          %sign3A_632 = arith.extui %sign3A_631 : i1 to i32
          %sign3A_633 = arith.subi %sign3A_629, %sign3A_632 : i32
          %ne3A_634 = arith.cmpi ne, %sign3A_626, %sign3A_633 : i32
          %rem3A_635 = arith.remsi %sub3A_617, %jit3A_618 : i32
          %ne3A_636 = arith.constant 0 : i32
          %ne3A_637 = arith.cmpi ne, %rem3A_635, %ne3A_636 : i32
          %and3A_638 = arith.andi %ne3A_634, %ne3A_637 : i1
          %sub3A_639 = arith.constant 1 : i32
          %sub3A_640 = arith.subi %div3A_619, %sub3A_639 : i32
          %select_n3A_641 = arith.select %and3A_638, %sub3A_640, %div3A_619 : i32
          %jit3A_642 = arith.constant 16 : i32
          %eq3A_643 = arith.constant 0 : i32
          %eq3A_644 = arith.cmpi eq, %jit3A_642, %eq3A_643 : i32
          %jit3A_645 = arith.constant 1 : i32
          %select_n3A_646 = arith.select %eq3A_644, %jit3A_645, %jit3A_642 : i32
          %rem3A_647 = arith.remsi %sub3A_617, %select_n3A_646 : i32
          %ne3A_648 = arith.constant 0 : i32
          %ne3A_649 = arith.cmpi ne, %rem3A_647, %ne3A_648 : i32
          %lt3A_650 = arith.constant 0 : i32
          %lt3A_651 = arith.cmpi slt, %rem3A_647, %lt3A_650 : i32
          %lt3A_652 = arith.constant 0 : i32
          %lt3A_653 = arith.cmpi slt, %select_n3A_646, %lt3A_652 : i32
          %ne3A_654 = arith.xori %lt3A_651, %lt3A_653 : i1
          %and3A_655 = arith.andi %ne3A_654, %ne3A_649 : i1
          %add3A_656 = arith.addi %rem3A_647, %select_n3A_646 : i32
          %select_n3A_657 = arith.select %and3A_655, %add3A_656, %rem3A_647 : i32
          %mul3A_658 = arith.constant 8 : i32
          %mul3A_659 = arith.muli %select_n3A_641, %mul3A_658 : i32
          %add3A_660 = arith.addi %select_n3A_32, %mul3A_659 : i32
          %mul3A_661 = arith.constant 128 : i32
          %mul3A_662 = arith.muli %select_n3A_657, %mul3A_661 : i32
          %dma_wait3A_663 = arith.constant 0 : i32
          %dma_wait3A_664 = tpu.memref_slice %arg3[%select_n3A, %dma_wait3A_663, %add3A_660, %mul3A_662] : memref<2x16x512x2048xf32, #tpu.memory_space<hbm>> -> memref<1x16x8x128xf32, #tpu.memory_space<hbm>>
          %dma_wait3A_665 = tpu.memref_squeeze %dma_wait3A_664 : memref<1x16x8x128xf32, #tpu.memory_space<hbm>> -> memref<16x8x128xf32, #tpu.memory_space<hbm>>
          %dma_wait3A_666 = arith.constant 0 : i32
          %dma_wait3A_667 = tpu.memref_slice %arg3[%select_n3A, %dma_wait3A_666, %add3A_660, %mul3A_662] : memref<2x16x512x2048xf32, #tpu.memory_space<hbm>> -> memref<1x16x8x128xf32, #tpu.memory_space<hbm>>
          %dma_wait3A_668 = tpu.memref_squeeze %dma_wait3A_667 : memref<1x16x8x128xf32, #tpu.memory_space<hbm>> -> memref<16x8x128xf32, #tpu.memory_space<hbm>>
          tpu.wait_dma2 semaphore(%arg14 : memref<!tpu.dma_semaphore, #tpu.memory_space<semaphore_mem>>) src(%arg6 : memref<16x8x128xf32, #tpu.memory_space<vmem>>) dst(%dma_wait3A_668 : memref<16x8x128xf32, #tpu.memory_space<hbm>>)
        } else {
        }
        %jit3A_565 = arith.constant 16 : i32
        %div3A_566 = arith.divsi %add3A_209, %jit3A_565 : i32
        %sign3A_567 = arith.constant 0 : i32
        %sign3A_568 = arith.cmpi sgt, %add3A_209, %sign3A_567 : i32
        %sign3A_569 = arith.extui %sign3A_568 : i1 to i32
        %sign3A_570 = arith.constant 0 : i32
        %sign3A_571 = arith.cmpi slt, %add3A_209, %sign3A_570 : i32
        %sign3A_572 = arith.extui %sign3A_571 : i1 to i32
        %sign3A_573 = arith.subi %sign3A_569, %sign3A_572 : i32
        %sign3A_574 = arith.constant 0 : i32
        %sign3A_575 = arith.cmpi sgt, %jit3A_565, %sign3A_574 : i32
        %sign3A_576 = arith.extui %sign3A_575 : i1 to i32
        %sign3A_577 = arith.constant 0 : i32
        %sign3A_578 = arith.cmpi slt, %jit3A_565, %sign3A_577 : i32
        %sign3A_579 = arith.extui %sign3A_578 : i1 to i32
        %sign3A_580 = arith.subi %sign3A_576, %sign3A_579 : i32
        %ne3A_581 = arith.cmpi ne, %sign3A_573, %sign3A_580 : i32
        %rem3A_582 = arith.remsi %add3A_209, %jit3A_565 : i32
        %ne3A_583 = arith.constant 0 : i32
        %ne3A_584 = arith.cmpi ne, %rem3A_582, %ne3A_583 : i32
        %and3A_585 = arith.andi %ne3A_581, %ne3A_584 : i1
        %sub3A_586 = arith.constant 1 : i32
        %sub3A_587 = arith.subi %div3A_566, %sub3A_586 : i32
        %select_n3A_588 = arith.select %and3A_585, %sub3A_587, %div3A_566 : i32
        %jit3A_589 = arith.constant 16 : i32
        %eq3A_590 = arith.constant 0 : i32
        %eq3A_591 = arith.cmpi eq, %jit3A_589, %eq3A_590 : i32
        %jit3A_592 = arith.constant 1 : i32
        %select_n3A_593 = arith.select %eq3A_591, %jit3A_592, %jit3A_589 : i32
        %rem3A_594 = arith.remsi %add3A_209, %select_n3A_593 : i32
        %ne3A_595 = arith.constant 0 : i32
        %ne3A_596 = arith.cmpi ne, %rem3A_594, %ne3A_595 : i32
        %lt3A_597 = arith.constant 0 : i32
        %lt3A_598 = arith.cmpi slt, %rem3A_594, %lt3A_597 : i32
        %lt3A_599 = arith.constant 0 : i32
        %lt3A_600 = arith.cmpi slt, %select_n3A_593, %lt3A_599 : i32
        %ne3A_601 = arith.xori %lt3A_598, %lt3A_600 : i1
        %and3A_602 = arith.andi %ne3A_601, %ne3A_596 : i1
        %add3A_603 = arith.addi %rem3A_594, %select_n3A_593 : i32
        %select_n3A_604 = arith.select %and3A_602, %add3A_603, %rem3A_594 : i32
        %mul3A_605 = arith.constant 8 : i32
        %mul3A_606 = arith.muli %select_n3A_588, %mul3A_605 : i32
        %add3A_607 = arith.addi %select_n3A_32, %mul3A_606 : i32
        %mul3A_608 = arith.constant 128 : i32
        %mul3A_609 = arith.muli %select_n3A_604, %mul3A_608 : i32
        %dma_start3A_610 = arith.constant 0 : i32
        %dma_start3A_611 = tpu.memref_slice %arg2[%select_n3A, %dma_start3A_610, %add3A_607, %mul3A_609] : memref<2x16x512x2048xf32, #tpu.memory_space<hbm>> -> memref<1x16x8x128xf32, #tpu.memory_space<hbm>>
        %dma_start3A_612 = tpu.memref_squeeze %dma_start3A_611 : memref<1x16x8x128xf32, #tpu.memory_space<hbm>> -> memref<16x8x128xf32, #tpu.memory_space<hbm>>
        %dma_start3A_613 = arith.constant 0 : i32
        %dma_start3A_614 = tpu.memref_slice %arg2[%select_n3A, %dma_start3A_613, %add3A_607, %mul3A_609] : memref<2x16x512x2048xf32, #tpu.memory_space<hbm>> -> memref<1x16x8x128xf32, #tpu.memory_space<hbm>>
        %dma_start3A_615 = tpu.memref_squeeze %dma_start3A_614 : memref<1x16x8x128xf32, #tpu.memory_space<hbm>> -> memref<16x8x128xf32, #tpu.memory_space<hbm>>
        tpu.enqueue_dma source(%dma_start3A_615 : memref<16x8x128xf32, #tpu.memory_space<hbm>>) target(%arg6 : memref<16x8x128xf32, #tpu.memory_space<vmem>>) target_semaphore(%arg10 : memref<!tpu.dma_semaphore, #tpu.memory_space<semaphore_mem>>)
      } else {
      }
      %jit3A_215 = arith.constant 16 : i32
      %div3A_216 = arith.divsi %add3A_207, %jit3A_215 : i32
      %sign3A_217 = arith.constant 0 : i32
      %sign3A_218 = arith.cmpi sgt, %add3A_207, %sign3A_217 : i32
      %sign3A_219 = arith.extui %sign3A_218 : i1 to i32
      %sign3A_220 = arith.constant 0 : i32
      %sign3A_221 = arith.cmpi slt, %add3A_207, %sign3A_220 : i32
      %sign3A_222 = arith.extui %sign3A_221 : i1 to i32
      %sign3A_223 = arith.subi %sign3A_219, %sign3A_222 : i32
      %sign3A_224 = arith.constant 0 : i32
      %sign3A_225 = arith.cmpi sgt, %jit3A_215, %sign3A_224 : i32
      %sign3A_226 = arith.extui %sign3A_225 : i1 to i32
      %sign3A_227 = arith.constant 0 : i32
      %sign3A_228 = arith.cmpi slt, %jit3A_215, %sign3A_227 : i32
      %sign3A_229 = arith.extui %sign3A_228 : i1 to i32
      %sign3A_230 = arith.subi %sign3A_226, %sign3A_229 : i32
      %ne3A_231 = arith.cmpi ne, %sign3A_223, %sign3A_230 : i32
      %rem3A_232 = arith.remsi %add3A_207, %jit3A_215 : i32
      %ne3A_233 = arith.constant 0 : i32
      %ne3A_234 = arith.cmpi ne, %rem3A_232, %ne3A_233 : i32
      %and3A_235 = arith.andi %ne3A_231, %ne3A_234 : i1
      %sub3A_236 = arith.constant 1 : i32
      %sub3A_237 = arith.subi %div3A_216, %sub3A_236 : i32
      %select_n3A_238 = arith.select %and3A_235, %sub3A_237, %div3A_216 : i32
      %jit3A_239 = arith.constant 16 : i32
      %eq3A_240 = arith.constant 0 : i32
      %eq3A_241 = arith.cmpi eq, %jit3A_239, %eq3A_240 : i32
      %jit3A_242 = arith.constant 1 : i32
      %select_n3A_243 = arith.select %eq3A_241, %jit3A_242, %jit3A_239 : i32
      %rem3A_244 = arith.remsi %add3A_207, %select_n3A_243 : i32
      %ne3A_245 = arith.constant 0 : i32
      %ne3A_246 = arith.cmpi ne, %rem3A_244, %ne3A_245 : i32
      %lt3A_247 = arith.constant 0 : i32
      %lt3A_248 = arith.cmpi slt, %rem3A_244, %lt3A_247 : i32
      %lt3A_249 = arith.constant 0 : i32
      %lt3A_250 = arith.cmpi slt, %select_n3A_243, %lt3A_249 : i32
      %ne3A_251 = arith.xori %lt3A_248, %lt3A_250 : i1
      %and3A_252 = arith.andi %ne3A_251, %ne3A_246 : i1
      %add3A_253 = arith.addi %rem3A_244, %select_n3A_243 : i32
      %select_n3A_254 = arith.select %and3A_252, %add3A_253, %rem3A_244 : i32
      %mul3A_255 = arith.constant 8 : i32
      %mul3A_256 = arith.muli %select_n3A_238, %mul3A_255 : i32
      %add3A_257 = arith.addi %select_n3A_32, %mul3A_256 : i32
      %mul3A_258 = arith.constant 128 : i32
      %mul3A_259 = arith.muli %select_n3A_254, %mul3A_258 : i32
      %dma_wait3A_260 = arith.constant 0 : i32
      %dma_wait3A_261 = tpu.memref_slice %arg2[%select_n3A, %dma_wait3A_260, %add3A_257, %mul3A_259] : memref<2x16x512x2048xf32, #tpu.memory_space<hbm>> -> memref<1x16x8x128xf32, #tpu.memory_space<hbm>>
      %dma_wait3A_262 = tpu.memref_squeeze %dma_wait3A_261 : memref<1x16x8x128xf32, #tpu.memory_space<hbm>> -> memref<16x8x128xf32, #tpu.memory_space<hbm>>
      %dma_wait3A_263 = arith.constant 0 : i32
      %dma_wait3A_264 = tpu.memref_slice %arg2[%select_n3A, %dma_wait3A_263, %add3A_257, %mul3A_259] : memref<2x16x512x2048xf32, #tpu.memory_space<hbm>> -> memref<1x16x8x128xf32, #tpu.memory_space<hbm>>
      %dma_wait3A_265 = tpu.memref_squeeze %dma_wait3A_264 : memref<1x16x8x128xf32, #tpu.memory_space<hbm>> -> memref<16x8x128xf32, #tpu.memory_space<hbm>>
      tpu.wait_dma2 semaphore(%arg9 : memref<!tpu.dma_semaphore, #tpu.memory_space<semaphore_mem>>) src(%dma_wait3A_265 : memref<16x8x128xf32, #tpu.memory_space<hbm>>) dst(%arg5 : memref<16x8x128xf32, #tpu.memory_space<vmem>>)
      %scan3A_266 = arith.constant 0 : i32
      %scan3A_267 = arith.constant 0 : i32
      %scan3A_268 = arith.constant 64 : i32
      %scan3A_269 = arith.addi %scan3A_267, %scan3A_268 : i32
      %scan3A_270 = arith.constant 1 : i32
      scf.for %scan3A_561 = %scan3A_267 to %scan3A_269 step %scan3A_270  : i32 {
        %jit3A_562 = arith.constant 8 : i32
        %div3A_563 = arith.divsi %scan3A_561, %jit3A_562 : i32
        %sign3A_564 = arith.constant 0 : i32
        %sign3A_565 = arith.cmpi sgt, %scan3A_561, %sign3A_564 : i32
        %sign3A_566 = arith.extui %sign3A_565 : i1 to i32
        %sign3A_567 = arith.constant 0 : i32
        %sign3A_568 = arith.cmpi slt, %scan3A_561, %sign3A_567 : i32
        %sign3A_569 = arith.extui %sign3A_568 : i1 to i32
        %sign3A_570 = arith.subi %sign3A_566, %sign3A_569 : i32
        %sign3A_571 = arith.constant 0 : i32
        %sign3A_572 = arith.cmpi sgt, %jit3A_562, %sign3A_571 : i32
        %sign3A_573 = arith.extui %sign3A_572 : i1 to i32
        %sign3A_574 = arith.constant 0 : i32
        %sign3A_575 = arith.cmpi slt, %jit3A_562, %sign3A_574 : i32
        %sign3A_576 = arith.extui %sign3A_575 : i1 to i32
        %sign3A_577 = arith.subi %sign3A_573, %sign3A_576 : i32
        %ne3A_578 = arith.cmpi ne, %sign3A_570, %sign3A_577 : i32
        %rem3A_579 = arith.remsi %scan3A_561, %jit3A_562 : i32
        %ne3A_580 = arith.constant 0 : i32
        %ne3A_581 = arith.cmpi ne, %rem3A_579, %ne3A_580 : i32
        %and3A_582 = arith.andi %ne3A_578, %ne3A_581 : i1
        %sub3A_583 = arith.constant 1 : i32
        %sub3A_584 = arith.subi %div3A_563, %sub3A_583 : i32
        %select_n3A_585 = arith.select %and3A_582, %sub3A_584, %div3A_563 : i32
        %jit3A_586 = arith.constant 8 : i32
        %eq3A_587 = arith.constant 0 : i32
        %eq3A_588 = arith.cmpi eq, %jit3A_586, %eq3A_587 : i32
        %jit3A_589 = arith.constant 1 : i32
        %select_n3A_590 = arith.select %eq3A_588, %jit3A_589, %jit3A_586 : i32
        %rem3A_591 = arith.remsi %scan3A_561, %select_n3A_590 : i32
        %ne3A_592 = arith.constant 0 : i32
        %ne3A_593 = arith.cmpi ne, %rem3A_591, %ne3A_592 : i32
        %lt3A_594 = arith.constant 0 : i32
        %lt3A_595 = arith.cmpi slt, %rem3A_591, %lt3A_594 : i32
        %lt3A_596 = arith.constant 0 : i32
        %lt3A_597 = arith.cmpi slt, %select_n3A_590, %lt3A_596 : i32
        %ne3A_598 = arith.xori %lt3A_595, %lt3A_597 : i1
        %and3A_599 = arith.andi %ne3A_598, %ne3A_593 : i1
        %add3A_600 = arith.addi %rem3A_591, %select_n3A_590 : i32
        %select_n3A_601 = arith.select %and3A_599, %add3A_600, %rem3A_591 : i32
        %mul3A_602 = arith.constant 16 : i32
        %mul3A_603 = arith.muli %select_n3A_601, %mul3A_602 : i32
        %get3A = arith.constant 0 : i32
        %get3A_604 = arith.index_cast %get3A : i32 to index
        %get3A_605 = arith.index_cast %select_n3A_585 : i32 to index
        %get3A_606 = arith.index_cast %mul3A_603 : i32 to index
        %get3A_607 = tpu.vector_load %arg5[%get3A_604, %get3A_605, %get3A_606] {strides = array<i32>} : memref<16x8x128xf32, #tpu.memory_space<vmem>>, vector<1x1x16xf32>,
        %get3A_608 = vector.shape_cast %get3A_607 : vector<1x1x16xf32> to vector<16xf32>
        %get3A_609 = arith.constant 1 : i32
        %get3A_610 = arith.index_cast %get3A_609 : i32 to index
        %get3A_611 = arith.index_cast %select_n3A_585 : i32 to index
        %get3A_612 = arith.index_cast %mul3A_603 : i32 to index
        %get3A_613 = tpu.vector_load %arg5[%get3A_610, %get3A_611, %get3A_612] {strides = array<i32>} : memref<16x8x128xf32, #tpu.memory_space<vmem>>, vector<1x1x16xf32>,
        %get3A_614 = vector.shape_cast %get3A_613 : vector<1x1x16xf32> to vector<16xf32>
        %get3A_615 = arith.constant 2 : i32
        %get3A_616 = arith.index_cast %get3A_615 : i32 to index
        %get3A_617 = arith.index_cast %select_n3A_585 : i32 to index
        %get3A_618 = arith.index_cast %mul3A_603 : i32 to index
        %get3A_619 = tpu.vector_load %arg5[%get3A_616, %get3A_617, %get3A_618] {strides = array<i32>} : memref<16x8x128xf32, #tpu.memory_space<vmem>>, vector<1x1x16xf32>,
        %get3A_620 = vector.shape_cast %get3A_619 : vector<1x1x16xf32> to vector<16xf32>
        %get3A_621 = arith.constant 3 : i32
        %get3A_622 = arith.index_cast %get3A_621 : i32 to index
        %get3A_623 = arith.index_cast %select_n3A_585 : i32 to index
        %get3A_624 = arith.index_cast %mul3A_603 : i32 to index
        %get3A_625 = tpu.vector_load %arg5[%get3A_622, %get3A_623, %get3A_624] {strides = array<i32>} : memref<16x8x128xf32, #tpu.memory_space<vmem>>, vector<1x1x16xf32>,
        %get3A_626 = vector.shape_cast %get3A_625 : vector<1x1x16xf32> to vector<16xf32>
        %get3A_627 = arith.constant 4 : i32
        %get3A_628 = arith.index_cast %get3A_627 : i32 to index
        %get3A_629 = arith.index_cast %select_n3A_585 : i32 to index
        %get3A_630 = arith.index_cast %mul3A_603 : i32 to index
        %get3A_631 = tpu.vector_load %arg5[%get3A_628, %get3A_629, %get3A_630] {strides = array<i32>} : memref<16x8x128xf32, #tpu.memory_space<vmem>>, vector<1x1x16xf32>,
        %get3A_632 = vector.shape_cast %get3A_631 : vector<1x1x16xf32> to vector<16xf32>
        %get3A_633 = arith.constant 5 : i32
        %get3A_634 = arith.index_cast %get3A_633 : i32 to index
        %get3A_635 = arith.index_cast %select_n3A_585 : i32 to index
        %get3A_636 = arith.index_cast %mul3A_603 : i32 to index
        %get3A_637 = tpu.vector_load %arg5[%get3A_634, %get3A_635, %get3A_636] {strides = array<i32>} : memref<16x8x128xf32, #tpu.memory_space<vmem>>, vector<1x1x16xf32>,
        %get3A_638 = vector.shape_cast %get3A_637 : vector<1x1x16xf32> to vector<16xf32>
        %get3A_639 = arith.constant 6 : i32
        %get3A_640 = arith.index_cast %get3A_639 : i32 to index
        %get3A_641 = arith.index_cast %select_n3A_585 : i32 to index
        %get3A_642 = arith.index_cast %mul3A_603 : i32 to index
        %get3A_643 = tpu.vector_load %arg5[%get3A_640, %get3A_641, %get3A_642] {strides = array<i32>} : memref<16x8x128xf32, #tpu.memory_space<vmem>>, vector<1x1x16xf32>,
        %get3A_644 = vector.shape_cast %get3A_643 : vector<1x1x16xf32> to vector<16xf32>
        %get3A_645 = arith.constant 7 : i32
        %get3A_646 = arith.index_cast %get3A_645 : i32 to index
        %get3A_647 = arith.index_cast %select_n3A_585 : i32 to index
        %get3A_648 = arith.index_cast %mul3A_603 : i32 to index
        %get3A_649 = tpu.vector_load %arg5[%get3A_646, %get3A_647, %get3A_648] {strides = array<i32>} : memref<16x8x128xf32, #tpu.memory_space<vmem>>, vector<1x1x16xf32>,
        %get3A_650 = vector.shape_cast %get3A_649 : vector<1x1x16xf32> to vector<16xf32>
        %get3A_651 = arith.constant 8 : i32
        %get3A_652 = arith.index_cast %get3A_651 : i32 to index
        %get3A_653 = arith.index_cast %select_n3A_585 : i32 to index
        %get3A_654 = arith.index_cast %mul3A_603 : i32 to index
        %get3A_655 = tpu.vector_load %arg5[%get3A_652, %get3A_653, %get3A_654] {strides = array<i32>} : memref<16x8x128xf32, #tpu.memory_space<vmem>>, vector<1x1x16xf32>,
        %get3A_656 = vector.shape_cast %get3A_655 : vector<1x1x16xf32> to vector<16xf32>
        %get3A_657 = arith.constant 9 : i32
        %get3A_658 = arith.index_cast %get3A_657 : i32 to index
        %get3A_659 = arith.index_cast %select_n3A_585 : i32 to index
        %get3A_660 = arith.index_cast %mul3A_603 : i32 to index
        %get3A_661 = tpu.vector_load %arg5[%get3A_658, %get3A_659, %get3A_660] {strides = array<i32>} : memref<16x8x128xf32, #tpu.memory_space<vmem>>, vector<1x1x16xf32>,
        %get3A_662 = vector.shape_cast %get3A_661 : vector<1x1x16xf32> to vector<16xf32>
        %get3A_663 = arith.constant 10 : i32
        %get3A_664 = arith.index_cast %get3A_663 : i32 to index
        %get3A_665 = arith.index_cast %select_n3A_585 : i32 to index
        %get3A_666 = arith.index_cast %mul3A_603 : i32 to index
        %get3A_667 = tpu.vector_load %arg5[%get3A_664, %get3A_665, %get3A_666] {strides = array<i32>} : memref<16x8x128xf32, #tpu.memory_space<vmem>>, vector<1x1x16xf32>,
        %get3A_668 = vector.shape_cast %get3A_667 : vector<1x1x16xf32> to vector<16xf32>
        %get3A_669 = arith.constant 11 : i32
        %get3A_670 = arith.index_cast %get3A_669 : i32 to index
        %get3A_671 = arith.index_cast %select_n3A_585 : i32 to index
        %get3A_672 = arith.index_cast %mul3A_603 : i32 to index
        %get3A_673 = tpu.vector_load %arg5[%get3A_670, %get3A_671, %get3A_672] {strides = array<i32>} : memref<16x8x128xf32, #tpu.memory_space<vmem>>, vector<1x1x16xf32>,
        %get3A_674 = vector.shape_cast %get3A_673 : vector<1x1x16xf32> to vector<16xf32>
        %get3A_675 = arith.constant 12 : i32
        %get3A_676 = arith.index_cast %get3A_675 : i32 to index
        %get3A_677 = arith.index_cast %select_n3A_585 : i32 to index
        %get3A_678 = arith.index_cast %mul3A_603 : i32 to index
        %get3A_679 = tpu.vector_load %arg5[%get3A_676, %get3A_677, %get3A_678] {strides = array<i32>} : memref<16x8x128xf32, #tpu.memory_space<vmem>>, vector<1x1x16xf32>,
        %get3A_680 = vector.shape_cast %get3A_679 : vector<1x1x16xf32> to vector<16xf32>
        %get3A_681 = arith.constant 13 : i32
        %get3A_682 = arith.index_cast %get3A_681 : i32 to index
        %get3A_683 = arith.index_cast %select_n3A_585 : i32 to index
        %get3A_684 = arith.index_cast %mul3A_603 : i32 to index
        %get3A_685 = tpu.vector_load %arg5[%get3A_682, %get3A_683, %get3A_684] {strides = array<i32>} : memref<16x8x128xf32, #tpu.memory_space<vmem>>, vector<1x1x16xf32>,
        %get3A_686 = vector.shape_cast %get3A_685 : vector<1x1x16xf32> to vector<16xf32>
        %get3A_687 = arith.constant 14 : i32
        %get3A_688 = arith.index_cast %get3A_687 : i32 to index
        %get3A_689 = arith.index_cast %select_n3A_585 : i32 to index
        %get3A_690 = arith.index_cast %mul3A_603 : i32 to index
        %get3A_691 = tpu.vector_load %arg5[%get3A_688, %get3A_689, %get3A_690] {strides = array<i32>} : memref<16x8x128xf32, #tpu.memory_space<vmem>>, vector<1x1x16xf32>,
        %get3A_692 = vector.shape_cast %get3A_691 : vector<1x1x16xf32> to vector<16xf32>
        %get3A_693 = arith.constant 15 : i32
        %get3A_694 = arith.index_cast %get3A_693 : i32 to index
        %get3A_695 = arith.index_cast %select_n3A_585 : i32 to index
        %get3A_696 = arith.index_cast %mul3A_603 : i32 to index
        %get3A_697 = tpu.vector_load %arg5[%get3A_694, %get3A_695, %get3A_696] {strides = array<i32>} : memref<16x8x128xf32, #tpu.memory_space<vmem>>, vector<1x1x16xf32>,
        %get3A_698 = vector.shape_cast %get3A_697 : vector<1x1x16xf32> to vector<16xf32>
        %min3A = arith.minimumf %get3A_608, %get3A_614 : vector<16xf32>
        %max3A = arith.maximumf %get3A_608, %get3A_614 : vector<16xf32>
        %min3A_699 = arith.minimumf %get3A_620, %get3A_626 : vector<16xf32>
        %max3A_700 = arith.maximumf %get3A_620, %get3A_626 : vector<16xf32>
        %min3A_701 = arith.minimumf %min3A, %min3A_699 : vector<16xf32>
        %max3A_702 = arith.maximumf %min3A, %min3A_699 : vector<16xf32>
        %min3A_703 = arith.minimumf %max3A, %max3A_700 : vector<16xf32>
        %max3A_704 = arith.maximumf %max3A, %max3A_700 : vector<16xf32>
        %min3A_705 = arith.minimumf %min3A_703, %max3A_702 : vector<16xf32>
        %max3A_706 = arith.maximumf %min3A_703, %max3A_702 : vector<16xf32>
        %min3A_707 = arith.minimumf %get3A_632, %get3A_638 : vector<16xf32>
        %max3A_708 = arith.maximumf %get3A_632, %get3A_638 : vector<16xf32>
        %min3A_709 = arith.minimumf %get3A_644, %get3A_650 : vector<16xf32>
        %max3A_710 = arith.maximumf %get3A_644, %get3A_650 : vector<16xf32>
        %min3A_711 = arith.minimumf %min3A_707, %min3A_709 : vector<16xf32>
        %max3A_712 = arith.maximumf %min3A_707, %min3A_709 : vector<16xf32>
        %min3A_713 = arith.minimumf %max3A_708, %max3A_710 : vector<16xf32>
        %max3A_714 = arith.maximumf %max3A_708, %max3A_710 : vector<16xf32>
        %min3A_715 = arith.minimumf %min3A_713, %max3A_712 : vector<16xf32>
        %max3A_716 = arith.maximumf %min3A_713, %max3A_712 : vector<16xf32>
        %min3A_717 = arith.minimumf %get3A_656, %get3A_662 : vector<16xf32>
        %max3A_718 = arith.maximumf %get3A_656, %get3A_662 : vector<16xf32>
        %min3A_719 = arith.minimumf %get3A_668, %get3A_674 : vector<16xf32>
        %max3A_720 = arith.maximumf %get3A_668, %get3A_674 : vector<16xf32>
        %min3A_721 = arith.minimumf %min3A_717, %min3A_719 : vector<16xf32>
        %max3A_722 = arith.maximumf %min3A_717, %min3A_719 : vector<16xf32>
        %min3A_723 = arith.minimumf %max3A_718, %max3A_720 : vector<16xf32>
        %max3A_724 = arith.maximumf %max3A_718, %max3A_720 : vector<16xf32>
        %min3A_725 = arith.minimumf %min3A_723, %max3A_722 : vector<16xf32>
        %max3A_726 = arith.maximumf %min3A_723, %max3A_722 : vector<16xf32>
        %min3A_727 = arith.minimumf %get3A_680, %get3A_686 : vector<16xf32>
        %max3A_728 = arith.maximumf %get3A_680, %get3A_686 : vector<16xf32>
        %min3A_729 = arith.minimumf %get3A_692, %get3A_698 : vector<16xf32>
        %max3A_730 = arith.maximumf %get3A_692, %get3A_698 : vector<16xf32>
        %min3A_731 = arith.minimumf %min3A_727, %min3A_729 : vector<16xf32>
        %max3A_732 = arith.maximumf %min3A_727, %min3A_729 : vector<16xf32>
        %min3A_733 = arith.minimumf %max3A_728, %max3A_730 : vector<16xf32>
        %max3A_734 = arith.maximumf %max3A_728, %max3A_730 : vector<16xf32>
        %min3A_735 = arith.minimumf %min3A_733, %max3A_732 : vector<16xf32>
        %max3A_736 = arith.maximumf %min3A_733, %max3A_732 : vector<16xf32>
        %max3A_737 = arith.maximumf %min3A_701, %min3A_711 : vector<16xf32>
        %min3A_738 = arith.minimumf %max3A_706, %max3A_716 : vector<16xf32>
        %max3A_739 = arith.maximumf %max3A_706, %max3A_716 : vector<16xf32>
        %max3A_740 = arith.maximumf %min3A_738, %max3A_737 : vector<16xf32>
        %max3A_741 = arith.maximumf %min3A_705, %min3A_715 : vector<16xf32>
        %min3A_742 = arith.minimumf %max3A_704, %max3A_714 : vector<16xf32>
        %max3A_743 = arith.maximumf %max3A_704, %max3A_714 : vector<16xf32>
        %min3A_744 = arith.minimumf %min3A_742, %max3A_741 : vector<16xf32>
        %max3A_745 = arith.maximumf %min3A_742, %max3A_741 : vector<16xf32>
        %min3A_746 = arith.minimumf %min3A_744, %max3A_740 : vector<16xf32>
        %max3A_747 = arith.maximumf %min3A_744, %max3A_740 : vector<16xf32>
        %min3A_748 = arith.minimumf %max3A_745, %max3A_739 : vector<16xf32>
        %max3A_749 = arith.maximumf %max3A_745, %max3A_739 : vector<16xf32>
        %max3A_750 = arith.maximumf %min3A_721, %min3A_731 : vector<16xf32>
        %min3A_751 = arith.minimumf %max3A_726, %max3A_736 : vector<16xf32>
        %max3A_752 = arith.maximumf %max3A_726, %max3A_736 : vector<16xf32>
        %max3A_753 = arith.maximumf %min3A_751, %max3A_750 : vector<16xf32>
        %max3A_754 = arith.maximumf %min3A_725, %min3A_735 : vector<16xf32>
        %min3A_755 = arith.minimumf %max3A_724, %max3A_734 : vector<16xf32>
        %max3A_756 = arith.maximumf %max3A_724, %max3A_734 : vector<16xf32>
        %min3A_757 = arith.minimumf %min3A_755, %max3A_754 : vector<16xf32>
        %max3A_758 = arith.maximumf %min3A_755, %max3A_754 : vector<16xf32>
        %min3A_759 = arith.minimumf %min3A_757, %max3A_753 : vector<16xf32>
        %max3A_760 = arith.maximumf %min3A_757, %max3A_753 : vector<16xf32>
        %min3A_761 = arith.minimumf %max3A_758, %max3A_752 : vector<16xf32>
        %max3A_762 = arith.maximumf %max3A_758, %max3A_752 : vector<16xf32>
        %max3A_763 = arith.maximumf %max3A_743, %min3A_759 : vector<16xf32>
        %max3A_764 = arith.maximumf %max3A_749, %max3A_760 : vector<16xf32>
        %min3A_765 = arith.minimumf %max3A_763, %max3A_764 : vector<16xf32>
        %max3A_766 = arith.maximumf %min3A_748, %min3A_761 : vector<16xf32>
        %min3A_767 = arith.minimumf %min3A_765, %max3A_766 : vector<16xf32>
        %max3A_768 = arith.maximumf %max3A_747, %max3A_762 : vector<16xf32>
        %min3A_769 = arith.minimumf %min3A_767, %max3A_768 : vector<16xf32>
        %max3A_770 = arith.maximumf %min3A_746, %max3A_756 : vector<16xf32>
        %min3A_771 = arith.minimumf %min3A_769, %max3A_770 : vector<16xf32>
        %sub3A_772 = arith.constant 9.99999974E-5 : f32
        %sub3A_773 = vector.broadcast %sub3A_772 : f32 to vector<16xf32>
        %sub3A_774 = arith.subf %min3A_771, %sub3A_773 : vector<16xf32>
        %gt3A = arith.cmpf ogt, %get3A_608, %sub3A_774 : vector<16xf32>
        %jit3A_775 = arith.constant 0.000000e+00 : f32
        %broadcast_in_dim3A = vector.broadcast %jit3A_775 : f32 to vector<16xf32>
        %select_n3A_776 = arith.select %gt3A, %get3A_608, %broadcast_in_dim3A : vector<16xi1>, vector<16xf32>
        %swap3A = arith.constant 0 : i32
        %swap3A_777 = arith.index_cast %swap3A : i32 to index
        %swap3A_778 = arith.index_cast %select_n3A_585 : i32 to index
        %swap3A_779 = arith.index_cast %mul3A_603 : i32 to index
        %swap3A_780 = tpu.vector_load %arg5[%swap3A_777, %swap3A_778, %swap3A_779] {strides = array<i32>} : memref<16x8x128xf32, #tpu.memory_space<vmem>>, vector<1x1x16xf32>,
        %swap3A_781 = vector.shape_cast %swap3A_780 : vector<1x1x16xf32> to vector<16xf32>
        %swap3A_782 = vector.shape_cast %select_n3A_776 : vector<16xf32> to vector<1x1x16xf32>
        tpu.vector_store %arg5[%swap3A_777, %swap3A_778, %swap3A_779], %swap3A_782 {strides = array<i32>} : memref<16x8x128xf32, #tpu.memory_space<vmem>>, vector<1x1x16xf32>,
        %gt3A_783 = arith.cmpf ogt, %get3A_614, %sub3A_774 : vector<16xf32>
        %jit3A_784 = arith.constant 0.000000e+00 : f32
        %broadcast_in_dim3A_785 = vector.broadcast %jit3A_784 : f32 to vector<16xf32>
        %select_n3A_786 = arith.select %gt3A_783, %get3A_614, %broadcast_in_dim3A_785 : vector<16xi1>, vector<16xf32>
        %swap3A_787 = arith.constant 1 : i32
        %swap3A_788 = arith.index_cast %swap3A_787 : i32 to index
        %swap3A_789 = arith.index_cast %select_n3A_585 : i32 to index
        %swap3A_790 = arith.index_cast %mul3A_603 : i32 to index
        %swap3A_791 = tpu.vector_load %arg5[%swap3A_788, %swap3A_789, %swap3A_790] {strides = array<i32>} : memref<16x8x128xf32, #tpu.memory_space<vmem>>, vector<1x1x16xf32>,
        %swap3A_792 = vector.shape_cast %swap3A_791 : vector<1x1x16xf32> to vector<16xf32>
        %swap3A_793 = vector.shape_cast %select_n3A_786 : vector<16xf32> to vector<1x1x16xf32>
        tpu.vector_store %arg5[%swap3A_788, %swap3A_789, %swap3A_790], %swap3A_793 {strides = array<i32>} : memref<16x8x128xf32, #tpu.memory_space<vmem>>, vector<1x1x16xf32>,
        %gt3A_794 = arith.cmpf ogt, %get3A_620, %sub3A_774 : vector<16xf32>
        %jit3A_795 = arith.constant 0.000000e+00 : f32
        %broadcast_in_dim3A_796 = vector.broadcast %jit3A_795 : f32 to vector<16xf32>
        %select_n3A_797 = arith.select %gt3A_794, %get3A_620, %broadcast_in_dim3A_796 : vector<16xi1>, vector<16xf32>
        %swap3A_798 = arith.constant 2 : i32
        %swap3A_799 = arith.index_cast %swap3A_798 : i32 to index
        %swap3A_800 = arith.index_cast %select_n3A_585 : i32 to index
        %swap3A_801 = arith.index_cast %mul3A_603 : i32 to index
        %swap3A_802 = tpu.vector_load %arg5[%swap3A_799, %swap3A_800, %swap3A_801] {strides = array<i32>} : memref<16x8x128xf32, #tpu.memory_space<vmem>>, vector<1x1x16xf32>,
        %swap3A_803 = vector.shape_cast %swap3A_802 : vector<1x1x16xf32> to vector<16xf32>
        %swap3A_804 = vector.shape_cast %select_n3A_797 : vector<16xf32> to vector<1x1x16xf32>
        tpu.vector_store %arg5[%swap3A_799, %swap3A_800, %swap3A_801], %swap3A_804 {strides = array<i32>} : memref<16x8x128xf32, #tpu.memory_space<vmem>>, vector<1x1x16xf32>,
        %gt3A_805 = arith.cmpf ogt, %get3A_626, %sub3A_774 : vector<16xf32>
        %jit3A_806 = arith.constant 0.000000e+00 : f32
        %broadcast_in_dim3A_807 = vector.broadcast %jit3A_806 : f32 to vector<16xf32>
        %select_n3A_808 = arith.select %gt3A_805, %get3A_626, %broadcast_in_dim3A_807 : vector<16xi1>, vector<16xf32>
        %swap3A_809 = arith.constant 3 : i32
        %swap3A_810 = arith.index_cast %swap3A_809 : i32 to index
        %swap3A_811 = arith.index_cast %select_n3A_585 : i32 to index
        %swap3A_812 = arith.index_cast %mul3A_603 : i32 to index
        %swap3A_813 = tpu.vector_load %arg5[%swap3A_810, %swap3A_811, %swap3A_812] {strides = array<i32>} : memref<16x8x128xf32, #tpu.memory_space<vmem>>, vector<1x1x16xf32>,
        %swap3A_814 = vector.shape_cast %swap3A_813 : vector<1x1x16xf32> to vector<16xf32>
        %swap3A_815 = vector.shape_cast %select_n3A_808 : vector<16xf32> to vector<1x1x16xf32>
        tpu.vector_store %arg5[%swap3A_810, %swap3A_811, %swap3A_812], %swap3A_815 {strides = array<i32>} : memref<16x8x128xf32, #tpu.memory_space<vmem>>, vector<1x1x16xf32>,
        %gt3A_816 = arith.cmpf ogt, %get3A_632, %sub3A_774 : vector<16xf32>
        %jit3A_817 = arith.constant 0.000000e+00 : f32
        %broadcast_in_dim3A_818 = vector.broadcast %jit3A_817 : f32 to vector<16xf32>
        %select_n3A_819 = arith.select %gt3A_816, %get3A_632, %broadcast_in_dim3A_818 : vector<16xi1>, vector<16xf32>
        %swap3A_820 = arith.constant 4 : i32
        %swap3A_821 = arith.index_cast %swap3A_820 : i32 to index
        %swap3A_822 = arith.index_cast %select_n3A_585 : i32 to index
        %swap3A_823 = arith.index_cast %mul3A_603 : i32 to index
        %swap3A_824 = tpu.vector_load %arg5[%swap3A_821, %swap3A_822, %swap3A_823] {strides = array<i32>} : memref<16x8x128xf32, #tpu.memory_space<vmem>>, vector<1x1x16xf32>,
        %swap3A_825 = vector.shape_cast %swap3A_824 : vector<1x1x16xf32> to vector<16xf32>
        %swap3A_826 = vector.shape_cast %select_n3A_819 : vector<16xf32> to vector<1x1x16xf32>
        tpu.vector_store %arg5[%swap3A_821, %swap3A_822, %swap3A_823], %swap3A_826 {strides = array<i32>} : memref<16x8x128xf32, #tpu.memory_space<vmem>>, vector<1x1x16xf32>,
        %gt3A_827 = arith.cmpf ogt, %get3A_638, %sub3A_774 : vector<16xf32>
        %jit3A_828 = arith.constant 0.000000e+00 : f32
        %broadcast_in_dim3A_829 = vector.broadcast %jit3A_828 : f32 to vector<16xf32>
        %select_n3A_830 = arith.select %gt3A_827, %get3A_638, %broadcast_in_dim3A_829 : vector<16xi1>, vector<16xf32>
        %swap3A_831 = arith.constant 5 : i32
        %swap3A_832 = arith.index_cast %swap3A_831 : i32 to index
        %swap3A_833 = arith.index_cast %select_n3A_585 : i32 to index
        %swap3A_834 = arith.index_cast %mul3A_603 : i32 to index
        %swap3A_835 = tpu.vector_load %arg5[%swap3A_832, %swap3A_833, %swap3A_834] {strides = array<i32>} : memref<16x8x128xf32, #tpu.memory_space<vmem>>, vector<1x1x16xf32>,
        %swap3A_836 = vector.shape_cast %swap3A_835 : vector<1x1x16xf32> to vector<16xf32>
        %swap3A_837 = vector.shape_cast %select_n3A_830 : vector<16xf32> to vector<1x1x16xf32>
        tpu.vector_store %arg5[%swap3A_832, %swap3A_833, %swap3A_834], %swap3A_837 {strides = array<i32>} : memref<16x8x128xf32, #tpu.memory_space<vmem>>, vector<1x1x16xf32>,
        %gt3A_838 = arith.cmpf ogt, %get3A_644, %sub3A_774 : vector<16xf32>
        %jit3A_839 = arith.constant 0.000000e+00 : f32
        %broadcast_in_dim3A_840 = vector.broadcast %jit3A_839 : f32 to vector<16xf32>
        %select_n3A_841 = arith.select %gt3A_838, %get3A_644, %broadcast_in_dim3A_840 : vector<16xi1>, vector<16xf32>
        %swap3A_842 = arith.constant 6 : i32
        %swap3A_843 = arith.index_cast %swap3A_842 : i32 to index
        %swap3A_844 = arith.index_cast %select_n3A_585 : i32 to index
        %swap3A_845 = arith.index_cast %mul3A_603 : i32 to index
        %swap3A_846 = tpu.vector_load %arg5[%swap3A_843, %swap3A_844, %swap3A_845] {strides = array<i32>} : memref<16x8x128xf32, #tpu.memory_space<vmem>>, vector<1x1x16xf32>,
        %swap3A_847 = vector.shape_cast %swap3A_846 : vector<1x1x16xf32> to vector<16xf32>
        %swap3A_848 = vector.shape_cast %select_n3A_841 : vector<16xf32> to vector<1x1x16xf32>
        tpu.vector_store %arg5[%swap3A_843, %swap3A_844, %swap3A_845], %swap3A_848 {strides = array<i32>} : memref<16x8x128xf32, #tpu.memory_space<vmem>>, vector<1x1x16xf32>,
        %gt3A_849 = arith.cmpf ogt, %get3A_650, %sub3A_774 : vector<16xf32>
        %jit3A_850 = arith.constant 0.000000e+00 : f32
        %broadcast_in_dim3A_851 = vector.broadcast %jit3A_850 : f32 to vector<16xf32>
        %select_n3A_852 = arith.select %gt3A_849, %get3A_650, %broadcast_in_dim3A_851 : vector<16xi1>, vector<16xf32>
        %swap3A_853 = arith.constant 7 : i32
        %swap3A_854 = arith.index_cast %swap3A_853 : i32 to index
        %swap3A_855 = arith.index_cast %select_n3A_585 : i32 to index
        %swap3A_856 = arith.index_cast %mul3A_603 : i32 to index
        %swap3A_857 = tpu.vector_load %arg5[%swap3A_854, %swap3A_855, %swap3A_856] {strides = array<i32>} : memref<16x8x128xf32, #tpu.memory_space<vmem>>, vector<1x1x16xf32>,
        %swap3A_858 = vector.shape_cast %swap3A_857 : vector<1x1x16xf32> to vector<16xf32>
        %swap3A_859 = vector.shape_cast %select_n3A_852 : vector<16xf32> to vector<1x1x16xf32>
        tpu.vector_store %arg5[%swap3A_854, %swap3A_855, %swap3A_856], %swap3A_859 {strides = array<i32>} : memref<16x8x128xf32, #tpu.memory_space<vmem>>, vector<1x1x16xf32>,
        %gt3A_860 = arith.cmpf ogt, %get3A_656, %sub3A_774 : vector<16xf32>
        %jit3A_861 = arith.constant 0.000000e+00 : f32
        %broadcast_in_dim3A_862 = vector.broadcast %jit3A_861 : f32 to vector<16xf32>
        %select_n3A_863 = arith.select %gt3A_860, %get3A_656, %broadcast_in_dim3A_862 : vector<16xi1>, vector<16xf32>
        %swap3A_864 = arith.constant 8 : i32
        %swap3A_865 = arith.index_cast %swap3A_864 : i32 to index
        %swap3A_866 = arith.index_cast %select_n3A_585 : i32 to index
        %swap3A_867 = arith.index_cast %mul3A_603 : i32 to index
        %swap3A_868 = tpu.vector_load %arg5[%swap3A_865, %swap3A_866, %swap3A_867] {strides = array<i32>} : memref<16x8x128xf32, #tpu.memory_space<vmem>>, vector<1x1x16xf32>,
        %swap3A_869 = vector.shape_cast %swap3A_868 : vector<1x1x16xf32> to vector<16xf32>
        %swap3A_870 = vector.shape_cast %select_n3A_863 : vector<16xf32> to vector<1x1x16xf32>
        tpu.vector_store %arg5[%swap3A_865, %swap3A_866, %swap3A_867], %swap3A_870 {strides = array<i32>} : memref<16x8x128xf32, #tpu.memory_space<vmem>>, vector<1x1x16xf32>,
        %gt3A_871 = arith.cmpf ogt, %get3A_662, %sub3A_774 : vector<16xf32>
        %jit3A_872 = arith.constant 0.000000e+00 : f32
        %broadcast_in_dim3A_873 = vector.broadcast %jit3A_872 : f32 to vector<16xf32>
        %select_n3A_874 = arith.select %gt3A_871, %get3A_662, %broadcast_in_dim3A_873 : vector<16xi1>, vector<16xf32>
        %swap3A_875 = arith.constant 9 : i32
        %swap3A_876 = arith.index_cast %swap3A_875 : i32 to index
        %swap3A_877 = arith.index_cast %select_n3A_585 : i32 to index
        %swap3A_878 = arith.index_cast %mul3A_603 : i32 to index
        %swap3A_879 = tpu.vector_load %arg5[%swap3A_876, %swap3A_877, %swap3A_878] {strides = array<i32>} : memref<16x8x128xf32, #tpu.memory_space<vmem>>, vector<1x1x16xf32>,
        %swap3A_880 = vector.shape_cast %swap3A_879 : vector<1x1x16xf32> to vector<16xf32>
        %swap3A_881 = vector.shape_cast %select_n3A_874 : vector<16xf32> to vector<1x1x16xf32>
        tpu.vector_store %arg5[%swap3A_876, %swap3A_877, %swap3A_878], %swap3A_881 {strides = array<i32>} : memref<16x8x128xf32, #tpu.memory_space<vmem>>, vector<1x1x16xf32>,
        %gt3A_882 = arith.cmpf ogt, %get3A_668, %sub3A_774 : vector<16xf32>
        %jit3A_883 = arith.constant 0.000000e+00 : f32
        %broadcast_in_dim3A_884 = vector.broadcast %jit3A_883 : f32 to vector<16xf32>
        %select_n3A_885 = arith.select %gt3A_882, %get3A_668, %broadcast_in_dim3A_884 : vector<16xi1>, vector<16xf32>
        %swap3A_886 = arith.constant 10 : i32
        %swap3A_887 = arith.index_cast %swap3A_886 : i32 to index
        %swap3A_888 = arith.index_cast %select_n3A_585 : i32 to index
        %swap3A_889 = arith.index_cast %mul3A_603 : i32 to index
        %swap3A_890 = tpu.vector_load %arg5[%swap3A_887, %swap3A_888, %swap3A_889] {strides = array<i32>} : memref<16x8x128xf32, #tpu.memory_space<vmem>>, vector<1x1x16xf32>,
        %swap3A_891 = vector.shape_cast %swap3A_890 : vector<1x1x16xf32> to vector<16xf32>
        %swap3A_892 = vector.shape_cast %select_n3A_885 : vector<16xf32> to vector<1x1x16xf32>
        tpu.vector_store %arg5[%swap3A_887, %swap3A_888, %swap3A_889], %swap3A_892 {strides = array<i32>} : memref<16x8x128xf32, #tpu.memory_space<vmem>>, vector<1x1x16xf32>,
        %gt3A_893 = arith.cmpf ogt, %get3A_674, %sub3A_774 : vector<16xf32>
        %jit3A_894 = arith.constant 0.000000e+00 : f32
        %broadcast_in_dim3A_895 = vector.broadcast %jit3A_894 : f32 to vector<16xf32>
        %select_n3A_896 = arith.select %gt3A_893, %get3A_674, %broadcast_in_dim3A_895 : vector<16xi1>, vector<16xf32>
        %swap3A_897 = arith.constant 11 : i32
        %swap3A_898 = arith.index_cast %swap3A_897 : i32 to index
        %swap3A_899 = arith.index_cast %select_n3A_585 : i32 to index
        %swap3A_900 = arith.index_cast %mul3A_603 : i32 to index
        %swap3A_901 = tpu.vector_load %arg5[%swap3A_898, %swap3A_899, %swap3A_900] {strides = array<i32>} : memref<16x8x128xf32, #tpu.memory_space<vmem>>, vector<1x1x16xf32>,
        %swap3A_902 = vector.shape_cast %swap3A_901 : vector<1x1x16xf32> to vector<16xf32>
        %swap3A_903 = vector.shape_cast %select_n3A_896 : vector<16xf32> to vector<1x1x16xf32>
        tpu.vector_store %arg5[%swap3A_898, %swap3A_899, %swap3A_900], %swap3A_903 {strides = array<i32>} : memref<16x8x128xf32, #tpu.memory_space<vmem>>, vector<1x1x16xf32>,
        %gt3A_904 = arith.cmpf ogt, %get3A_680, %sub3A_774 : vector<16xf32>
        %jit3A_905 = arith.constant 0.000000e+00 : f32
        %broadcast_in_dim3A_906 = vector.broadcast %jit3A_905 : f32 to vector<16xf32>
        %select_n3A_907 = arith.select %gt3A_904, %get3A_680, %broadcast_in_dim3A_906 : vector<16xi1>, vector<16xf32>
        %swap3A_908 = arith.constant 12 : i32
        %swap3A_909 = arith.index_cast %swap3A_908 : i32 to index
        %swap3A_910 = arith.index_cast %select_n3A_585 : i32 to index
        %swap3A_911 = arith.index_cast %mul3A_603 : i32 to index
        %swap3A_912 = tpu.vector_load %arg5[%swap3A_909, %swap3A_910, %swap3A_911] {strides = array<i32>} : memref<16x8x128xf32, #tpu.memory_space<vmem>>, vector<1x1x16xf32>,
        %swap3A_913 = vector.shape_cast %swap3A_912 : vector<1x1x16xf32> to vector<16xf32>
        %swap3A_914 = vector.shape_cast %select_n3A_907 : vector<16xf32> to vector<1x1x16xf32>
        tpu.vector_store %arg5[%swap3A_909, %swap3A_910, %swap3A_911], %swap3A_914 {strides = array<i32>} : memref<16x8x128xf32, #tpu.memory_space<vmem>>, vector<1x1x16xf32>,
        %gt3A_915 = arith.cmpf ogt, %get3A_686, %sub3A_774 : vector<16xf32>
        %jit3A_916 = arith.constant 0.000000e+00 : f32
        %broadcast_in_dim3A_917 = vector.broadcast %jit3A_916 : f32 to vector<16xf32>
        %select_n3A_918 = arith.select %gt3A_915, %get3A_686, %broadcast_in_dim3A_917 : vector<16xi1>, vector<16xf32>
        %swap3A_919 = arith.constant 13 : i32
        %swap3A_920 = arith.index_cast %swap3A_919 : i32 to index
        %swap3A_921 = arith.index_cast %select_n3A_585 : i32 to index
        %swap3A_922 = arith.index_cast %mul3A_603 : i32 to index
        %swap3A_923 = tpu.vector_load %arg5[%swap3A_920, %swap3A_921, %swap3A_922] {strides = array<i32>} : memref<16x8x128xf32, #tpu.memory_space<vmem>>, vector<1x1x16xf32>,
        %swap3A_924 = vector.shape_cast %swap3A_923 : vector<1x1x16xf32> to vector<16xf32>
        %swap3A_925 = vector.shape_cast %select_n3A_918 : vector<16xf32> to vector<1x1x16xf32>
        tpu.vector_store %arg5[%swap3A_920, %swap3A_921, %swap3A_922], %swap3A_925 {strides = array<i32>} : memref<16x8x128xf32, #tpu.memory_space<vmem>>, vector<1x1x16xf32>,
        %gt3A_926 = arith.cmpf ogt, %get3A_692, %sub3A_774 : vector<16xf32>
        %jit3A_927 = arith.constant 0.000000e+00 : f32
        %broadcast_in_dim3A_928 = vector.broadcast %jit3A_927 : f32 to vector<16xf32>
        %select_n3A_929 = arith.select %gt3A_926, %get3A_692, %broadcast_in_dim3A_928 : vector<16xi1>, vector<16xf32>
        %swap3A_930 = arith.constant 14 : i32
        %swap3A_931 = arith.index_cast %swap3A_930 : i32 to index
        %swap3A_932 = arith.index_cast %select_n3A_585 : i32 to index
        %swap3A_933 = arith.index_cast %mul3A_603 : i32 to index
        %swap3A_934 = tpu.vector_load %arg5[%swap3A_931, %swap3A_932, %swap3A_933] {strides = array<i32>} : memref<16x8x128xf32, #tpu.memory_space<vmem>>, vector<1x1x16xf32>,
        %swap3A_935 = vector.shape_cast %swap3A_934 : vector<1x1x16xf32> to vector<16xf32>
        %swap3A_936 = vector.shape_cast %select_n3A_929 : vector<16xf32> to vector<1x1x16xf32>
        tpu.vector_store %arg5[%swap3A_931, %swap3A_932, %swap3A_933], %swap3A_936 {strides = array<i32>} : memref<16x8x128xf32, #tpu.memory_space<vmem>>, vector<1x1x16xf32>,
        %gt3A_937 = arith.cmpf ogt, %get3A_698, %sub3A_774 : vector<16xf32>
        %jit3A_938 = arith.constant 0.000000e+00 : f32
        %broadcast_in_dim3A_939 = vector.broadcast %jit3A_938 : f32 to vector<16xf32>
        %select_n3A_940 = arith.select %gt3A_937, %get3A_698, %broadcast_in_dim3A_939 : vector<16xi1>, vector<16xf32>
        %swap3A_941 = arith.constant 15 : i32
        %swap3A_942 = arith.index_cast %swap3A_941 : i32 to index
        %swap3A_943 = arith.index_cast %select_n3A_585 : i32 to index
        %swap3A_944 = arith.index_cast %mul3A_603 : i32 to index
        %swap3A_945 = tpu.vector_load %arg5[%swap3A_942, %swap3A_943, %swap3A_944] {strides = array<i32>} : memref<16x8x128xf32, #tpu.memory_space<vmem>>, vector<1x1x16xf32>,
        %swap3A_946 = vector.shape_cast %swap3A_945 : vector<1x1x16xf32> to vector<16xf32>
        %swap3A_947 = vector.shape_cast %select_n3A_940 : vector<16xf32> to vector<1x1x16xf32>
        tpu.vector_store %arg5[%swap3A_942, %swap3A_943, %swap3A_944], %swap3A_947 {strides = array<i32>} : memref<16x8x128xf32, #tpu.memory_space<vmem>>, vector<1x1x16xf32>,
      }
      %scan3A_271 = arith.constant 64 : i32
      %jit3A_272 = arith.constant 16 : i32
      %div3A_273 = arith.divsi %add3A_207, %jit3A_272 : i32
      %sign3A_274 = arith.constant 0 : i32
      %sign3A_275 = arith.cmpi sgt, %add3A_207, %sign3A_274 : i32
      %sign3A_276 = arith.extui %sign3A_275 : i1 to i32
      %sign3A_277 = arith.constant 0 : i32
      %sign3A_278 = arith.cmpi slt, %add3A_207, %sign3A_277 : i32
      %sign3A_279 = arith.extui %sign3A_278 : i1 to i32
      %sign3A_280 = arith.subi %sign3A_276, %sign3A_279 : i32
      %sign3A_281 = arith.constant 0 : i32
      %sign3A_282 = arith.cmpi sgt, %jit3A_272, %sign3A_281 : i32
      %sign3A_283 = arith.extui %sign3A_282 : i1 to i32
      %sign3A_284 = arith.constant 0 : i32
      %sign3A_285 = arith.cmpi slt, %jit3A_272, %sign3A_284 : i32
      %sign3A_286 = arith.extui %sign3A_285 : i1 to i32
      %sign3A_287 = arith.subi %sign3A_283, %sign3A_286 : i32
      %ne3A_288 = arith.cmpi ne, %sign3A_280, %sign3A_287 : i32
      %rem3A_289 = arith.remsi %add3A_207, %jit3A_272 : i32
      %ne3A_290 = arith.constant 0 : i32
      %ne3A_291 = arith.cmpi ne, %rem3A_289, %ne3A_290 : i32
      %and3A_292 = arith.andi %ne3A_288, %ne3A_291 : i1
      %sub3A_293 = arith.constant 1 : i32
      %sub3A_294 = arith.subi %div3A_273, %sub3A_293 : i32
      %select_n3A_295 = arith.select %and3A_292, %sub3A_294, %div3A_273 : i32
      %jit3A_296 = arith.constant 16 : i32
      %eq3A_297 = arith.constant 0 : i32
      %eq3A_298 = arith.cmpi eq, %jit3A_296, %eq3A_297 : i32
      %jit3A_299 = arith.constant 1 : i32
      %select_n3A_300 = arith.select %eq3A_298, %jit3A_299, %jit3A_296 : i32
      %rem3A_301 = arith.remsi %add3A_207, %select_n3A_300 : i32
      %ne3A_302 = arith.constant 0 : i32
      %ne3A_303 = arith.cmpi ne, %rem3A_301, %ne3A_302 : i32
      %lt3A_304 = arith.constant 0 : i32
      %lt3A_305 = arith.cmpi slt, %rem3A_301, %lt3A_304 : i32
      %lt3A_306 = arith.constant 0 : i32
      %lt3A_307 = arith.cmpi slt, %select_n3A_300, %lt3A_306 : i32
      %ne3A_308 = arith.xori %lt3A_305, %lt3A_307 : i1
      %and3A_309 = arith.andi %ne3A_308, %ne3A_303 : i1
      %add3A_310 = arith.addi %rem3A_301, %select_n3A_300 : i32
      %select_n3A_311 = arith.select %and3A_309, %add3A_310, %rem3A_301 : i32
      %mul3A_312 = arith.constant 8 : i32
      %mul3A_313 = arith.muli %select_n3A_295, %mul3A_312 : i32
      %add3A_314 = arith.addi %select_n3A_32, %mul3A_313 : i32
      %mul3A_315 = arith.constant 128 : i32
      %mul3A_316 = arith.muli %select_n3A_311, %mul3A_315 : i32
      %dma_start3A_317 = arith.constant 0 : i32
      %dma_start3A_318 = tpu.memref_slice %arg3[%select_n3A, %dma_start3A_317, %add3A_314, %mul3A_316] : memref<2x16x512x2048xf32, #tpu.memory_space<hbm>> -> memref<1x16x8x128xf32, #tpu.memory_space<hbm>>
      %dma_start3A_319 = tpu.memref_squeeze %dma_start3A_318 : memref<1x16x8x128xf32, #tpu.memory_space<hbm>> -> memref<16x8x128xf32, #tpu.memory_space<hbm>>
      %dma_start3A_320 = arith.constant 0 : i32
      %dma_start3A_321 = tpu.memref_slice %arg3[%select_n3A, %dma_start3A_320, %add3A_314, %mul3A_316] : memref<2x16x512x2048xf32, #tpu.memory_space<hbm>> -> memref<1x16x8x128xf32, #tpu.memory_space<hbm>>
      %dma_start3A_322 = tpu.memref_squeeze %dma_start3A_321 : memref<1x16x8x128xf32, #tpu.memory_space<hbm>> -> memref<16x8x128xf32, #tpu.memory_space<hbm>>
      tpu.enqueue_dma source(%arg5 : memref<16x8x128xf32, #tpu.memory_space<vmem>>) target(%dma_start3A_322 : memref<16x8x128xf32, #tpu.memory_space<hbm>>) target_semaphore(%arg13 : memref<!tpu.dma_semaphore, #tpu.memory_space<semaphore_mem>>)
      %mul3A_323 = arith.constant 4 : i32
      %mul3A_324 = arith.muli %scan3A_86, %mul3A_323 : i32
      %add3A_325 = arith.constant 2 : i32
      %add3A_326 = arith.addi %mul3A_324, %add3A_325 : i32
      %add3A_327 = arith.constant 1 : i32
      %add3A_328 = arith.addi %add3A_326, %add3A_327 : i32
      %lt3A_329 = arith.constant 64 : i32
      %lt3A_330 = arith.cmpi slt, %add3A_328, %lt3A_329 : i32
      %convert_element_type3A_331 = arith.extui %lt3A_330 : i1 to i32
      %cond3A_332 = arith.constant 0 : i32
      %cond3A_333 = arith.cmpi ne, %convert_element_type3A_331, %cond3A_332 : i32
      scf.if %cond3A_333 {
        %ge3A = arith.constant 4 : i32
        %ge3A_561 = arith.cmpi sge, %add3A_328, %ge3A : i32
        %convert_element_type3A_562 = arith.extui %ge3A_561 : i1 to i32
        %cond3A_563 = arith.constant 0 : i32
        %cond3A_564 = arith.cmpi ne, %convert_element_type3A_562, %cond3A_563 : i32
        scf.if %cond3A_564 {
          %sub3A_616 = arith.constant 4 : i32
          %sub3A_617 = arith.subi %add3A_328, %sub3A_616 : i32
          %jit3A_618 = arith.constant 16 : i32
          %div3A_619 = arith.divsi %sub3A_617, %jit3A_618 : i32
          %sign3A_620 = arith.constant 0 : i32
          %sign3A_621 = arith.cmpi sgt, %sub3A_617, %sign3A_620 : i32
          %sign3A_622 = arith.extui %sign3A_621 : i1 to i32
          %sign3A_623 = arith.constant 0 : i32
          %sign3A_624 = arith.cmpi slt, %sub3A_617, %sign3A_623 : i32
          %sign3A_625 = arith.extui %sign3A_624 : i1 to i32
          %sign3A_626 = arith.subi %sign3A_622, %sign3A_625 : i32
          %sign3A_627 = arith.constant 0 : i32
          %sign3A_628 = arith.cmpi sgt, %jit3A_618, %sign3A_627 : i32
          %sign3A_629 = arith.extui %sign3A_628 : i1 to i32
          %sign3A_630 = arith.constant 0 : i32
          %sign3A_631 = arith.cmpi slt, %jit3A_618, %sign3A_630 : i32
          %sign3A_632 = arith.extui %sign3A_631 : i1 to i32
          %sign3A_633 = arith.subi %sign3A_629, %sign3A_632 : i32
          %ne3A_634 = arith.cmpi ne, %sign3A_626, %sign3A_633 : i32
          %rem3A_635 = arith.remsi %sub3A_617, %jit3A_618 : i32
          %ne3A_636 = arith.constant 0 : i32
          %ne3A_637 = arith.cmpi ne, %rem3A_635, %ne3A_636 : i32
          %and3A_638 = arith.andi %ne3A_634, %ne3A_637 : i1
          %sub3A_639 = arith.constant 1 : i32
          %sub3A_640 = arith.subi %div3A_619, %sub3A_639 : i32
          %select_n3A_641 = arith.select %and3A_638, %sub3A_640, %div3A_619 : i32
          %jit3A_642 = arith.constant 16 : i32
          %eq3A_643 = arith.constant 0 : i32
          %eq3A_644 = arith.cmpi eq, %jit3A_642, %eq3A_643 : i32
          %jit3A_645 = arith.constant 1 : i32
          %select_n3A_646 = arith.select %eq3A_644, %jit3A_645, %jit3A_642 : i32
          %rem3A_647 = arith.remsi %sub3A_617, %select_n3A_646 : i32
          %ne3A_648 = arith.constant 0 : i32
          %ne3A_649 = arith.cmpi ne, %rem3A_647, %ne3A_648 : i32
          %lt3A_650 = arith.constant 0 : i32
          %lt3A_651 = arith.cmpi slt, %rem3A_647, %lt3A_650 : i32
          %lt3A_652 = arith.constant 0 : i32
          %lt3A_653 = arith.cmpi slt, %select_n3A_646, %lt3A_652 : i32
          %ne3A_654 = arith.xori %lt3A_651, %lt3A_653 : i1
          %and3A_655 = arith.andi %ne3A_654, %ne3A_649 : i1
          %add3A_656 = arith.addi %rem3A_647, %select_n3A_646 : i32
          %select_n3A_657 = arith.select %and3A_655, %add3A_656, %rem3A_647 : i32
          %mul3A_658 = arith.constant 8 : i32
          %mul3A_659 = arith.muli %select_n3A_641, %mul3A_658 : i32
          %add3A_660 = arith.addi %select_n3A_32, %mul3A_659 : i32
          %mul3A_661 = arith.constant 128 : i32
          %mul3A_662 = arith.muli %select_n3A_657, %mul3A_661 : i32
          %dma_wait3A_663 = arith.constant 0 : i32
          %dma_wait3A_664 = tpu.memref_slice %arg3[%select_n3A, %dma_wait3A_663, %add3A_660, %mul3A_662] : memref<2x16x512x2048xf32, #tpu.memory_space<hbm>> -> memref<1x16x8x128xf32, #tpu.memory_space<hbm>>
          %dma_wait3A_665 = tpu.memref_squeeze %dma_wait3A_664 : memref<1x16x8x128xf32, #tpu.memory_space<hbm>> -> memref<16x8x128xf32, #tpu.memory_space<hbm>>
          %dma_wait3A_666 = arith.constant 0 : i32
          %dma_wait3A_667 = tpu.memref_slice %arg3[%select_n3A, %dma_wait3A_666, %add3A_660, %mul3A_662] : memref<2x16x512x2048xf32, #tpu.memory_space<hbm>> -> memref<1x16x8x128xf32, #tpu.memory_space<hbm>>
          %dma_wait3A_668 = tpu.memref_squeeze %dma_wait3A_667 : memref<1x16x8x128xf32, #tpu.memory_space<hbm>> -> memref<16x8x128xf32, #tpu.memory_space<hbm>>
          tpu.wait_dma2 semaphore(%arg15 : memref<!tpu.dma_semaphore, #tpu.memory_space<semaphore_mem>>) src(%arg7 : memref<16x8x128xf32, #tpu.memory_space<vmem>>) dst(%dma_wait3A_668 : memref<16x8x128xf32, #tpu.memory_space<hbm>>)
        } else {
        }
        %jit3A_565 = arith.constant 16 : i32
        %div3A_566 = arith.divsi %add3A_328, %jit3A_565 : i32
        %sign3A_567 = arith.constant 0 : i32
        %sign3A_568 = arith.cmpi sgt, %add3A_328, %sign3A_567 : i32
        %sign3A_569 = arith.extui %sign3A_568 : i1 to i32
        %sign3A_570 = arith.constant 0 : i32
        %sign3A_571 = arith.cmpi slt, %add3A_328, %sign3A_570 : i32
        %sign3A_572 = arith.extui %sign3A_571 : i1 to i32
        %sign3A_573 = arith.subi %sign3A_569, %sign3A_572 : i32
        %sign3A_574 = arith.constant 0 : i32
        %sign3A_575 = arith.cmpi sgt, %jit3A_565, %sign3A_574 : i32
        %sign3A_576 = arith.extui %sign3A_575 : i1 to i32
        %sign3A_577 = arith.constant 0 : i32
        %sign3A_578 = arith.cmpi slt, %jit3A_565, %sign3A_577 : i32
        %sign3A_579 = arith.extui %sign3A_578 : i1 to i32
        %sign3A_580 = arith.subi %sign3A_576, %sign3A_579 : i32
        %ne3A_581 = arith.cmpi ne, %sign3A_573, %sign3A_580 : i32
        %rem3A_582 = arith.remsi %add3A_328, %jit3A_565 : i32
        %ne3A_583 = arith.constant 0 : i32
        %ne3A_584 = arith.cmpi ne, %rem3A_582, %ne3A_583 : i32
        %and3A_585 = arith.andi %ne3A_581, %ne3A_584 : i1
        %sub3A_586 = arith.constant 1 : i32
        %sub3A_587 = arith.subi %div3A_566, %sub3A_586 : i32
        %select_n3A_588 = arith.select %and3A_585, %sub3A_587, %div3A_566 : i32
        %jit3A_589 = arith.constant 16 : i32
        %eq3A_590 = arith.constant 0 : i32
        %eq3A_591 = arith.cmpi eq, %jit3A_589, %eq3A_590 : i32
        %jit3A_592 = arith.constant 1 : i32
        %select_n3A_593 = arith.select %eq3A_591, %jit3A_592, %jit3A_589 : i32
        %rem3A_594 = arith.remsi %add3A_328, %select_n3A_593 : i32
        %ne3A_595 = arith.constant 0 : i32
        %ne3A_596 = arith.cmpi ne, %rem3A_594, %ne3A_595 : i32
        %lt3A_597 = arith.constant 0 : i32
        %lt3A_598 = arith.cmpi slt, %rem3A_594, %lt3A_597 : i32
        %lt3A_599 = arith.constant 0 : i32
        %lt3A_600 = arith.cmpi slt, %select_n3A_593, %lt3A_599 : i32
        %ne3A_601 = arith.xori %lt3A_598, %lt3A_600 : i1
        %and3A_602 = arith.andi %ne3A_601, %ne3A_596 : i1
        %add3A_603 = arith.addi %rem3A_594, %select_n3A_593 : i32
        %select_n3A_604 = arith.select %and3A_602, %add3A_603, %rem3A_594 : i32
        %mul3A_605 = arith.constant 8 : i32
        %mul3A_606 = arith.muli %select_n3A_588, %mul3A_605 : i32
        %add3A_607 = arith.addi %select_n3A_32, %mul3A_606 : i32
        %mul3A_608 = arith.constant 128 : i32
        %mul3A_609 = arith.muli %select_n3A_604, %mul3A_608 : i32
        %dma_start3A_610 = arith.constant 0 : i32
        %dma_start3A_611 = tpu.memref_slice %arg2[%select_n3A, %dma_start3A_610, %add3A_607, %mul3A_609] : memref<2x16x512x2048xf32, #tpu.memory_space<hbm>> -> memref<1x16x8x128xf32, #tpu.memory_space<hbm>>
        %dma_start3A_612 = tpu.memref_squeeze %dma_start3A_611 : memref<1x16x8x128xf32, #tpu.memory_space<hbm>> -> memref<16x8x128xf32, #tpu.memory_space<hbm>>
        %dma_start3A_613 = arith.constant 0 : i32
        %dma_start3A_614 = tpu.memref_slice %arg2[%select_n3A, %dma_start3A_613, %add3A_607, %mul3A_609] : memref<2x16x512x2048xf32, #tpu.memory_space<hbm>> -> memref<1x16x8x128xf32, #tpu.memory_space<hbm>>
        %dma_start3A_615 = tpu.memref_squeeze %dma_start3A_614 : memref<1x16x8x128xf32, #tpu.memory_space<hbm>> -> memref<16x8x128xf32, #tpu.memory_space<hbm>>
        tpu.enqueue_dma source(%dma_start3A_615 : memref<16x8x128xf32, #tpu.memory_space<hbm>>) target(%arg7 : memref<16x8x128xf32, #tpu.memory_space<vmem>>) target_semaphore(%arg11 : memref<!tpu.dma_semaphore, #tpu.memory_space<semaphore_mem>>)
      } else {
      }
      %jit3A_334 = arith.constant 16 : i32
      %div3A_335 = arith.divsi %add3A_326, %jit3A_334 : i32
      %sign3A_336 = arith.constant 0 : i32
      %sign3A_337 = arith.cmpi sgt, %add3A_326, %sign3A_336 : i32
      %sign3A_338 = arith.extui %sign3A_337 : i1 to i32
      %sign3A_339 = arith.constant 0 : i32
      %sign3A_340 = arith.cmpi slt, %add3A_326, %sign3A_339 : i32
      %sign3A_341 = arith.extui %sign3A_340 : i1 to i32
      %sign3A_342 = arith.subi %sign3A_338, %sign3A_341 : i32
      %sign3A_343 = arith.constant 0 : i32
      %sign3A_344 = arith.cmpi sgt, %jit3A_334, %sign3A_343 : i32
      %sign3A_345 = arith.extui %sign3A_344 : i1 to i32
      %sign3A_346 = arith.constant 0 : i32
      %sign3A_347 = arith.cmpi slt, %jit3A_334, %sign3A_346 : i32
      %sign3A_348 = arith.extui %sign3A_347 : i1 to i32
      %sign3A_349 = arith.subi %sign3A_345, %sign3A_348 : i32
      %ne3A_350 = arith.cmpi ne, %sign3A_342, %sign3A_349 : i32
      %rem3A_351 = arith.remsi %add3A_326, %jit3A_334 : i32
      %ne3A_352 = arith.constant 0 : i32
      %ne3A_353 = arith.cmpi ne, %rem3A_351, %ne3A_352 : i32
      %and3A_354 = arith.andi %ne3A_350, %ne3A_353 : i1
      %sub3A_355 = arith.constant 1 : i32
      %sub3A_356 = arith.subi %div3A_335, %sub3A_355 : i32
      %select_n3A_357 = arith.select %and3A_354, %sub3A_356, %div3A_335 : i32
      %jit3A_358 = arith.constant 16 : i32
      %eq3A_359 = arith.constant 0 : i32
      %eq3A_360 = arith.cmpi eq, %jit3A_358, %eq3A_359 : i32
      %jit3A_361 = arith.constant 1 : i32
      %select_n3A_362 = arith.select %eq3A_360, %jit3A_361, %jit3A_358 : i32
      %rem3A_363 = arith.remsi %add3A_326, %select_n3A_362 : i32
      %ne3A_364 = arith.constant 0 : i32
      %ne3A_365 = arith.cmpi ne, %rem3A_363, %ne3A_364 : i32
      %lt3A_366 = arith.constant 0 : i32
      %lt3A_367 = arith.cmpi slt, %rem3A_363, %lt3A_366 : i32
      %lt3A_368 = arith.constant 0 : i32
      %lt3A_369 = arith.cmpi slt, %select_n3A_362, %lt3A_368 : i32
      %ne3A_370 = arith.xori %lt3A_367, %lt3A_369 : i1
      %and3A_371 = arith.andi %ne3A_370, %ne3A_365 : i1
      %add3A_372 = arith.addi %rem3A_363, %select_n3A_362 : i32
      %select_n3A_373 = arith.select %and3A_371, %add3A_372, %rem3A_363 : i32
      %mul3A_374 = arith.constant 8 : i32
      %mul3A_375 = arith.muli %select_n3A_357, %mul3A_374 : i32
      %add3A_376 = arith.addi %select_n3A_32, %mul3A_375 : i32
      %mul3A_377 = arith.constant 128 : i32
      %mul3A_378 = arith.muli %select_n3A_373, %mul3A_377 : i32
      %dma_wait3A_379 = arith.constant 0 : i32
      %dma_wait3A_380 = tpu.memref_slice %arg2[%select_n3A, %dma_wait3A_379, %add3A_376, %mul3A_378] : memref<2x16x512x2048xf32, #tpu.memory_space<hbm>> -> memref<1x16x8x128xf32, #tpu.memory_space<hbm>>
      %dma_wait3A_381 = tpu.memref_squeeze %dma_wait3A_380 : memref<1x16x8x128xf32, #tpu.memory_space<hbm>> -> memref<16x8x128xf32, #tpu.memory_space<hbm>>
      %dma_wait3A_382 = arith.constant 0 : i32
      %dma_wait3A_383 = tpu.memref_slice %arg2[%select_n3A, %dma_wait3A_382, %add3A_376, %mul3A_378] : memref<2x16x512x2048xf32, #tpu.memory_space<hbm>> -> memref<1x16x8x128xf32, #tpu.memory_space<hbm>>
      %dma_wait3A_384 = tpu.memref_squeeze %dma_wait3A_383 : memref<1x16x8x128xf32, #tpu.memory_space<hbm>> -> memref<16x8x128xf32, #tpu.memory_space<hbm>>
      tpu.wait_dma2 semaphore(%arg10 : memref<!tpu.dma_semaphore, #tpu.memory_space<semaphore_mem>>) src(%dma_wait3A_384 : memref<16x8x128xf32, #tpu.memory_space<hbm>>) dst(%arg6 : memref<16x8x128xf32, #tpu.memory_space<vmem>>)
      %scan3A_385 = arith.constant 0 : i32
      %scan3A_386 = arith.constant 0 : i32
      %scan3A_387 = arith.constant 64 : i32
      %scan3A_388 = arith.addi %scan3A_386, %scan3A_387 : i32
      %scan3A_389 = arith.constant 1 : i32
      scf.for %scan3A_561 = %scan3A_386 to %scan3A_388 step %scan3A_389  : i32 {
        %jit3A_562 = arith.constant 8 : i32
        %div3A_563 = arith.divsi %scan3A_561, %jit3A_562 : i32
        %sign3A_564 = arith.constant 0 : i32
        %sign3A_565 = arith.cmpi sgt, %scan3A_561, %sign3A_564 : i32
        %sign3A_566 = arith.extui %sign3A_565 : i1 to i32
        %sign3A_567 = arith.constant 0 : i32
        %sign3A_568 = arith.cmpi slt, %scan3A_561, %sign3A_567 : i32
        %sign3A_569 = arith.extui %sign3A_568 : i1 to i32
        %sign3A_570 = arith.subi %sign3A_566, %sign3A_569 : i32
        %sign3A_571 = arith.constant 0 : i32
        %sign3A_572 = arith.cmpi sgt, %jit3A_562, %sign3A_571 : i32
        %sign3A_573 = arith.extui %sign3A_572 : i1 to i32
        %sign3A_574 = arith.constant 0 : i32
        %sign3A_575 = arith.cmpi slt, %jit3A_562, %sign3A_574 : i32
        %sign3A_576 = arith.extui %sign3A_575 : i1 to i32
        %sign3A_577 = arith.subi %sign3A_573, %sign3A_576 : i32
        %ne3A_578 = arith.cmpi ne, %sign3A_570, %sign3A_577 : i32
        %rem3A_579 = arith.remsi %scan3A_561, %jit3A_562 : i32
        %ne3A_580 = arith.constant 0 : i32
        %ne3A_581 = arith.cmpi ne, %rem3A_579, %ne3A_580 : i32
        %and3A_582 = arith.andi %ne3A_578, %ne3A_581 : i1
        %sub3A_583 = arith.constant 1 : i32
        %sub3A_584 = arith.subi %div3A_563, %sub3A_583 : i32
        %select_n3A_585 = arith.select %and3A_582, %sub3A_584, %div3A_563 : i32
        %jit3A_586 = arith.constant 8 : i32
        %eq3A_587 = arith.constant 0 : i32
        %eq3A_588 = arith.cmpi eq, %jit3A_586, %eq3A_587 : i32
        %jit3A_589 = arith.constant 1 : i32
        %select_n3A_590 = arith.select %eq3A_588, %jit3A_589, %jit3A_586 : i32
        %rem3A_591 = arith.remsi %scan3A_561, %select_n3A_590 : i32
        %ne3A_592 = arith.constant 0 : i32
        %ne3A_593 = arith.cmpi ne, %rem3A_591, %ne3A_592 : i32
        %lt3A_594 = arith.constant 0 : i32
        %lt3A_595 = arith.cmpi slt, %rem3A_591, %lt3A_594 : i32
        %lt3A_596 = arith.constant 0 : i32
        %lt3A_597 = arith.cmpi slt, %select_n3A_590, %lt3A_596 : i32
        %ne3A_598 = arith.xori %lt3A_595, %lt3A_597 : i1
        %and3A_599 = arith.andi %ne3A_598, %ne3A_593 : i1
        %add3A_600 = arith.addi %rem3A_591, %select_n3A_590 : i32
        %select_n3A_601 = arith.select %and3A_599, %add3A_600, %rem3A_591 : i32
        %mul3A_602 = arith.constant 16 : i32
        %mul3A_603 = arith.muli %select_n3A_601, %mul3A_602 : i32
        %get3A = arith.constant 0 : i32
        %get3A_604 = arith.index_cast %get3A : i32 to index
        %get3A_605 = arith.index_cast %select_n3A_585 : i32 to index
        %get3A_606 = arith.index_cast %mul3A_603 : i32 to index
        %get3A_607 = tpu.vector_load %arg6[%get3A_604, %get3A_605, %get3A_606] {strides = array<i32>} : memref<16x8x128xf32, #tpu.memory_space<vmem>>, vector<1x1x16xf32>,
        %get3A_608 = vector.shape_cast %get3A_607 : vector<1x1x16xf32> to vector<16xf32>
        %get3A_609 = arith.constant 1 : i32
        %get3A_610 = arith.index_cast %get3A_609 : i32 to index
        %get3A_611 = arith.index_cast %select_n3A_585 : i32 to index
        %get3A_612 = arith.index_cast %mul3A_603 : i32 to index
        %get3A_613 = tpu.vector_load %arg6[%get3A_610, %get3A_611, %get3A_612] {strides = array<i32>} : memref<16x8x128xf32, #tpu.memory_space<vmem>>, vector<1x1x16xf32>,
        %get3A_614 = vector.shape_cast %get3A_613 : vector<1x1x16xf32> to vector<16xf32>
        %get3A_615 = arith.constant 2 : i32
        %get3A_616 = arith.index_cast %get3A_615 : i32 to index
        %get3A_617 = arith.index_cast %select_n3A_585 : i32 to index
        %get3A_618 = arith.index_cast %mul3A_603 : i32 to index
        %get3A_619 = tpu.vector_load %arg6[%get3A_616, %get3A_617, %get3A_618] {strides = array<i32>} : memref<16x8x128xf32, #tpu.memory_space<vmem>>, vector<1x1x16xf32>,
        %get3A_620 = vector.shape_cast %get3A_619 : vector<1x1x16xf32> to vector<16xf32>
        %get3A_621 = arith.constant 3 : i32
        %get3A_622 = arith.index_cast %get3A_621 : i32 to index
        %get3A_623 = arith.index_cast %select_n3A_585 : i32 to index
        %get3A_624 = arith.index_cast %mul3A_603 : i32 to index
        %get3A_625 = tpu.vector_load %arg6[%get3A_622, %get3A_623, %get3A_624] {strides = array<i32>} : memref<16x8x128xf32, #tpu.memory_space<vmem>>, vector<1x1x16xf32>,
        %get3A_626 = vector.shape_cast %get3A_625 : vector<1x1x16xf32> to vector<16xf32>
        %get3A_627 = arith.constant 4 : i32
        %get3A_628 = arith.index_cast %get3A_627 : i32 to index
        %get3A_629 = arith.index_cast %select_n3A_585 : i32 to index
        %get3A_630 = arith.index_cast %mul3A_603 : i32 to index
        %get3A_631 = tpu.vector_load %arg6[%get3A_628, %get3A_629, %get3A_630] {strides = array<i32>} : memref<16x8x128xf32, #tpu.memory_space<vmem>>, vector<1x1x16xf32>,
        %get3A_632 = vector.shape_cast %get3A_631 : vector<1x1x16xf32> to vector<16xf32>
        %get3A_633 = arith.constant 5 : i32
        %get3A_634 = arith.index_cast %get3A_633 : i32 to index
        %get3A_635 = arith.index_cast %select_n3A_585 : i32 to index
        %get3A_636 = arith.index_cast %mul3A_603 : i32 to index
        %get3A_637 = tpu.vector_load %arg6[%get3A_634, %get3A_635, %get3A_636] {strides = array<i32>} : memref<16x8x128xf32, #tpu.memory_space<vmem>>, vector<1x1x16xf32>,
        %get3A_638 = vector.shape_cast %get3A_637 : vector<1x1x16xf32> to vector<16xf32>
        %get3A_639 = arith.constant 6 : i32
        %get3A_640 = arith.index_cast %get3A_639 : i32 to index
        %get3A_641 = arith.index_cast %select_n3A_585 : i32 to index
        %get3A_642 = arith.index_cast %mul3A_603 : i32 to index
        %get3A_643 = tpu.vector_load %arg6[%get3A_640, %get3A_641, %get3A_642] {strides = array<i32>} : memref<16x8x128xf32, #tpu.memory_space<vmem>>, vector<1x1x16xf32>,
        %get3A_644 = vector.shape_cast %get3A_643 : vector<1x1x16xf32> to vector<16xf32>
        %get3A_645 = arith.constant 7 : i32
        %get3A_646 = arith.index_cast %get3A_645 : i32 to index
        %get3A_647 = arith.index_cast %select_n3A_585 : i32 to index
        %get3A_648 = arith.index_cast %mul3A_603 : i32 to index
        %get3A_649 = tpu.vector_load %arg6[%get3A_646, %get3A_647, %get3A_648] {strides = array<i32>} : memref<16x8x128xf32, #tpu.memory_space<vmem>>, vector<1x1x16xf32>,
        %get3A_650 = vector.shape_cast %get3A_649 : vector<1x1x16xf32> to vector<16xf32>
        %get3A_651 = arith.constant 8 : i32
        %get3A_652 = arith.index_cast %get3A_651 : i32 to index
        %get3A_653 = arith.index_cast %select_n3A_585 : i32 to index
        %get3A_654 = arith.index_cast %mul3A_603 : i32 to index
        %get3A_655 = tpu.vector_load %arg6[%get3A_652, %get3A_653, %get3A_654] {strides = array<i32>} : memref<16x8x128xf32, #tpu.memory_space<vmem>>, vector<1x1x16xf32>,
        %get3A_656 = vector.shape_cast %get3A_655 : vector<1x1x16xf32> to vector<16xf32>
        %get3A_657 = arith.constant 9 : i32
        %get3A_658 = arith.index_cast %get3A_657 : i32 to index
        %get3A_659 = arith.index_cast %select_n3A_585 : i32 to index
        %get3A_660 = arith.index_cast %mul3A_603 : i32 to index
        %get3A_661 = tpu.vector_load %arg6[%get3A_658, %get3A_659, %get3A_660] {strides = array<i32>} : memref<16x8x128xf32, #tpu.memory_space<vmem>>, vector<1x1x16xf32>,
        %get3A_662 = vector.shape_cast %get3A_661 : vector<1x1x16xf32> to vector<16xf32>
        %get3A_663 = arith.constant 10 : i32
        %get3A_664 = arith.index_cast %get3A_663 : i32 to index
        %get3A_665 = arith.index_cast %select_n3A_585 : i32 to index
        %get3A_666 = arith.index_cast %mul3A_603 : i32 to index
        %get3A_667 = tpu.vector_load %arg6[%get3A_664, %get3A_665, %get3A_666] {strides = array<i32>} : memref<16x8x128xf32, #tpu.memory_space<vmem>>, vector<1x1x16xf32>,
        %get3A_668 = vector.shape_cast %get3A_667 : vector<1x1x16xf32> to vector<16xf32>
        %get3A_669 = arith.constant 11 : i32
        %get3A_670 = arith.index_cast %get3A_669 : i32 to index
        %get3A_671 = arith.index_cast %select_n3A_585 : i32 to index
        %get3A_672 = arith.index_cast %mul3A_603 : i32 to index
        %get3A_673 = tpu.vector_load %arg6[%get3A_670, %get3A_671, %get3A_672] {strides = array<i32>} : memref<16x8x128xf32, #tpu.memory_space<vmem>>, vector<1x1x16xf32>,
        %get3A_674 = vector.shape_cast %get3A_673 : vector<1x1x16xf32> to vector<16xf32>
        %get3A_675 = arith.constant 12 : i32
        %get3A_676 = arith.index_cast %get3A_675 : i32 to index
        %get3A_677 = arith.index_cast %select_n3A_585 : i32 to index
        %get3A_678 = arith.index_cast %mul3A_603 : i32 to index
        %get3A_679 = tpu.vector_load %arg6[%get3A_676, %get3A_677, %get3A_678] {strides = array<i32>} : memref<16x8x128xf32, #tpu.memory_space<vmem>>, vector<1x1x16xf32>,
        %get3A_680 = vector.shape_cast %get3A_679 : vector<1x1x16xf32> to vector<16xf32>
        %get3A_681 = arith.constant 13 : i32
        %get3A_682 = arith.index_cast %get3A_681 : i32 to index
        %get3A_683 = arith.index_cast %select_n3A_585 : i32 to index
        %get3A_684 = arith.index_cast %mul3A_603 : i32 to index
        %get3A_685 = tpu.vector_load %arg6[%get3A_682, %get3A_683, %get3A_684] {strides = array<i32>} : memref<16x8x128xf32, #tpu.memory_space<vmem>>, vector<1x1x16xf32>,
        %get3A_686 = vector.shape_cast %get3A_685 : vector<1x1x16xf32> to vector<16xf32>
        %get3A_687 = arith.constant 14 : i32
        %get3A_688 = arith.index_cast %get3A_687 : i32 to index
        %get3A_689 = arith.index_cast %select_n3A_585 : i32 to index
        %get3A_690 = arith.index_cast %mul3A_603 : i32 to index
        %get3A_691 = tpu.vector_load %arg6[%get3A_688, %get3A_689, %get3A_690] {strides = array<i32>} : memref<16x8x128xf32, #tpu.memory_space<vmem>>, vector<1x1x16xf32>,
        %get3A_692 = vector.shape_cast %get3A_691 : vector<1x1x16xf32> to vector<16xf32>
        %get3A_693 = arith.constant 15 : i32
        %get3A_694 = arith.index_cast %get3A_693 : i32 to index
        %get3A_695 = arith.index_cast %select_n3A_585 : i32 to index
        %get3A_696 = arith.index_cast %mul3A_603 : i32 to index
        %get3A_697 = tpu.vector_load %arg6[%get3A_694, %get3A_695, %get3A_696] {strides = array<i32>} : memref<16x8x128xf32, #tpu.memory_space<vmem>>, vector<1x1x16xf32>,
        %get3A_698 = vector.shape_cast %get3A_697 : vector<1x1x16xf32> to vector<16xf32>
        %min3A = arith.minimumf %get3A_608, %get3A_614 : vector<16xf32>
        %max3A = arith.maximumf %get3A_608, %get3A_614 : vector<16xf32>
        %min3A_699 = arith.minimumf %get3A_620, %get3A_626 : vector<16xf32>
        %max3A_700 = arith.maximumf %get3A_620, %get3A_626 : vector<16xf32>
        %min3A_701 = arith.minimumf %min3A, %min3A_699 : vector<16xf32>
        %max3A_702 = arith.maximumf %min3A, %min3A_699 : vector<16xf32>
        %min3A_703 = arith.minimumf %max3A, %max3A_700 : vector<16xf32>
        %max3A_704 = arith.maximumf %max3A, %max3A_700 : vector<16xf32>
        %min3A_705 = arith.minimumf %min3A_703, %max3A_702 : vector<16xf32>
        %max3A_706 = arith.maximumf %min3A_703, %max3A_702 : vector<16xf32>
        %min3A_707 = arith.minimumf %get3A_632, %get3A_638 : vector<16xf32>
        %max3A_708 = arith.maximumf %get3A_632, %get3A_638 : vector<16xf32>
        %min3A_709 = arith.minimumf %get3A_644, %get3A_650 : vector<16xf32>
        %max3A_710 = arith.maximumf %get3A_644, %get3A_650 : vector<16xf32>
        %min3A_711 = arith.minimumf %min3A_707, %min3A_709 : vector<16xf32>
        %max3A_712 = arith.maximumf %min3A_707, %min3A_709 : vector<16xf32>
        %min3A_713 = arith.minimumf %max3A_708, %max3A_710 : vector<16xf32>
        %max3A_714 = arith.maximumf %max3A_708, %max3A_710 : vector<16xf32>
        %min3A_715 = arith.minimumf %min3A_713, %max3A_712 : vector<16xf32>
        %max3A_716 = arith.maximumf %min3A_713, %max3A_712 : vector<16xf32>
        %min3A_717 = arith.minimumf %get3A_656, %get3A_662 : vector<16xf32>
        %max3A_718 = arith.maximumf %get3A_656, %get3A_662 : vector<16xf32>
        %min3A_719 = arith.minimumf %get3A_668, %get3A_674 : vector<16xf32>
        %max3A_720 = arith.maximumf %get3A_668, %get3A_674 : vector<16xf32>
        %min3A_721 = arith.minimumf %min3A_717, %min3A_719 : vector<16xf32>
        %max3A_722 = arith.maximumf %min3A_717, %min3A_719 : vector<16xf32>
        %min3A_723 = arith.minimumf %max3A_718, %max3A_720 : vector<16xf32>
        %max3A_724 = arith.maximumf %max3A_718, %max3A_720 : vector<16xf32>
        %min3A_725 = arith.minimumf %min3A_723, %max3A_722 : vector<16xf32>
        %max3A_726 = arith.maximumf %min3A_723, %max3A_722 : vector<16xf32>
        %min3A_727 = arith.minimumf %get3A_680, %get3A_686 : vector<16xf32>
        %max3A_728 = arith.maximumf %get3A_680, %get3A_686 : vector<16xf32>
        %min3A_729 = arith.minimumf %get3A_692, %get3A_698 : vector<16xf32>
        %max3A_730 = arith.maximumf %get3A_692, %get3A_698 : vector<16xf32>
        %min3A_731 = arith.minimumf %min3A_727, %min3A_729 : vector<16xf32>
        %max3A_732 = arith.maximumf %min3A_727, %min3A_729 : vector<16xf32>
        %min3A_733 = arith.minimumf %max3A_728, %max3A_730 : vector<16xf32>
        %max3A_734 = arith.maximumf %max3A_728, %max3A_730 : vector<16xf32>
        %min3A_735 = arith.minimumf %min3A_733, %max3A_732 : vector<16xf32>
        %max3A_736 = arith.maximumf %min3A_733, %max3A_732 : vector<16xf32>
        %max3A_737 = arith.maximumf %min3A_701, %min3A_711 : vector<16xf32>
        %min3A_738 = arith.minimumf %max3A_706, %max3A_716 : vector<16xf32>
        %max3A_739 = arith.maximumf %max3A_706, %max3A_716 : vector<16xf32>
        %max3A_740 = arith.maximumf %min3A_738, %max3A_737 : vector<16xf32>
        %max3A_741 = arith.maximumf %min3A_705, %min3A_715 : vector<16xf32>
        %min3A_742 = arith.minimumf %max3A_704, %max3A_714 : vector<16xf32>
        %max3A_743 = arith.maximumf %max3A_704, %max3A_714 : vector<16xf32>
        %min3A_744 = arith.minimumf %min3A_742, %max3A_741 : vector<16xf32>
        %max3A_745 = arith.maximumf %min3A_742, %max3A_741 : vector<16xf32>
        %min3A_746 = arith.minimumf %min3A_744, %max3A_740 : vector<16xf32>
        %max3A_747 = arith.maximumf %min3A_744, %max3A_740 : vector<16xf32>
        %min3A_748 = arith.minimumf %max3A_745, %max3A_739 : vector<16xf32>
        %max3A_749 = arith.maximumf %max3A_745, %max3A_739 : vector<16xf32>
        %max3A_750 = arith.maximumf %min3A_721, %min3A_731 : vector<16xf32>
        %min3A_751 = arith.minimumf %max3A_726, %max3A_736 : vector<16xf32>
        %max3A_752 = arith.maximumf %max3A_726, %max3A_736 : vector<16xf32>
        %max3A_753 = arith.maximumf %min3A_751, %max3A_750 : vector<16xf32>
        %max3A_754 = arith.maximumf %min3A_725, %min3A_735 : vector<16xf32>
        %min3A_755 = arith.minimumf %max3A_724, %max3A_734 : vector<16xf32>
        %max3A_756 = arith.maximumf %max3A_724, %max3A_734 : vector<16xf32>
        %min3A_757 = arith.minimumf %min3A_755, %max3A_754 : vector<16xf32>
        %max3A_758 = arith.maximumf %min3A_755, %max3A_754 : vector<16xf32>
        %min3A_759 = arith.minimumf %min3A_757, %max3A_753 : vector<16xf32>
        %max3A_760 = arith.maximumf %min3A_757, %max3A_753 : vector<16xf32>
        %min3A_761 = arith.minimumf %max3A_758, %max3A_752 : vector<16xf32>
        %max3A_762 = arith.maximumf %max3A_758, %max3A_752 : vector<16xf32>
        %max3A_763 = arith.maximumf %max3A_743, %min3A_759 : vector<16xf32>
        %max3A_764 = arith.maximumf %max3A_749, %max3A_760 : vector<16xf32>
        %min3A_765 = arith.minimumf %max3A_763, %max3A_764 : vector<16xf32>
        %max3A_766 = arith.maximumf %min3A_748, %min3A_761 : vector<16xf32>
        %min3A_767 = arith.minimumf %min3A_765, %max3A_766 : vector<16xf32>
        %max3A_768 = arith.maximumf %max3A_747, %max3A_762 : vector<16xf32>
        %min3A_769 = arith.minimumf %min3A_767, %max3A_768 : vector<16xf32>
        %max3A_770 = arith.maximumf %min3A_746, %max3A_756 : vector<16xf32>
        %min3A_771 = arith.minimumf %min3A_769, %max3A_770 : vector<16xf32>
        %sub3A_772 = arith.constant 9.99999974E-5 : f32
        %sub3A_773 = vector.broadcast %sub3A_772 : f32 to vector<16xf32>
        %sub3A_774 = arith.subf %min3A_771, %sub3A_773 : vector<16xf32>
        %gt3A = arith.cmpf ogt, %get3A_608, %sub3A_774 : vector<16xf32>
        %jit3A_775 = arith.constant 0.000000e+00 : f32
        %broadcast_in_dim3A = vector.broadcast %jit3A_775 : f32 to vector<16xf32>
        %select_n3A_776 = arith.select %gt3A, %get3A_608, %broadcast_in_dim3A : vector<16xi1>, vector<16xf32>
        %swap3A = arith.constant 0 : i32
        %swap3A_777 = arith.index_cast %swap3A : i32 to index
        %swap3A_778 = arith.index_cast %select_n3A_585 : i32 to index
        %swap3A_779 = arith.index_cast %mul3A_603 : i32 to index
        %swap3A_780 = tpu.vector_load %arg6[%swap3A_777, %swap3A_778, %swap3A_779] {strides = array<i32>} : memref<16x8x128xf32, #tpu.memory_space<vmem>>, vector<1x1x16xf32>,
        %swap3A_781 = vector.shape_cast %swap3A_780 : vector<1x1x16xf32> to vector<16xf32>
        %swap3A_782 = vector.shape_cast %select_n3A_776 : vector<16xf32> to vector<1x1x16xf32>
        tpu.vector_store %arg6[%swap3A_777, %swap3A_778, %swap3A_779], %swap3A_782 {strides = array<i32>} : memref<16x8x128xf32, #tpu.memory_space<vmem>>, vector<1x1x16xf32>,
        %gt3A_783 = arith.cmpf ogt, %get3A_614, %sub3A_774 : vector<16xf32>
        %jit3A_784 = arith.constant 0.000000e+00 : f32
        %broadcast_in_dim3A_785 = vector.broadcast %jit3A_784 : f32 to vector<16xf32>
        %select_n3A_786 = arith.select %gt3A_783, %get3A_614, %broadcast_in_dim3A_785 : vector<16xi1>, vector<16xf32>
        %swap3A_787 = arith.constant 1 : i32
        %swap3A_788 = arith.index_cast %swap3A_787 : i32 to index
        %swap3A_789 = arith.index_cast %select_n3A_585 : i32 to index
        %swap3A_790 = arith.index_cast %mul3A_603 : i32 to index
        %swap3A_791 = tpu.vector_load %arg6[%swap3A_788, %swap3A_789, %swap3A_790] {strides = array<i32>} : memref<16x8x128xf32, #tpu.memory_space<vmem>>, vector<1x1x16xf32>,
        %swap3A_792 = vector.shape_cast %swap3A_791 : vector<1x1x16xf32> to vector<16xf32>
        %swap3A_793 = vector.shape_cast %select_n3A_786 : vector<16xf32> to vector<1x1x16xf32>
        tpu.vector_store %arg6[%swap3A_788, %swap3A_789, %swap3A_790], %swap3A_793 {strides = array<i32>} : memref<16x8x128xf32, #tpu.memory_space<vmem>>, vector<1x1x16xf32>,
        %gt3A_794 = arith.cmpf ogt, %get3A_620, %sub3A_774 : vector<16xf32>
        %jit3A_795 = arith.constant 0.000000e+00 : f32
        %broadcast_in_dim3A_796 = vector.broadcast %jit3A_795 : f32 to vector<16xf32>
        %select_n3A_797 = arith.select %gt3A_794, %get3A_620, %broadcast_in_dim3A_796 : vector<16xi1>, vector<16xf32>
        %swap3A_798 = arith.constant 2 : i32
        %swap3A_799 = arith.index_cast %swap3A_798 : i32 to index
        %swap3A_800 = arith.index_cast %select_n3A_585 : i32 to index
        %swap3A_801 = arith.index_cast %mul3A_603 : i32 to index
        %swap3A_802 = tpu.vector_load %arg6[%swap3A_799, %swap3A_800, %swap3A_801] {strides = array<i32>} : memref<16x8x128xf32, #tpu.memory_space<vmem>>, vector<1x1x16xf32>,
        %swap3A_803 = vector.shape_cast %swap3A_802 : vector<1x1x16xf32> to vector<16xf32>
        %swap3A_804 = vector.shape_cast %select_n3A_797 : vector<16xf32> to vector<1x1x16xf32>
        tpu.vector_store %arg6[%swap3A_799, %swap3A_800, %swap3A_801], %swap3A_804 {strides = array<i32>} : memref<16x8x128xf32, #tpu.memory_space<vmem>>, vector<1x1x16xf32>,
        %gt3A_805 = arith.cmpf ogt, %get3A_626, %sub3A_774 : vector<16xf32>
        %jit3A_806 = arith.constant 0.000000e+00 : f32
        %broadcast_in_dim3A_807 = vector.broadcast %jit3A_806 : f32 to vector<16xf32>
        %select_n3A_808 = arith.select %gt3A_805, %get3A_626, %broadcast_in_dim3A_807 : vector<16xi1>, vector<16xf32>
        %swap3A_809 = arith.constant 3 : i32
        %swap3A_810 = arith.index_cast %swap3A_809 : i32 to index
        %swap3A_811 = arith.index_cast %select_n3A_585 : i32 to index
        %swap3A_812 = arith.index_cast %mul3A_603 : i32 to index
        %swap3A_813 = tpu.vector_load %arg6[%swap3A_810, %swap3A_811, %swap3A_812] {strides = array<i32>} : memref<16x8x128xf32, #tpu.memory_space<vmem>>, vector<1x1x16xf32>,
        %swap3A_814 = vector.shape_cast %swap3A_813 : vector<1x1x16xf32> to vector<16xf32>
        %swap3A_815 = vector.shape_cast %select_n3A_808 : vector<16xf32> to vector<1x1x16xf32>
        tpu.vector_store %arg6[%swap3A_810, %swap3A_811, %swap3A_812], %swap3A_815 {strides = array<i32>} : memref<16x8x128xf32, #tpu.memory_space<vmem>>, vector<1x1x16xf32>,
        %gt3A_816 = arith.cmpf ogt, %get3A_632, %sub3A_774 : vector<16xf32>
        %jit3A_817 = arith.constant 0.000000e+00 : f32
        %broadcast_in_dim3A_818 = vector.broadcast %jit3A_817 : f32 to vector<16xf32>
        %select_n3A_819 = arith.select %gt3A_816, %get3A_632, %broadcast_in_dim3A_818 : vector<16xi1>, vector<16xf32>
        %swap3A_820 = arith.constant 4 : i32
        %swap3A_821 = arith.index_cast %swap3A_820 : i32 to index
        %swap3A_822 = arith.index_cast %select_n3A_585 : i32 to index
        %swap3A_823 = arith.index_cast %mul3A_603 : i32 to index
        %swap3A_824 = tpu.vector_load %arg6[%swap3A_821, %swap3A_822, %swap3A_823] {strides = array<i32>} : memref<16x8x128xf32, #tpu.memory_space<vmem>>, vector<1x1x16xf32>,
        %swap3A_825 = vector.shape_cast %swap3A_824 : vector<1x1x16xf32> to vector<16xf32>
        %swap3A_826 = vector.shape_cast %select_n3A_819 : vector<16xf32> to vector<1x1x16xf32>
        tpu.vector_store %arg6[%swap3A_821, %swap3A_822, %swap3A_823], %swap3A_826 {strides = array<i32>} : memref<16x8x128xf32, #tpu.memory_space<vmem>>, vector<1x1x16xf32>,
        %gt3A_827 = arith.cmpf ogt, %get3A_638, %sub3A_774 : vector<16xf32>
        %jit3A_828 = arith.constant 0.000000e+00 : f32
        %broadcast_in_dim3A_829 = vector.broadcast %jit3A_828 : f32 to vector<16xf32>
        %select_n3A_830 = arith.select %gt3A_827, %get3A_638, %broadcast_in_dim3A_829 : vector<16xi1>, vector<16xf32>
        %swap3A_831 = arith.constant 5 : i32
        %swap3A_832 = arith.index_cast %swap3A_831 : i32 to index
        %swap3A_833 = arith.index_cast %select_n3A_585 : i32 to index
        %swap3A_834 = arith.index_cast %mul3A_603 : i32 to index
        %swap3A_835 = tpu.vector_load %arg6[%swap3A_832, %swap3A_833, %swap3A_834] {strides = array<i32>} : memref<16x8x128xf32, #tpu.memory_space<vmem>>, vector<1x1x16xf32>,
        %swap3A_836 = vector.shape_cast %swap3A_835 : vector<1x1x16xf32> to vector<16xf32>
        %swap3A_837 = vector.shape_cast %select_n3A_830 : vector<16xf32> to vector<1x1x16xf32>
        tpu.vector_store %arg6[%swap3A_832, %swap3A_833, %swap3A_834], %swap3A_837 {strides = array<i32>} : memref<16x8x128xf32, #tpu.memory_space<vmem>>, vector<1x1x16xf32>,
        %gt3A_838 = arith.cmpf ogt, %get3A_644, %sub3A_774 : vector<16xf32>
        %jit3A_839 = arith.constant 0.000000e+00 : f32
        %broadcast_in_dim3A_840 = vector.broadcast %jit3A_839 : f32 to vector<16xf32>
        %select_n3A_841 = arith.select %gt3A_838, %get3A_644, %broadcast_in_dim3A_840 : vector<16xi1>, vector<16xf32>
        %swap3A_842 = arith.constant 6 : i32
        %swap3A_843 = arith.index_cast %swap3A_842 : i32 to index
        %swap3A_844 = arith.index_cast %select_n3A_585 : i32 to index
        %swap3A_845 = arith.index_cast %mul3A_603 : i32 to index
        %swap3A_846 = tpu.vector_load %arg6[%swap3A_843, %swap3A_844, %swap3A_845] {strides = array<i32>} : memref<16x8x128xf32, #tpu.memory_space<vmem>>, vector<1x1x16xf32>,
        %swap3A_847 = vector.shape_cast %swap3A_846 : vector<1x1x16xf32> to vector<16xf32>
        %swap3A_848 = vector.shape_cast %select_n3A_841 : vector<16xf32> to vector<1x1x16xf32>
        tpu.vector_store %arg6[%swap3A_843, %swap3A_844, %swap3A_845], %swap3A_848 {strides = array<i32>} : memref<16x8x128xf32, #tpu.memory_space<vmem>>, vector<1x1x16xf32>,
        %gt3A_849 = arith.cmpf ogt, %get3A_650, %sub3A_774 : vector<16xf32>
        %jit3A_850 = arith.constant 0.000000e+00 : f32
        %broadcast_in_dim3A_851 = vector.broadcast %jit3A_850 : f32 to vector<16xf32>
        %select_n3A_852 = arith.select %gt3A_849, %get3A_650, %broadcast_in_dim3A_851 : vector<16xi1>, vector<16xf32>
        %swap3A_853 = arith.constant 7 : i32
        %swap3A_854 = arith.index_cast %swap3A_853 : i32 to index
        %swap3A_855 = arith.index_cast %select_n3A_585 : i32 to index
        %swap3A_856 = arith.index_cast %mul3A_603 : i32 to index
        %swap3A_857 = tpu.vector_load %arg6[%swap3A_854, %swap3A_855, %swap3A_856] {strides = array<i32>} : memref<16x8x128xf32, #tpu.memory_space<vmem>>, vector<1x1x16xf32>,
        %swap3A_858 = vector.shape_cast %swap3A_857 : vector<1x1x16xf32> to vector<16xf32>
        %swap3A_859 = vector.shape_cast %select_n3A_852 : vector<16xf32> to vector<1x1x16xf32>
        tpu.vector_store %arg6[%swap3A_854, %swap3A_855, %swap3A_856], %swap3A_859 {strides = array<i32>} : memref<16x8x128xf32, #tpu.memory_space<vmem>>, vector<1x1x16xf32>,
        %gt3A_860 = arith.cmpf ogt, %get3A_656, %sub3A_774 : vector<16xf32>
        %jit3A_861 = arith.constant 0.000000e+00 : f32
        %broadcast_in_dim3A_862 = vector.broadcast %jit3A_861 : f32 to vector<16xf32>
        %select_n3A_863 = arith.select %gt3A_860, %get3A_656, %broadcast_in_dim3A_862 : vector<16xi1>, vector<16xf32>
        %swap3A_864 = arith.constant 8 : i32
        %swap3A_865 = arith.index_cast %swap3A_864 : i32 to index
        %swap3A_866 = arith.index_cast %select_n3A_585 : i32 to index
        %swap3A_867 = arith.index_cast %mul3A_603 : i32 to index
        %swap3A_868 = tpu.vector_load %arg6[%swap3A_865, %swap3A_866, %swap3A_867] {strides = array<i32>} : memref<16x8x128xf32, #tpu.memory_space<vmem>>, vector<1x1x16xf32>,
        %swap3A_869 = vector.shape_cast %swap3A_868 : vector<1x1x16xf32> to vector<16xf32>
        %swap3A_870 = vector.shape_cast %select_n3A_863 : vector<16xf32> to vector<1x1x16xf32>
        tpu.vector_store %arg6[%swap3A_865, %swap3A_866, %swap3A_867], %swap3A_870 {strides = array<i32>} : memref<16x8x128xf32, #tpu.memory_space<vmem>>, vector<1x1x16xf32>,
        %gt3A_871 = arith.cmpf ogt, %get3A_662, %sub3A_774 : vector<16xf32>
        %jit3A_872 = arith.constant 0.000000e+00 : f32
        %broadcast_in_dim3A_873 = vector.broadcast %jit3A_872 : f32 to vector<16xf32>
        %select_n3A_874 = arith.select %gt3A_871, %get3A_662, %broadcast_in_dim3A_873 : vector<16xi1>, vector<16xf32>
        %swap3A_875 = arith.constant 9 : i32
        %swap3A_876 = arith.index_cast %swap3A_875 : i32 to index
        %swap3A_877 = arith.index_cast %select_n3A_585 : i32 to index
        %swap3A_878 = arith.index_cast %mul3A_603 : i32 to index
        %swap3A_879 = tpu.vector_load %arg6[%swap3A_876, %swap3A_877, %swap3A_878] {strides = array<i32>} : memref<16x8x128xf32, #tpu.memory_space<vmem>>, vector<1x1x16xf32>,
        %swap3A_880 = vector.shape_cast %swap3A_879 : vector<1x1x16xf32> to vector<16xf32>
        %swap3A_881 = vector.shape_cast %select_n3A_874 : vector<16xf32> to vector<1x1x16xf32>
        tpu.vector_store %arg6[%swap3A_876, %swap3A_877, %swap3A_878], %swap3A_881 {strides = array<i32>} : memref<16x8x128xf32, #tpu.memory_space<vmem>>, vector<1x1x16xf32>,
        %gt3A_882 = arith.cmpf ogt, %get3A_668, %sub3A_774 : vector<16xf32>
        %jit3A_883 = arith.constant 0.000000e+00 : f32
        %broadcast_in_dim3A_884 = vector.broadcast %jit3A_883 : f32 to vector<16xf32>
        %select_n3A_885 = arith.select %gt3A_882, %get3A_668, %broadcast_in_dim3A_884 : vector<16xi1>, vector<16xf32>
        %swap3A_886 = arith.constant 10 : i32
        %swap3A_887 = arith.index_cast %swap3A_886 : i32 to index
        %swap3A_888 = arith.index_cast %select_n3A_585 : i32 to index
        %swap3A_889 = arith.index_cast %mul3A_603 : i32 to index
        %swap3A_890 = tpu.vector_load %arg6[%swap3A_887, %swap3A_888, %swap3A_889] {strides = array<i32>} : memref<16x8x128xf32, #tpu.memory_space<vmem>>, vector<1x1x16xf32>,
        %swap3A_891 = vector.shape_cast %swap3A_890 : vector<1x1x16xf32> to vector<16xf32>
        %swap3A_892 = vector.shape_cast %select_n3A_885 : vector<16xf32> to vector<1x1x16xf32>
        tpu.vector_store %arg6[%swap3A_887, %swap3A_888, %swap3A_889], %swap3A_892 {strides = array<i32>} : memref<16x8x128xf32, #tpu.memory_space<vmem>>, vector<1x1x16xf32>,
        %gt3A_893 = arith.cmpf ogt, %get3A_674, %sub3A_774 : vector<16xf32>
        %jit3A_894 = arith.constant 0.000000e+00 : f32
        %broadcast_in_dim3A_895 = vector.broadcast %jit3A_894 : f32 to vector<16xf32>
        %select_n3A_896 = arith.select %gt3A_893, %get3A_674, %broadcast_in_dim3A_895 : vector<16xi1>, vector<16xf32>
        %swap3A_897 = arith.constant 11 : i32
        %swap3A_898 = arith.index_cast %swap3A_897 : i32 to index
        %swap3A_899 = arith.index_cast %select_n3A_585 : i32 to index
        %swap3A_900 = arith.index_cast %mul3A_603 : i32 to index
        %swap3A_901 = tpu.vector_load %arg6[%swap3A_898, %swap3A_899, %swap3A_900] {strides = array<i32>} : memref<16x8x128xf32, #tpu.memory_space<vmem>>, vector<1x1x16xf32>,
        %swap3A_902 = vector.shape_cast %swap3A_901 : vector<1x1x16xf32> to vector<16xf32>
        %swap3A_903 = vector.shape_cast %select_n3A_896 : vector<16xf32> to vector<1x1x16xf32>
        tpu.vector_store %arg6[%swap3A_898, %swap3A_899, %swap3A_900], %swap3A_903 {strides = array<i32>} : memref<16x8x128xf32, #tpu.memory_space<vmem>>, vector<1x1x16xf32>,
        %gt3A_904 = arith.cmpf ogt, %get3A_680, %sub3A_774 : vector<16xf32>
        %jit3A_905 = arith.constant 0.000000e+00 : f32
        %broadcast_in_dim3A_906 = vector.broadcast %jit3A_905 : f32 to vector<16xf32>
        %select_n3A_907 = arith.select %gt3A_904, %get3A_680, %broadcast_in_dim3A_906 : vector<16xi1>, vector<16xf32>
        %swap3A_908 = arith.constant 12 : i32
        %swap3A_909 = arith.index_cast %swap3A_908 : i32 to index
        %swap3A_910 = arith.index_cast %select_n3A_585 : i32 to index
        %swap3A_911 = arith.index_cast %mul3A_603 : i32 to index
        %swap3A_912 = tpu.vector_load %arg6[%swap3A_909, %swap3A_910, %swap3A_911] {strides = array<i32>} : memref<16x8x128xf32, #tpu.memory_space<vmem>>, vector<1x1x16xf32>,
        %swap3A_913 = vector.shape_cast %swap3A_912 : vector<1x1x16xf32> to vector<16xf32>
        %swap3A_914 = vector.shape_cast %select_n3A_907 : vector<16xf32> to vector<1x1x16xf32>
        tpu.vector_store %arg6[%swap3A_909, %swap3A_910, %swap3A_911], %swap3A_914 {strides = array<i32>} : memref<16x8x128xf32, #tpu.memory_space<vmem>>, vector<1x1x16xf32>,
        %gt3A_915 = arith.cmpf ogt, %get3A_686, %sub3A_774 : vector<16xf32>
        %jit3A_916 = arith.constant 0.000000e+00 : f32
        %broadcast_in_dim3A_917 = vector.broadcast %jit3A_916 : f32 to vector<16xf32>
        %select_n3A_918 = arith.select %gt3A_915, %get3A_686, %broadcast_in_dim3A_917 : vector<16xi1>, vector<16xf32>
        %swap3A_919 = arith.constant 13 : i32
        %swap3A_920 = arith.index_cast %swap3A_919 : i32 to index
        %swap3A_921 = arith.index_cast %select_n3A_585 : i32 to index
        %swap3A_922 = arith.index_cast %mul3A_603 : i32 to index
        %swap3A_923 = tpu.vector_load %arg6[%swap3A_920, %swap3A_921, %swap3A_922] {strides = array<i32>} : memref<16x8x128xf32, #tpu.memory_space<vmem>>, vector<1x1x16xf32>,
        %swap3A_924 = vector.shape_cast %swap3A_923 : vector<1x1x16xf32> to vector<16xf32>
        %swap3A_925 = vector.shape_cast %select_n3A_918 : vector<16xf32> to vector<1x1x16xf32>
        tpu.vector_store %arg6[%swap3A_920, %swap3A_921, %swap3A_922], %swap3A_925 {strides = array<i32>} : memref<16x8x128xf32, #tpu.memory_space<vmem>>, vector<1x1x16xf32>,
        %gt3A_926 = arith.cmpf ogt, %get3A_692, %sub3A_774 : vector<16xf32>
        %jit3A_927 = arith.constant 0.000000e+00 : f32
        %broadcast_in_dim3A_928 = vector.broadcast %jit3A_927 : f32 to vector<16xf32>
        %select_n3A_929 = arith.select %gt3A_926, %get3A_692, %broadcast_in_dim3A_928 : vector<16xi1>, vector<16xf32>
        %swap3A_930 = arith.constant 14 : i32
        %swap3A_931 = arith.index_cast %swap3A_930 : i32 to index
        %swap3A_932 = arith.index_cast %select_n3A_585 : i32 to index
        %swap3A_933 = arith.index_cast %mul3A_603 : i32 to index
        %swap3A_934 = tpu.vector_load %arg6[%swap3A_931, %swap3A_932, %swap3A_933] {strides = array<i32>} : memref<16x8x128xf32, #tpu.memory_space<vmem>>, vector<1x1x16xf32>,
        %swap3A_935 = vector.shape_cast %swap3A_934 : vector<1x1x16xf32> to vector<16xf32>
        %swap3A_936 = vector.shape_cast %select_n3A_929 : vector<16xf32> to vector<1x1x16xf32>
        tpu.vector_store %arg6[%swap3A_931, %swap3A_932, %swap3A_933], %swap3A_936 {strides = array<i32>} : memref<16x8x128xf32, #tpu.memory_space<vmem>>, vector<1x1x16xf32>,
        %gt3A_937 = arith.cmpf ogt, %get3A_698, %sub3A_774 : vector<16xf32>
        %jit3A_938 = arith.constant 0.000000e+00 : f32
        %broadcast_in_dim3A_939 = vector.broadcast %jit3A_938 : f32 to vector<16xf32>
        %select_n3A_940 = arith.select %gt3A_937, %get3A_698, %broadcast_in_dim3A_939 : vector<16xi1>, vector<16xf32>
        %swap3A_941 = arith.constant 15 : i32
        %swap3A_942 = arith.index_cast %swap3A_941 : i32 to index
        %swap3A_943 = arith.index_cast %select_n3A_585 : i32 to index
        %swap3A_944 = arith.index_cast %mul3A_603 : i32 to index
        %swap3A_945 = tpu.vector_load %arg6[%swap3A_942, %swap3A_943, %swap3A_944] {strides = array<i32>} : memref<16x8x128xf32, #tpu.memory_space<vmem>>, vector<1x1x16xf32>,
        %swap3A_946 = vector.shape_cast %swap3A_945 : vector<1x1x16xf32> to vector<16xf32>
        %swap3A_947 = vector.shape_cast %select_n3A_940 : vector<16xf32> to vector<1x1x16xf32>
        tpu.vector_store %arg6[%swap3A_942, %swap3A_943, %swap3A_944], %swap3A_947 {strides = array<i32>} : memref<16x8x128xf32, #tpu.memory_space<vmem>>, vector<1x1x16xf32>,
      }
      %scan3A_390 = arith.constant 64 : i32
      %jit3A_391 = arith.constant 16 : i32
      %div3A_392 = arith.divsi %add3A_326, %jit3A_391 : i32
      %sign3A_393 = arith.constant 0 : i32
      %sign3A_394 = arith.cmpi sgt, %add3A_326, %sign3A_393 : i32
      %sign3A_395 = arith.extui %sign3A_394 : i1 to i32
      %sign3A_396 = arith.constant 0 : i32
      %sign3A_397 = arith.cmpi slt, %add3A_326, %sign3A_396 : i32
      %sign3A_398 = arith.extui %sign3A_397 : i1 to i32
      %sign3A_399 = arith.subi %sign3A_395, %sign3A_398 : i32
      %sign3A_400 = arith.constant 0 : i32
      %sign3A_401 = arith.cmpi sgt, %jit3A_391, %sign3A_400 : i32
      %sign3A_402 = arith.extui %sign3A_401 : i1 to i32
      %sign3A_403 = arith.constant 0 : i32
      %sign3A_404 = arith.cmpi slt, %jit3A_391, %sign3A_403 : i32
      %sign3A_405 = arith.extui %sign3A_404 : i1 to i32
      %sign3A_406 = arith.subi %sign3A_402, %sign3A_405 : i32
      %ne3A_407 = arith.cmpi ne, %sign3A_399, %sign3A_406 : i32
      %rem3A_408 = arith.remsi %add3A_326, %jit3A_391 : i32
      %ne3A_409 = arith.constant 0 : i32
      %ne3A_410 = arith.cmpi ne, %rem3A_408, %ne3A_409 : i32
      %and3A_411 = arith.andi %ne3A_407, %ne3A_410 : i1
      %sub3A_412 = arith.constant 1 : i32
      %sub3A_413 = arith.subi %div3A_392, %sub3A_412 : i32
      %select_n3A_414 = arith.select %and3A_411, %sub3A_413, %div3A_392 : i32
      %jit3A_415 = arith.constant 16 : i32
      %eq3A_416 = arith.constant 0 : i32
      %eq3A_417 = arith.cmpi eq, %jit3A_415, %eq3A_416 : i32
      %jit3A_418 = arith.constant 1 : i32
      %select_n3A_419 = arith.select %eq3A_417, %jit3A_418, %jit3A_415 : i32
      %rem3A_420 = arith.remsi %add3A_326, %select_n3A_419 : i32
      %ne3A_421 = arith.constant 0 : i32
      %ne3A_422 = arith.cmpi ne, %rem3A_420, %ne3A_421 : i32
      %lt3A_423 = arith.constant 0 : i32
      %lt3A_424 = arith.cmpi slt, %rem3A_420, %lt3A_423 : i32
      %lt3A_425 = arith.constant 0 : i32
      %lt3A_426 = arith.cmpi slt, %select_n3A_419, %lt3A_425 : i32
      %ne3A_427 = arith.xori %lt3A_424, %lt3A_426 : i1
      %and3A_428 = arith.andi %ne3A_427, %ne3A_422 : i1
      %add3A_429 = arith.addi %rem3A_420, %select_n3A_419 : i32
      %select_n3A_430 = arith.select %and3A_428, %add3A_429, %rem3A_420 : i32
      %mul3A_431 = arith.constant 8 : i32
      %mul3A_432 = arith.muli %select_n3A_414, %mul3A_431 : i32
      %add3A_433 = arith.addi %select_n3A_32, %mul3A_432 : i32
      %mul3A_434 = arith.constant 128 : i32
      %mul3A_435 = arith.muli %select_n3A_430, %mul3A_434 : i32
      %dma_start3A_436 = arith.constant 0 : i32
      %dma_start3A_437 = tpu.memref_slice %arg3[%select_n3A, %dma_start3A_436, %add3A_433, %mul3A_435] : memref<2x16x512x2048xf32, #tpu.memory_space<hbm>> -> memref<1x16x8x128xf32, #tpu.memory_space<hbm>>
      %dma_start3A_438 = tpu.memref_squeeze %dma_start3A_437 : memref<1x16x8x128xf32, #tpu.memory_space<hbm>> -> memref<16x8x128xf32, #tpu.memory_space<hbm>>
      %dma_start3A_439 = arith.constant 0 : i32
      %dma_start3A_440 = tpu.memref_slice %arg3[%select_n3A, %dma_start3A_439, %add3A_433, %mul3A_435] : memref<2x16x512x2048xf32, #tpu.memory_space<hbm>> -> memref<1x16x8x128xf32, #tpu.memory_space<hbm>>
      %dma_start3A_441 = tpu.memref_squeeze %dma_start3A_440 : memref<1x16x8x128xf32, #tpu.memory_space<hbm>> -> memref<16x8x128xf32, #tpu.memory_space<hbm>>
      tpu.enqueue_dma source(%arg6 : memref<16x8x128xf32, #tpu.memory_space<vmem>>) target(%dma_start3A_441 : memref<16x8x128xf32, #tpu.memory_space<hbm>>) target_semaphore(%arg14 : memref<!tpu.dma_semaphore, #tpu.memory_space<semaphore_mem>>)
      %mul3A_442 = arith.constant 4 : i32
      %mul3A_443 = arith.muli %scan3A_86, %mul3A_442 : i32
      %add3A_444 = arith.constant 3 : i32
      %add3A_445 = arith.addi %mul3A_443, %add3A_444 : i32
      %add3A_446 = arith.constant 1 : i32
      %add3A_447 = arith.addi %add3A_445, %add3A_446 : i32
      %lt3A_448 = arith.constant 64 : i32
      %lt3A_449 = arith.cmpi slt, %add3A_447, %lt3A_448 : i32
      %convert_element_type3A_450 = arith.extui %lt3A_449 : i1 to i32
      %cond3A_451 = arith.constant 0 : i32
      %cond3A_452 = arith.cmpi ne, %convert_element_type3A_450, %cond3A_451 : i32
      scf.if %cond3A_452 {
        %ge3A = arith.constant 4 : i32
        %ge3A_561 = arith.cmpi sge, %add3A_447, %ge3A : i32
        %convert_element_type3A_562 = arith.extui %ge3A_561 : i1 to i32
        %cond3A_563 = arith.constant 0 : i32
        %cond3A_564 = arith.cmpi ne, %convert_element_type3A_562, %cond3A_563 : i32
        scf.if %cond3A_564 {
          %sub3A_616 = arith.constant 4 : i32
          %sub3A_617 = arith.subi %add3A_447, %sub3A_616 : i32
          %jit3A_618 = arith.constant 16 : i32
          %div3A_619 = arith.divsi %sub3A_617, %jit3A_618 : i32
          %sign3A_620 = arith.constant 0 : i32
          %sign3A_621 = arith.cmpi sgt, %sub3A_617, %sign3A_620 : i32
          %sign3A_622 = arith.extui %sign3A_621 : i1 to i32
          %sign3A_623 = arith.constant 0 : i32
          %sign3A_624 = arith.cmpi slt, %sub3A_617, %sign3A_623 : i32
          %sign3A_625 = arith.extui %sign3A_624 : i1 to i32
          %sign3A_626 = arith.subi %sign3A_622, %sign3A_625 : i32
          %sign3A_627 = arith.constant 0 : i32
          %sign3A_628 = arith.cmpi sgt, %jit3A_618, %sign3A_627 : i32
          %sign3A_629 = arith.extui %sign3A_628 : i1 to i32
          %sign3A_630 = arith.constant 0 : i32
          %sign3A_631 = arith.cmpi slt, %jit3A_618, %sign3A_630 : i32
          %sign3A_632 = arith.extui %sign3A_631 : i1 to i32
          %sign3A_633 = arith.subi %sign3A_629, %sign3A_632 : i32
          %ne3A_634 = arith.cmpi ne, %sign3A_626, %sign3A_633 : i32
          %rem3A_635 = arith.remsi %sub3A_617, %jit3A_618 : i32
          %ne3A_636 = arith.constant 0 : i32
          %ne3A_637 = arith.cmpi ne, %rem3A_635, %ne3A_636 : i32
          %and3A_638 = arith.andi %ne3A_634, %ne3A_637 : i1
          %sub3A_639 = arith.constant 1 : i32
          %sub3A_640 = arith.subi %div3A_619, %sub3A_639 : i32
          %select_n3A_641 = arith.select %and3A_638, %sub3A_640, %div3A_619 : i32
          %jit3A_642 = arith.constant 16 : i32
          %eq3A_643 = arith.constant 0 : i32
          %eq3A_644 = arith.cmpi eq, %jit3A_642, %eq3A_643 : i32
          %jit3A_645 = arith.constant 1 : i32
          %select_n3A_646 = arith.select %eq3A_644, %jit3A_645, %jit3A_642 : i32
          %rem3A_647 = arith.remsi %sub3A_617, %select_n3A_646 : i32
          %ne3A_648 = arith.constant 0 : i32
          %ne3A_649 = arith.cmpi ne, %rem3A_647, %ne3A_648 : i32
          %lt3A_650 = arith.constant 0 : i32
          %lt3A_651 = arith.cmpi slt, %rem3A_647, %lt3A_650 : i32
          %lt3A_652 = arith.constant 0 : i32
          %lt3A_653 = arith.cmpi slt, %select_n3A_646, %lt3A_652 : i32
          %ne3A_654 = arith.xori %lt3A_651, %lt3A_653 : i1
          %and3A_655 = arith.andi %ne3A_654, %ne3A_649 : i1
          %add3A_656 = arith.addi %rem3A_647, %select_n3A_646 : i32
          %select_n3A_657 = arith.select %and3A_655, %add3A_656, %rem3A_647 : i32
          %mul3A_658 = arith.constant 8 : i32
          %mul3A_659 = arith.muli %select_n3A_641, %mul3A_658 : i32
          %add3A_660 = arith.addi %select_n3A_32, %mul3A_659 : i32
          %mul3A_661 = arith.constant 128 : i32
          %mul3A_662 = arith.muli %select_n3A_657, %mul3A_661 : i32
          %dma_wait3A_663 = arith.constant 0 : i32
          %dma_wait3A_664 = tpu.memref_slice %arg3[%select_n3A, %dma_wait3A_663, %add3A_660, %mul3A_662] : memref<2x16x512x2048xf32, #tpu.memory_space<hbm>> -> memref<1x16x8x128xf32, #tpu.memory_space<hbm>>
          %dma_wait3A_665 = tpu.memref_squeeze %dma_wait3A_664 : memref<1x16x8x128xf32, #tpu.memory_space<hbm>> -> memref<16x8x128xf32, #tpu.memory_space<hbm>>
          %dma_wait3A_666 = arith.constant 0 : i32
          %dma_wait3A_667 = tpu.memref_slice %arg3[%select_n3A, %dma_wait3A_666, %add3A_660, %mul3A_662] : memref<2x16x512x2048xf32, #tpu.memory_space<hbm>> -> memref<1x16x8x128xf32, #tpu.memory_space<hbm>>
          %dma_wait3A_668 = tpu.memref_squeeze %dma_wait3A_667 : memref<1x16x8x128xf32, #tpu.memory_space<hbm>> -> memref<16x8x128xf32, #tpu.memory_space<hbm>>
          tpu.wait_dma2 semaphore(%arg12 : memref<!tpu.dma_semaphore, #tpu.memory_space<semaphore_mem>>) src(%arg4 : memref<16x8x128xf32, #tpu.memory_space<vmem>>) dst(%dma_wait3A_668 : memref<16x8x128xf32, #tpu.memory_space<hbm>>)
        } else {
        }
        %jit3A_565 = arith.constant 16 : i32
        %div3A_566 = arith.divsi %add3A_447, %jit3A_565 : i32
        %sign3A_567 = arith.constant 0 : i32
        %sign3A_568 = arith.cmpi sgt, %add3A_447, %sign3A_567 : i32
        %sign3A_569 = arith.extui %sign3A_568 : i1 to i32
        %sign3A_570 = arith.constant 0 : i32
        %sign3A_571 = arith.cmpi slt, %add3A_447, %sign3A_570 : i32
        %sign3A_572 = arith.extui %sign3A_571 : i1 to i32
        %sign3A_573 = arith.subi %sign3A_569, %sign3A_572 : i32
        %sign3A_574 = arith.constant 0 : i32
        %sign3A_575 = arith.cmpi sgt, %jit3A_565, %sign3A_574 : i32
        %sign3A_576 = arith.extui %sign3A_575 : i1 to i32
        %sign3A_577 = arith.constant 0 : i32
        %sign3A_578 = arith.cmpi slt, %jit3A_565, %sign3A_577 : i32
        %sign3A_579 = arith.extui %sign3A_578 : i1 to i32
        %sign3A_580 = arith.subi %sign3A_576, %sign3A_579 : i32
        %ne3A_581 = arith.cmpi ne, %sign3A_573, %sign3A_580 : i32
        %rem3A_582 = arith.remsi %add3A_447, %jit3A_565 : i32
        %ne3A_583 = arith.constant 0 : i32
        %ne3A_584 = arith.cmpi ne, %rem3A_582, %ne3A_583 : i32
        %and3A_585 = arith.andi %ne3A_581, %ne3A_584 : i1
        %sub3A_586 = arith.constant 1 : i32
        %sub3A_587 = arith.subi %div3A_566, %sub3A_586 : i32
        %select_n3A_588 = arith.select %and3A_585, %sub3A_587, %div3A_566 : i32
        %jit3A_589 = arith.constant 16 : i32
        %eq3A_590 = arith.constant 0 : i32
        %eq3A_591 = arith.cmpi eq, %jit3A_589, %eq3A_590 : i32
        %jit3A_592 = arith.constant 1 : i32
        %select_n3A_593 = arith.select %eq3A_591, %jit3A_592, %jit3A_589 : i32
        %rem3A_594 = arith.remsi %add3A_447, %select_n3A_593 : i32
        %ne3A_595 = arith.constant 0 : i32
        %ne3A_596 = arith.cmpi ne, %rem3A_594, %ne3A_595 : i32
        %lt3A_597 = arith.constant 0 : i32
        %lt3A_598 = arith.cmpi slt, %rem3A_594, %lt3A_597 : i32
        %lt3A_599 = arith.constant 0 : i32
        %lt3A_600 = arith.cmpi slt, %select_n3A_593, %lt3A_599 : i32
        %ne3A_601 = arith.xori %lt3A_598, %lt3A_600 : i1
        %and3A_602 = arith.andi %ne3A_601, %ne3A_596 : i1
        %add3A_603 = arith.addi %rem3A_594, %select_n3A_593 : i32
        %select_n3A_604 = arith.select %and3A_602, %add3A_603, %rem3A_594 : i32
        %mul3A_605 = arith.constant 8 : i32
        %mul3A_606 = arith.muli %select_n3A_588, %mul3A_605 : i32
        %add3A_607 = arith.addi %select_n3A_32, %mul3A_606 : i32
        %mul3A_608 = arith.constant 128 : i32
        %mul3A_609 = arith.muli %select_n3A_604, %mul3A_608 : i32
        %dma_start3A_610 = arith.constant 0 : i32
        %dma_start3A_611 = tpu.memref_slice %arg2[%select_n3A, %dma_start3A_610, %add3A_607, %mul3A_609] : memref<2x16x512x2048xf32, #tpu.memory_space<hbm>> -> memref<1x16x8x128xf32, #tpu.memory_space<hbm>>
        %dma_start3A_612 = tpu.memref_squeeze %dma_start3A_611 : memref<1x16x8x128xf32, #tpu.memory_space<hbm>> -> memref<16x8x128xf32, #tpu.memory_space<hbm>>
        %dma_start3A_613 = arith.constant 0 : i32
        %dma_start3A_614 = tpu.memref_slice %arg2[%select_n3A, %dma_start3A_613, %add3A_607, %mul3A_609] : memref<2x16x512x2048xf32, #tpu.memory_space<hbm>> -> memref<1x16x8x128xf32, #tpu.memory_space<hbm>>
        %dma_start3A_615 = tpu.memref_squeeze %dma_start3A_614 : memref<1x16x8x128xf32, #tpu.memory_space<hbm>> -> memref<16x8x128xf32, #tpu.memory_space<hbm>>
        tpu.enqueue_dma source(%dma_start3A_615 : memref<16x8x128xf32, #tpu.memory_space<hbm>>) target(%arg4 : memref<16x8x128xf32, #tpu.memory_space<vmem>>) target_semaphore(%arg8 : memref<!tpu.dma_semaphore, #tpu.memory_space<semaphore_mem>>)
      } else {
      }
      %jit3A_453 = arith.constant 16 : i32
      %div3A_454 = arith.divsi %add3A_445, %jit3A_453 : i32
      %sign3A_455 = arith.constant 0 : i32
      %sign3A_456 = arith.cmpi sgt, %add3A_445, %sign3A_455 : i32
      %sign3A_457 = arith.extui %sign3A_456 : i1 to i32
      %sign3A_458 = arith.constant 0 : i32
      %sign3A_459 = arith.cmpi slt, %add3A_445, %sign3A_458 : i32
      %sign3A_460 = arith.extui %sign3A_459 : i1 to i32
      %sign3A_461 = arith.subi %sign3A_457, %sign3A_460 : i32
      %sign3A_462 = arith.constant 0 : i32
      %sign3A_463 = arith.cmpi sgt, %jit3A_453, %sign3A_462 : i32
      %sign3A_464 = arith.extui %sign3A_463 : i1 to i32
      %sign3A_465 = arith.constant 0 : i32
      %sign3A_466 = arith.cmpi slt, %jit3A_453, %sign3A_465 : i32
      %sign3A_467 = arith.extui %sign3A_466 : i1 to i32
      %sign3A_468 = arith.subi %sign3A_464, %sign3A_467 : i32
      %ne3A_469 = arith.cmpi ne, %sign3A_461, %sign3A_468 : i32
      %rem3A_470 = arith.remsi %add3A_445, %jit3A_453 : i32
      %ne3A_471 = arith.constant 0 : i32
      %ne3A_472 = arith.cmpi ne, %rem3A_470, %ne3A_471 : i32
      %and3A_473 = arith.andi %ne3A_469, %ne3A_472 : i1
      %sub3A_474 = arith.constant 1 : i32
      %sub3A_475 = arith.subi %div3A_454, %sub3A_474 : i32
      %select_n3A_476 = arith.select %and3A_473, %sub3A_475, %div3A_454 : i32
      %jit3A_477 = arith.constant 16 : i32
      %eq3A_478 = arith.constant 0 : i32
      %eq3A_479 = arith.cmpi eq, %jit3A_477, %eq3A_478 : i32
      %jit3A_480 = arith.constant 1 : i32
      %select_n3A_481 = arith.select %eq3A_479, %jit3A_480, %jit3A_477 : i32
      %rem3A_482 = arith.remsi %add3A_445, %select_n3A_481 : i32
      %ne3A_483 = arith.constant 0 : i32
      %ne3A_484 = arith.cmpi ne, %rem3A_482, %ne3A_483 : i32
      %lt3A_485 = arith.constant 0 : i32
      %lt3A_486 = arith.cmpi slt, %rem3A_482, %lt3A_485 : i32
      %lt3A_487 = arith.constant 0 : i32
      %lt3A_488 = arith.cmpi slt, %select_n3A_481, %lt3A_487 : i32
      %ne3A_489 = arith.xori %lt3A_486, %lt3A_488 : i1
      %and3A_490 = arith.andi %ne3A_489, %ne3A_484 : i1
      %add3A_491 = arith.addi %rem3A_482, %select_n3A_481 : i32
      %select_n3A_492 = arith.select %and3A_490, %add3A_491, %rem3A_482 : i32
      %mul3A_493 = arith.constant 8 : i32
      %mul3A_494 = arith.muli %select_n3A_476, %mul3A_493 : i32
      %add3A_495 = arith.addi %select_n3A_32, %mul3A_494 : i32
      %mul3A_496 = arith.constant 128 : i32
      %mul3A_497 = arith.muli %select_n3A_492, %mul3A_496 : i32
      %dma_wait3A_498 = arith.constant 0 : i32
      %dma_wait3A_499 = tpu.memref_slice %arg2[%select_n3A, %dma_wait3A_498, %add3A_495, %mul3A_497] : memref<2x16x512x2048xf32, #tpu.memory_space<hbm>> -> memref<1x16x8x128xf32, #tpu.memory_space<hbm>>
      %dma_wait3A_500 = tpu.memref_squeeze %dma_wait3A_499 : memref<1x16x8x128xf32, #tpu.memory_space<hbm>> -> memref<16x8x128xf32, #tpu.memory_space<hbm>>
      %dma_wait3A_501 = arith.constant 0 : i32
      %dma_wait3A_502 = tpu.memref_slice %arg2[%select_n3A, %dma_wait3A_501, %add3A_495, %mul3A_497] : memref<2x16x512x2048xf32, #tpu.memory_space<hbm>> -> memref<1x16x8x128xf32, #tpu.memory_space<hbm>>
      %dma_wait3A_503 = tpu.memref_squeeze %dma_wait3A_502 : memref<1x16x8x128xf32, #tpu.memory_space<hbm>> -> memref<16x8x128xf32, #tpu.memory_space<hbm>>
      tpu.wait_dma2 semaphore(%arg11 : memref<!tpu.dma_semaphore, #tpu.memory_space<semaphore_mem>>) src(%dma_wait3A_503 : memref<16x8x128xf32, #tpu.memory_space<hbm>>) dst(%arg7 : memref<16x8x128xf32, #tpu.memory_space<vmem>>)
      %scan3A_504 = arith.constant 0 : i32
      %scan3A_505 = arith.constant 0 : i32
      %scan3A_506 = arith.constant 64 : i32
      %scan3A_507 = arith.addi %scan3A_505, %scan3A_506 : i32
      %scan3A_508 = arith.constant 1 : i32
      scf.for %scan3A_561 = %scan3A_505 to %scan3A_507 step %scan3A_508  : i32 {
        %jit3A_562 = arith.constant 8 : i32
        %div3A_563 = arith.divsi %scan3A_561, %jit3A_562 : i32
        %sign3A_564 = arith.constant 0 : i32
        %sign3A_565 = arith.cmpi sgt, %scan3A_561, %sign3A_564 : i32
        %sign3A_566 = arith.extui %sign3A_565 : i1 to i32
        %sign3A_567 = arith.constant 0 : i32
        %sign3A_568 = arith.cmpi slt, %scan3A_561, %sign3A_567 : i32
        %sign3A_569 = arith.extui %sign3A_568 : i1 to i32
        %sign3A_570 = arith.subi %sign3A_566, %sign3A_569 : i32
        %sign3A_571 = arith.constant 0 : i32
        %sign3A_572 = arith.cmpi sgt, %jit3A_562, %sign3A_571 : i32
        %sign3A_573 = arith.extui %sign3A_572 : i1 to i32
        %sign3A_574 = arith.constant 0 : i32
        %sign3A_575 = arith.cmpi slt, %jit3A_562, %sign3A_574 : i32
        %sign3A_576 = arith.extui %sign3A_575 : i1 to i32
        %sign3A_577 = arith.subi %sign3A_573, %sign3A_576 : i32
        %ne3A_578 = arith.cmpi ne, %sign3A_570, %sign3A_577 : i32
        %rem3A_579 = arith.remsi %scan3A_561, %jit3A_562 : i32
        %ne3A_580 = arith.constant 0 : i32
        %ne3A_581 = arith.cmpi ne, %rem3A_579, %ne3A_580 : i32
        %and3A_582 = arith.andi %ne3A_578, %ne3A_581 : i1
        %sub3A_583 = arith.constant 1 : i32
        %sub3A_584 = arith.subi %div3A_563, %sub3A_583 : i32
        %select_n3A_585 = arith.select %and3A_582, %sub3A_584, %div3A_563 : i32
        %jit3A_586 = arith.constant 8 : i32
        %eq3A_587 = arith.constant 0 : i32
        %eq3A_588 = arith.cmpi eq, %jit3A_586, %eq3A_587 : i32
        %jit3A_589 = arith.constant 1 : i32
        %select_n3A_590 = arith.select %eq3A_588, %jit3A_589, %jit3A_586 : i32
        %rem3A_591 = arith.remsi %scan3A_561, %select_n3A_590 : i32
        %ne3A_592 = arith.constant 0 : i32
        %ne3A_593 = arith.cmpi ne, %rem3A_591, %ne3A_592 : i32
        %lt3A_594 = arith.constant 0 : i32
        %lt3A_595 = arith.cmpi slt, %rem3A_591, %lt3A_594 : i32
        %lt3A_596 = arith.constant 0 : i32
        %lt3A_597 = arith.cmpi slt, %select_n3A_590, %lt3A_596 : i32
        %ne3A_598 = arith.xori %lt3A_595, %lt3A_597 : i1
        %and3A_599 = arith.andi %ne3A_598, %ne3A_593 : i1
        %add3A_600 = arith.addi %rem3A_591, %select_n3A_590 : i32
        %select_n3A_601 = arith.select %and3A_599, %add3A_600, %rem3A_591 : i32
        %mul3A_602 = arith.constant 16 : i32
        %mul3A_603 = arith.muli %select_n3A_601, %mul3A_602 : i32
        %get3A = arith.constant 0 : i32
        %get3A_604 = arith.index_cast %get3A : i32 to index
        %get3A_605 = arith.index_cast %select_n3A_585 : i32 to index
        %get3A_606 = arith.index_cast %mul3A_603 : i32 to index
        %get3A_607 = tpu.vector_load %arg7[%get3A_604, %get3A_605, %get3A_606] {strides = array<i32>} : memref<16x8x128xf32, #tpu.memory_space<vmem>>, vector<1x1x16xf32>,
        %get3A_608 = vector.shape_cast %get3A_607 : vector<1x1x16xf32> to vector<16xf32>
        %get3A_609 = arith.constant 1 : i32
        %get3A_610 = arith.index_cast %get3A_609 : i32 to index
        %get3A_611 = arith.index_cast %select_n3A_585 : i32 to index
        %get3A_612 = arith.index_cast %mul3A_603 : i32 to index
        %get3A_613 = tpu.vector_load %arg7[%get3A_610, %get3A_611, %get3A_612] {strides = array<i32>} : memref<16x8x128xf32, #tpu.memory_space<vmem>>, vector<1x1x16xf32>,
        %get3A_614 = vector.shape_cast %get3A_613 : vector<1x1x16xf32> to vector<16xf32>
        %get3A_615 = arith.constant 2 : i32
        %get3A_616 = arith.index_cast %get3A_615 : i32 to index
        %get3A_617 = arith.index_cast %select_n3A_585 : i32 to index
        %get3A_618 = arith.index_cast %mul3A_603 : i32 to index
        %get3A_619 = tpu.vector_load %arg7[%get3A_616, %get3A_617, %get3A_618] {strides = array<i32>} : memref<16x8x128xf32, #tpu.memory_space<vmem>>, vector<1x1x16xf32>,
        %get3A_620 = vector.shape_cast %get3A_619 : vector<1x1x16xf32> to vector<16xf32>
        %get3A_621 = arith.constant 3 : i32
        %get3A_622 = arith.index_cast %get3A_621 : i32 to index
        %get3A_623 = arith.index_cast %select_n3A_585 : i32 to index
        %get3A_624 = arith.index_cast %mul3A_603 : i32 to index
        %get3A_625 = tpu.vector_load %arg7[%get3A_622, %get3A_623, %get3A_624] {strides = array<i32>} : memref<16x8x128xf32, #tpu.memory_space<vmem>>, vector<1x1x16xf32>,
        %get3A_626 = vector.shape_cast %get3A_625 : vector<1x1x16xf32> to vector<16xf32>
        %get3A_627 = arith.constant 4 : i32
        %get3A_628 = arith.index_cast %get3A_627 : i32 to index
        %get3A_629 = arith.index_cast %select_n3A_585 : i32 to index
        %get3A_630 = arith.index_cast %mul3A_603 : i32 to index
        %get3A_631 = tpu.vector_load %arg7[%get3A_628, %get3A_629, %get3A_630] {strides = array<i32>} : memref<16x8x128xf32, #tpu.memory_space<vmem>>, vector<1x1x16xf32>,
        %get3A_632 = vector.shape_cast %get3A_631 : vector<1x1x16xf32> to vector<16xf32>
        %get3A_633 = arith.constant 5 : i32
        %get3A_634 = arith.index_cast %get3A_633 : i32 to index
        %get3A_635 = arith.index_cast %select_n3A_585 : i32 to index
        %get3A_636 = arith.index_cast %mul3A_603 : i32 to index
        %get3A_637 = tpu.vector_load %arg7[%get3A_634, %get3A_635, %get3A_636] {strides = array<i32>} : memref<16x8x128xf32, #tpu.memory_space<vmem>>, vector<1x1x16xf32>,
        %get3A_638 = vector.shape_cast %get3A_637 : vector<1x1x16xf32> to vector<16xf32>
        %get3A_639 = arith.constant 6 : i32
        %get3A_640 = arith.index_cast %get3A_639 : i32 to index
        %get3A_641 = arith.index_cast %select_n3A_585 : i32 to index
        %get3A_642 = arith.index_cast %mul3A_603 : i32 to index
        %get3A_643 = tpu.vector_load %arg7[%get3A_640, %get3A_641, %get3A_642] {strides = array<i32>} : memref<16x8x128xf32, #tpu.memory_space<vmem>>, vector<1x1x16xf32>,
        %get3A_644 = vector.shape_cast %get3A_643 : vector<1x1x16xf32> to vector<16xf32>
        %get3A_645 = arith.constant 7 : i32
        %get3A_646 = arith.index_cast %get3A_645 : i32 to index
        %get3A_647 = arith.index_cast %select_n3A_585 : i32 to index
        %get3A_648 = arith.index_cast %mul3A_603 : i32 to index
        %get3A_649 = tpu.vector_load %arg7[%get3A_646, %get3A_647, %get3A_648] {strides = array<i32>} : memref<16x8x128xf32, #tpu.memory_space<vmem>>, vector<1x1x16xf32>,
        %get3A_650 = vector.shape_cast %get3A_649 : vector<1x1x16xf32> to vector<16xf32>
        %get3A_651 = arith.constant 8 : i32
        %get3A_652 = arith.index_cast %get3A_651 : i32 to index
        %get3A_653 = arith.index_cast %select_n3A_585 : i32 to index
        %get3A_654 = arith.index_cast %mul3A_603 : i32 to index
        %get3A_655 = tpu.vector_load %arg7[%get3A_652, %get3A_653, %get3A_654] {strides = array<i32>} : memref<16x8x128xf32, #tpu.memory_space<vmem>>, vector<1x1x16xf32>,
        %get3A_656 = vector.shape_cast %get3A_655 : vector<1x1x16xf32> to vector<16xf32>
        %get3A_657 = arith.constant 9 : i32
        %get3A_658 = arith.index_cast %get3A_657 : i32 to index
        %get3A_659 = arith.index_cast %select_n3A_585 : i32 to index
        %get3A_660 = arith.index_cast %mul3A_603 : i32 to index
        %get3A_661 = tpu.vector_load %arg7[%get3A_658, %get3A_659, %get3A_660] {strides = array<i32>} : memref<16x8x128xf32, #tpu.memory_space<vmem>>, vector<1x1x16xf32>,
        %get3A_662 = vector.shape_cast %get3A_661 : vector<1x1x16xf32> to vector<16xf32>
        %get3A_663 = arith.constant 10 : i32
        %get3A_664 = arith.index_cast %get3A_663 : i32 to index
        %get3A_665 = arith.index_cast %select_n3A_585 : i32 to index
        %get3A_666 = arith.index_cast %mul3A_603 : i32 to index
        %get3A_667 = tpu.vector_load %arg7[%get3A_664, %get3A_665, %get3A_666] {strides = array<i32>} : memref<16x8x128xf32, #tpu.memory_space<vmem>>, vector<1x1x16xf32>,
        %get3A_668 = vector.shape_cast %get3A_667 : vector<1x1x16xf32> to vector<16xf32>
        %get3A_669 = arith.constant 11 : i32
        %get3A_670 = arith.index_cast %get3A_669 : i32 to index
        %get3A_671 = arith.index_cast %select_n3A_585 : i32 to index
        %get3A_672 = arith.index_cast %mul3A_603 : i32 to index
        %get3A_673 = tpu.vector_load %arg7[%get3A_670, %get3A_671, %get3A_672] {strides = array<i32>} : memref<16x8x128xf32, #tpu.memory_space<vmem>>, vector<1x1x16xf32>,
        %get3A_674 = vector.shape_cast %get3A_673 : vector<1x1x16xf32> to vector<16xf32>
        %get3A_675 = arith.constant 12 : i32
        %get3A_676 = arith.index_cast %get3A_675 : i32 to index
        %get3A_677 = arith.index_cast %select_n3A_585 : i32 to index
        %get3A_678 = arith.index_cast %mul3A_603 : i32 to index
        %get3A_679 = tpu.vector_load %arg7[%get3A_676, %get3A_677, %get3A_678] {strides = array<i32>} : memref<16x8x128xf32, #tpu.memory_space<vmem>>, vector<1x1x16xf32>,
        %get3A_680 = vector.shape_cast %get3A_679 : vector<1x1x16xf32> to vector<16xf32>
        %get3A_681 = arith.constant 13 : i32
        %get3A_682 = arith.index_cast %get3A_681 : i32 to index
        %get3A_683 = arith.index_cast %select_n3A_585 : i32 to index
        %get3A_684 = arith.index_cast %mul3A_603 : i32 to index
        %get3A_685 = tpu.vector_load %arg7[%get3A_682, %get3A_683, %get3A_684] {strides = array<i32>} : memref<16x8x128xf32, #tpu.memory_space<vmem>>, vector<1x1x16xf32>,
        %get3A_686 = vector.shape_cast %get3A_685 : vector<1x1x16xf32> to vector<16xf32>
        %get3A_687 = arith.constant 14 : i32
        %get3A_688 = arith.index_cast %get3A_687 : i32 to index
        %get3A_689 = arith.index_cast %select_n3A_585 : i32 to index
        %get3A_690 = arith.index_cast %mul3A_603 : i32 to index
        %get3A_691 = tpu.vector_load %arg7[%get3A_688, %get3A_689, %get3A_690] {strides = array<i32>} : memref<16x8x128xf32, #tpu.memory_space<vmem>>, vector<1x1x16xf32>,
        %get3A_692 = vector.shape_cast %get3A_691 : vector<1x1x16xf32> to vector<16xf32>
        %get3A_693 = arith.constant 15 : i32
        %get3A_694 = arith.index_cast %get3A_693 : i32 to index
        %get3A_695 = arith.index_cast %select_n3A_585 : i32 to index
        %get3A_696 = arith.index_cast %mul3A_603 : i32 to index
        %get3A_697 = tpu.vector_load %arg7[%get3A_694, %get3A_695, %get3A_696] {strides = array<i32>} : memref<16x8x128xf32, #tpu.memory_space<vmem>>, vector<1x1x16xf32>,
        %get3A_698 = vector.shape_cast %get3A_697 : vector<1x1x16xf32> to vector<16xf32>
        %min3A = arith.minimumf %get3A_608, %get3A_614 : vector<16xf32>
        %max3A = arith.maximumf %get3A_608, %get3A_614 : vector<16xf32>
        %min3A_699 = arith.minimumf %get3A_620, %get3A_626 : vector<16xf32>
        %max3A_700 = arith.maximumf %get3A_620, %get3A_626 : vector<16xf32>
        %min3A_701 = arith.minimumf %min3A, %min3A_699 : vector<16xf32>
        %max3A_702 = arith.maximumf %min3A, %min3A_699 : vector<16xf32>
        %min3A_703 = arith.minimumf %max3A, %max3A_700 : vector<16xf32>
        %max3A_704 = arith.maximumf %max3A, %max3A_700 : vector<16xf32>
        %min3A_705 = arith.minimumf %min3A_703, %max3A_702 : vector<16xf32>
        %max3A_706 = arith.maximumf %min3A_703, %max3A_702 : vector<16xf32>
        %min3A_707 = arith.minimumf %get3A_632, %get3A_638 : vector<16xf32>
        %max3A_708 = arith.maximumf %get3A_632, %get3A_638 : vector<16xf32>
        %min3A_709 = arith.minimumf %get3A_644, %get3A_650 : vector<16xf32>
        %max3A_710 = arith.maximumf %get3A_644, %get3A_650 : vector<16xf32>
        %min3A_711 = arith.minimumf %min3A_707, %min3A_709 : vector<16xf32>
        %max3A_712 = arith.maximumf %min3A_707, %min3A_709 : vector<16xf32>
        %min3A_713 = arith.minimumf %max3A_708, %max3A_710 : vector<16xf32>
        %max3A_714 = arith.maximumf %max3A_708, %max3A_710 : vector<16xf32>
        %min3A_715 = arith.minimumf %min3A_713, %max3A_712 : vector<16xf32>
        %max3A_716 = arith.maximumf %min3A_713, %max3A_712 : vector<16xf32>
        %min3A_717 = arith.minimumf %get3A_656, %get3A_662 : vector<16xf32>
        %max3A_718 = arith.maximumf %get3A_656, %get3A_662 : vector<16xf32>
        %min3A_719 = arith.minimumf %get3A_668, %get3A_674 : vector<16xf32>
        %max3A_720 = arith.maximumf %get3A_668, %get3A_674 : vector<16xf32>
        %min3A_721 = arith.minimumf %min3A_717, %min3A_719 : vector<16xf32>
        %max3A_722 = arith.maximumf %min3A_717, %min3A_719 : vector<16xf32>
        %min3A_723 = arith.minimumf %max3A_718, %max3A_720 : vector<16xf32>
        %max3A_724 = arith.maximumf %max3A_718, %max3A_720 : vector<16xf32>
        %min3A_725 = arith.minimumf %min3A_723, %max3A_722 : vector<16xf32>
        %max3A_726 = arith.maximumf %min3A_723, %max3A_722 : vector<16xf32>
        %min3A_727 = arith.minimumf %get3A_680, %get3A_686 : vector<16xf32>
        %max3A_728 = arith.maximumf %get3A_680, %get3A_686 : vector<16xf32>
        %min3A_729 = arith.minimumf %get3A_692, %get3A_698 : vector<16xf32>
        %max3A_730 = arith.maximumf %get3A_692, %get3A_698 : vector<16xf32>
        %min3A_731 = arith.minimumf %min3A_727, %min3A_729 : vector<16xf32>
        %max3A_732 = arith.maximumf %min3A_727, %min3A_729 : vector<16xf32>
        %min3A_733 = arith.minimumf %max3A_728, %max3A_730 : vector<16xf32>
        %max3A_734 = arith.maximumf %max3A_728, %max3A_730 : vector<16xf32>
        %min3A_735 = arith.minimumf %min3A_733, %max3A_732 : vector<16xf32>
        %max3A_736 = arith.maximumf %min3A_733, %max3A_732 : vector<16xf32>
        %max3A_737 = arith.maximumf %min3A_701, %min3A_711 : vector<16xf32>
        %min3A_738 = arith.minimumf %max3A_706, %max3A_716 : vector<16xf32>
        %max3A_739 = arith.maximumf %max3A_706, %max3A_716 : vector<16xf32>
        %max3A_740 = arith.maximumf %min3A_738, %max3A_737 : vector<16xf32>
        %max3A_741 = arith.maximumf %min3A_705, %min3A_715 : vector<16xf32>
        %min3A_742 = arith.minimumf %max3A_704, %max3A_714 : vector<16xf32>
        %max3A_743 = arith.maximumf %max3A_704, %max3A_714 : vector<16xf32>
        %min3A_744 = arith.minimumf %min3A_742, %max3A_741 : vector<16xf32>
        %max3A_745 = arith.maximumf %min3A_742, %max3A_741 : vector<16xf32>
        %min3A_746 = arith.minimumf %min3A_744, %max3A_740 : vector<16xf32>
        %max3A_747 = arith.maximumf %min3A_744, %max3A_740 : vector<16xf32>
        %min3A_748 = arith.minimumf %max3A_745, %max3A_739 : vector<16xf32>
        %max3A_749 = arith.maximumf %max3A_745, %max3A_739 : vector<16xf32>
        %max3A_750 = arith.maximumf %min3A_721, %min3A_731 : vector<16xf32>
        %min3A_751 = arith.minimumf %max3A_726, %max3A_736 : vector<16xf32>
        %max3A_752 = arith.maximumf %max3A_726, %max3A_736 : vector<16xf32>
        %max3A_753 = arith.maximumf %min3A_751, %max3A_750 : vector<16xf32>
        %max3A_754 = arith.maximumf %min3A_725, %min3A_735 : vector<16xf32>
        %min3A_755 = arith.minimumf %max3A_724, %max3A_734 : vector<16xf32>
        %max3A_756 = arith.maximumf %max3A_724, %max3A_734 : vector<16xf32>
        %min3A_757 = arith.minimumf %min3A_755, %max3A_754 : vector<16xf32>
        %max3A_758 = arith.maximumf %min3A_755, %max3A_754 : vector<16xf32>
        %min3A_759 = arith.minimumf %min3A_757, %max3A_753 : vector<16xf32>
        %max3A_760 = arith.maximumf %min3A_757, %max3A_753 : vector<16xf32>
        %min3A_761 = arith.minimumf %max3A_758, %max3A_752 : vector<16xf32>
        %max3A_762 = arith.maximumf %max3A_758, %max3A_752 : vector<16xf32>
        %max3A_763 = arith.maximumf %max3A_743, %min3A_759 : vector<16xf32>
        %max3A_764 = arith.maximumf %max3A_749, %max3A_760 : vector<16xf32>
        %min3A_765 = arith.minimumf %max3A_763, %max3A_764 : vector<16xf32>
        %max3A_766 = arith.maximumf %min3A_748, %min3A_761 : vector<16xf32>
        %min3A_767 = arith.minimumf %min3A_765, %max3A_766 : vector<16xf32>
        %max3A_768 = arith.maximumf %max3A_747, %max3A_762 : vector<16xf32>
        %min3A_769 = arith.minimumf %min3A_767, %max3A_768 : vector<16xf32>
        %max3A_770 = arith.maximumf %min3A_746, %max3A_756 : vector<16xf32>
        %min3A_771 = arith.minimumf %min3A_769, %max3A_770 : vector<16xf32>
        %sub3A_772 = arith.constant 9.99999974E-5 : f32
        %sub3A_773 = vector.broadcast %sub3A_772 : f32 to vector<16xf32>
        %sub3A_774 = arith.subf %min3A_771, %sub3A_773 : vector<16xf32>
        %gt3A = arith.cmpf ogt, %get3A_608, %sub3A_774 : vector<16xf32>
        %jit3A_775 = arith.constant 0.000000e+00 : f32
        %broadcast_in_dim3A = vector.broadcast %jit3A_775 : f32 to vector<16xf32>
        %select_n3A_776 = arith.select %gt3A, %get3A_608, %broadcast_in_dim3A : vector<16xi1>, vector<16xf32>
        %swap3A = arith.constant 0 : i32
        %swap3A_777 = arith.index_cast %swap3A : i32 to index
        %swap3A_778 = arith.index_cast %select_n3A_585 : i32 to index
        %swap3A_779 = arith.index_cast %mul3A_603 : i32 to index
        %swap3A_780 = tpu.vector_load %arg7[%swap3A_777, %swap3A_778, %swap3A_779] {strides = array<i32>} : memref<16x8x128xf32, #tpu.memory_space<vmem>>, vector<1x1x16xf32>,
        %swap3A_781 = vector.shape_cast %swap3A_780 : vector<1x1x16xf32> to vector<16xf32>
        %swap3A_782 = vector.shape_cast %select_n3A_776 : vector<16xf32> to vector<1x1x16xf32>
        tpu.vector_store %arg7[%swap3A_777, %swap3A_778, %swap3A_779], %swap3A_782 {strides = array<i32>} : memref<16x8x128xf32, #tpu.memory_space<vmem>>, vector<1x1x16xf32>,
        %gt3A_783 = arith.cmpf ogt, %get3A_614, %sub3A_774 : vector<16xf32>
        %jit3A_784 = arith.constant 0.000000e+00 : f32
        %broadcast_in_dim3A_785 = vector.broadcast %jit3A_784 : f32 to vector<16xf32>
        %select_n3A_786 = arith.select %gt3A_783, %get3A_614, %broadcast_in_dim3A_785 : vector<16xi1>, vector<16xf32>
        %swap3A_787 = arith.constant 1 : i32
        %swap3A_788 = arith.index_cast %swap3A_787 : i32 to index
        %swap3A_789 = arith.index_cast %select_n3A_585 : i32 to index
        %swap3A_790 = arith.index_cast %mul3A_603 : i32 to index
        %swap3A_791 = tpu.vector_load %arg7[%swap3A_788, %swap3A_789, %swap3A_790] {strides = array<i32>} : memref<16x8x128xf32, #tpu.memory_space<vmem>>, vector<1x1x16xf32>,
        %swap3A_792 = vector.shape_cast %swap3A_791 : vector<1x1x16xf32> to vector<16xf32>
        %swap3A_793 = vector.shape_cast %select_n3A_786 : vector<16xf32> to vector<1x1x16xf32>
        tpu.vector_store %arg7[%swap3A_788, %swap3A_789, %swap3A_790], %swap3A_793 {strides = array<i32>} : memref<16x8x128xf32, #tpu.memory_space<vmem>>, vector<1x1x16xf32>,
        %gt3A_794 = arith.cmpf ogt, %get3A_620, %sub3A_774 : vector<16xf32>
        %jit3A_795 = arith.constant 0.000000e+00 : f32
        %broadcast_in_dim3A_796 = vector.broadcast %jit3A_795 : f32 to vector<16xf32>
        %select_n3A_797 = arith.select %gt3A_794, %get3A_620, %broadcast_in_dim3A_796 : vector<16xi1>, vector<16xf32>
        %swap3A_798 = arith.constant 2 : i32
        %swap3A_799 = arith.index_cast %swap3A_798 : i32 to index
        %swap3A_800 = arith.index_cast %select_n3A_585 : i32 to index
        %swap3A_801 = arith.index_cast %mul3A_603 : i32 to index
        %swap3A_802 = tpu.vector_load %arg7[%swap3A_799, %swap3A_800, %swap3A_801] {strides = array<i32>} : memref<16x8x128xf32, #tpu.memory_space<vmem>>, vector<1x1x16xf32>,
        %swap3A_803 = vector.shape_cast %swap3A_802 : vector<1x1x16xf32> to vector<16xf32>
        %swap3A_804 = vector.shape_cast %select_n3A_797 : vector<16xf32> to vector<1x1x16xf32>
        tpu.vector_store %arg7[%swap3A_799, %swap3A_800, %swap3A_801], %swap3A_804 {strides = array<i32>} : memref<16x8x128xf32, #tpu.memory_space<vmem>>, vector<1x1x16xf32>,
        %gt3A_805 = arith.cmpf ogt, %get3A_626, %sub3A_774 : vector<16xf32>
        %jit3A_806 = arith.constant 0.000000e+00 : f32
        %broadcast_in_dim3A_807 = vector.broadcast %jit3A_806 : f32 to vector<16xf32>
        %select_n3A_808 = arith.select %gt3A_805, %get3A_626, %broadcast_in_dim3A_807 : vector<16xi1>, vector<16xf32>
        %swap3A_809 = arith.constant 3 : i32
        %swap3A_810 = arith.index_cast %swap3A_809 : i32 to index
        %swap3A_811 = arith.index_cast %select_n3A_585 : i32 to index
        %swap3A_812 = arith.index_cast %mul3A_603 : i32 to index
        %swap3A_813 = tpu.vector_load %arg7[%swap3A_810, %swap3A_811, %swap3A_812] {strides = array<i32>} : memref<16x8x128xf32, #tpu.memory_space<vmem>>, vector<1x1x16xf32>,
        %swap3A_814 = vector.shape_cast %swap3A_813 : vector<1x1x16xf32> to vector<16xf32>
        %swap3A_815 = vector.shape_cast %select_n3A_808 : vector<16xf32> to vector<1x1x16xf32>
        tpu.vector_store %arg7[%swap3A_810, %swap3A_811, %swap3A_812], %swap3A_815 {strides = array<i32>} : memref<16x8x128xf32, #tpu.memory_space<vmem>>, vector<1x1x16xf32>,
        %gt3A_816 = arith.cmpf ogt, %get3A_632, %sub3A_774 : vector<16xf32>
        %jit3A_817 = arith.constant 0.000000e+00 : f32
        %broadcast_in_dim3A_818 = vector.broadcast %jit3A_817 : f32 to vector<16xf32>
        %select_n3A_819 = arith.select %gt3A_816, %get3A_632, %broadcast_in_dim3A_818 : vector<16xi1>, vector<16xf32>
        %swap3A_820 = arith.constant 4 : i32
        %swap3A_821 = arith.index_cast %swap3A_820 : i32 to index
        %swap3A_822 = arith.index_cast %select_n3A_585 : i32 to index
        %swap3A_823 = arith.index_cast %mul3A_603 : i32 to index
        %swap3A_824 = tpu.vector_load %arg7[%swap3A_821, %swap3A_822, %swap3A_823] {strides = array<i32>} : memref<16x8x128xf32, #tpu.memory_space<vmem>>, vector<1x1x16xf32>,
        %swap3A_825 = vector.shape_cast %swap3A_824 : vector<1x1x16xf32> to vector<16xf32>
        %swap3A_826 = vector.shape_cast %select_n3A_819 : vector<16xf32> to vector<1x1x16xf32>
        tpu.vector_store %arg7[%swap3A_821, %swap3A_822, %swap3A_823], %swap3A_826 {strides = array<i32>} : memref<16x8x128xf32, #tpu.memory_space<vmem>>, vector<1x1x16xf32>,
        %gt3A_827 = arith.cmpf ogt, %get3A_638, %sub3A_774 : vector<16xf32>
        %jit3A_828 = arith.constant 0.000000e+00 : f32
        %broadcast_in_dim3A_829 = vector.broadcast %jit3A_828 : f32 to vector<16xf32>
        %select_n3A_830 = arith.select %gt3A_827, %get3A_638, %broadcast_in_dim3A_829 : vector<16xi1>, vector<16xf32>
        %swap3A_831 = arith.constant 5 : i32
        %swap3A_832 = arith.index_cast %swap3A_831 : i32 to index
        %swap3A_833 = arith.index_cast %select_n3A_585 : i32 to index
        %swap3A_834 = arith.index_cast %mul3A_603 : i32 to index
        %swap3A_835 = tpu.vector_load %arg7[%swap3A_832, %swap3A_833, %swap3A_834] {strides = array<i32>} : memref<16x8x128xf32, #tpu.memory_space<vmem>>, vector<1x1x16xf32>,
        %swap3A_836 = vector.shape_cast %swap3A_835 : vector<1x1x16xf32> to vector<16xf32>
        %swap3A_837 = vector.shape_cast %select_n3A_830 : vector<16xf32> to vector<1x1x16xf32>
        tpu.vector_store %arg7[%swap3A_832, %swap3A_833, %swap3A_834], %swap3A_837 {strides = array<i32>} : memref<16x8x128xf32, #tpu.memory_space<vmem>>, vector<1x1x16xf32>,
        %gt3A_838 = arith.cmpf ogt, %get3A_644, %sub3A_774 : vector<16xf32>
        %jit3A_839 = arith.constant 0.000000e+00 : f32
        %broadcast_in_dim3A_840 = vector.broadcast %jit3A_839 : f32 to vector<16xf32>
        %select_n3A_841 = arith.select %gt3A_838, %get3A_644, %broadcast_in_dim3A_840 : vector<16xi1>, vector<16xf32>
        %swap3A_842 = arith.constant 6 : i32
        %swap3A_843 = arith.index_cast %swap3A_842 : i32 to index
        %swap3A_844 = arith.index_cast %select_n3A_585 : i32 to index
        %swap3A_845 = arith.index_cast %mul3A_603 : i32 to index
        %swap3A_846 = tpu.vector_load %arg7[%swap3A_843, %swap3A_844, %swap3A_845] {strides = array<i32>} : memref<16x8x128xf32, #tpu.memory_space<vmem>>, vector<1x1x16xf32>,
        %swap3A_847 = vector.shape_cast %swap3A_846 : vector<1x1x16xf32> to vector<16xf32>
        %swap3A_848 = vector.shape_cast %select_n3A_841 : vector<16xf32> to vector<1x1x16xf32>
        tpu.vector_store %arg7[%swap3A_843, %swap3A_844, %swap3A_845], %swap3A_848 {strides = array<i32>} : memref<16x8x128xf32, #tpu.memory_space<vmem>>, vector<1x1x16xf32>,
        %gt3A_849 = arith.cmpf ogt, %get3A_650, %sub3A_774 : vector<16xf32>
        %jit3A_850 = arith.constant 0.000000e+00 : f32
        %broadcast_in_dim3A_851 = vector.broadcast %jit3A_850 : f32 to vector<16xf32>
        %select_n3A_852 = arith.select %gt3A_849, %get3A_650, %broadcast_in_dim3A_851 : vector<16xi1>, vector<16xf32>
        %swap3A_853 = arith.constant 7 : i32
        %swap3A_854 = arith.index_cast %swap3A_853 : i32 to index
        %swap3A_855 = arith.index_cast %select_n3A_585 : i32 to index
        %swap3A_856 = arith.index_cast %mul3A_603 : i32 to index
        %swap3A_857 = tpu.vector_load %arg7[%swap3A_854, %swap3A_855, %swap3A_856] {strides = array<i32>} : memref<16x8x128xf32, #tpu.memory_space<vmem>>, vector<1x1x16xf32>,
        %swap3A_858 = vector.shape_cast %swap3A_857 : vector<1x1x16xf32> to vector<16xf32>
        %swap3A_859 = vector.shape_cast %select_n3A_852 : vector<16xf32> to vector<1x1x16xf32>
        tpu.vector_store %arg7[%swap3A_854, %swap3A_855, %swap3A_856], %swap3A_859 {strides = array<i32>} : memref<16x8x128xf32, #tpu.memory_space<vmem>>, vector<1x1x16xf32>,
        %gt3A_860 = arith.cmpf ogt, %get3A_656, %sub3A_774 : vector<16xf32>
        %jit3A_861 = arith.constant 0.000000e+00 : f32
        %broadcast_in_dim3A_862 = vector.broadcast %jit3A_861 : f32 to vector<16xf32>
        %select_n3A_863 = arith.select %gt3A_860, %get3A_656, %broadcast_in_dim3A_862 : vector<16xi1>, vector<16xf32>
        %swap3A_864 = arith.constant 8 : i32
        %swap3A_865 = arith.index_cast %swap3A_864 : i32 to index
        %swap3A_866 = arith.index_cast %select_n3A_585 : i32 to index
        %swap3A_867 = arith.index_cast %mul3A_603 : i32 to index
        %swap3A_868 = tpu.vector_load %arg7[%swap3A_865, %swap3A_866, %swap3A_867] {strides = array<i32>} : memref<16x8x128xf32, #tpu.memory_space<vmem>>, vector<1x1x16xf32>,
        %swap3A_869 = vector.shape_cast %swap3A_868 : vector<1x1x16xf32> to vector<16xf32>
        %swap3A_870 = vector.shape_cast %select_n3A_863 : vector<16xf32> to vector<1x1x16xf32>
        tpu.vector_store %arg7[%swap3A_865, %swap3A_866, %swap3A_867], %swap3A_870 {strides = array<i32>} : memref<16x8x128xf32, #tpu.memory_space<vmem>>, vector<1x1x16xf32>,
        %gt3A_871 = arith.cmpf ogt, %get3A_662, %sub3A_774 : vector<16xf32>
        %jit3A_872 = arith.constant 0.000000e+00 : f32
        %broadcast_in_dim3A_873 = vector.broadcast %jit3A_872 : f32 to vector<16xf32>
        %select_n3A_874 = arith.select %gt3A_871, %get3A_662, %broadcast_in_dim3A_873 : vector<16xi1>, vector<16xf32>
        %swap3A_875 = arith.constant 9 : i32
        %swap3A_876 = arith.index_cast %swap3A_875 : i32 to index
        %swap3A_877 = arith.index_cast %select_n3A_585 : i32 to index
        %swap3A_878 = arith.index_cast %mul3A_603 : i32 to index
        %swap3A_879 = tpu.vector_load %arg7[%swap3A_876, %swap3A_877, %swap3A_878] {strides = array<i32>} : memref<16x8x128xf32, #tpu.memory_space<vmem>>, vector<1x1x16xf32>,
        %swap3A_880 = vector.shape_cast %swap3A_879 : vector<1x1x16xf32> to vector<16xf32>
        %swap3A_881 = vector.shape_cast %select_n3A_874 : vector<16xf32> to vector<1x1x16xf32>
        tpu.vector_store %arg7[%swap3A_876, %swap3A_877, %swap3A_878], %swap3A_881 {strides = array<i32>} : memref<16x8x128xf32, #tpu.memory_space<vmem>>, vector<1x1x16xf32>,
        %gt3A_882 = arith.cmpf ogt, %get3A_668, %sub3A_774 : vector<16xf32>
        %jit3A_883 = arith.constant 0.000000e+00 : f32
        %broadcast_in_dim3A_884 = vector.broadcast %jit3A_883 : f32 to vector<16xf32>
        %select_n3A_885 = arith.select %gt3A_882, %get3A_668, %broadcast_in_dim3A_884 : vector<16xi1>, vector<16xf32>
        %swap3A_886 = arith.constant 10 : i32
        %swap3A_887 = arith.index_cast %swap3A_886 : i32 to index
        %swap3A_888 = arith.index_cast %select_n3A_585 : i32 to index
        %swap3A_889 = arith.index_cast %mul3A_603 : i32 to index
        %swap3A_890 = tpu.vector_load %arg7[%swap3A_887, %swap3A_888, %swap3A_889] {strides = array<i32>} : memref<16x8x128xf32, #tpu.memory_space<vmem>>, vector<1x1x16xf32>,
        %swap3A_891 = vector.shape_cast %swap3A_890 : vector<1x1x16xf32> to vector<16xf32>
        %swap3A_892 = vector.shape_cast %select_n3A_885 : vector<16xf32> to vector<1x1x16xf32>
        tpu.vector_store %arg7[%swap3A_887, %swap3A_888, %swap3A_889], %swap3A_892 {strides = array<i32>} : memref<16x8x128xf32, #tpu.memory_space<vmem>>, vector<1x1x16xf32>,
        %gt3A_893 = arith.cmpf ogt, %get3A_674, %sub3A_774 : vector<16xf32>
        %jit3A_894 = arith.constant 0.000000e+00 : f32
        %broadcast_in_dim3A_895 = vector.broadcast %jit3A_894 : f32 to vector<16xf32>
        %select_n3A_896 = arith.select %gt3A_893, %get3A_674, %broadcast_in_dim3A_895 : vector<16xi1>, vector<16xf32>
        %swap3A_897 = arith.constant 11 : i32
        %swap3A_898 = arith.index_cast %swap3A_897 : i32 to index
        %swap3A_899 = arith.index_cast %select_n3A_585 : i32 to index
        %swap3A_900 = arith.index_cast %mul3A_603 : i32 to index
        %swap3A_901 = tpu.vector_load %arg7[%swap3A_898, %swap3A_899, %swap3A_900] {strides = array<i32>} : memref<16x8x128xf32, #tpu.memory_space<vmem>>, vector<1x1x16xf32>,
        %swap3A_902 = vector.shape_cast %swap3A_901 : vector<1x1x16xf32> to vector<16xf32>
        %swap3A_903 = vector.shape_cast %select_n3A_896 : vector<16xf32> to vector<1x1x16xf32>
        tpu.vector_store %arg7[%swap3A_898, %swap3A_899, %swap3A_900], %swap3A_903 {strides = array<i32>} : memref<16x8x128xf32, #tpu.memory_space<vmem>>, vector<1x1x16xf32>,
        %gt3A_904 = arith.cmpf ogt, %get3A_680, %sub3A_774 : vector<16xf32>
        %jit3A_905 = arith.constant 0.000000e+00 : f32
        %broadcast_in_dim3A_906 = vector.broadcast %jit3A_905 : f32 to vector<16xf32>
        %select_n3A_907 = arith.select %gt3A_904, %get3A_680, %broadcast_in_dim3A_906 : vector<16xi1>, vector<16xf32>
        %swap3A_908 = arith.constant 12 : i32
        %swap3A_909 = arith.index_cast %swap3A_908 : i32 to index
        %swap3A_910 = arith.index_cast %select_n3A_585 : i32 to index
        %swap3A_911 = arith.index_cast %mul3A_603 : i32 to index
        %swap3A_912 = tpu.vector_load %arg7[%swap3A_909, %swap3A_910, %swap3A_911] {strides = array<i32>} : memref<16x8x128xf32, #tpu.memory_space<vmem>>, vector<1x1x16xf32>,
        %swap3A_913 = vector.shape_cast %swap3A_912 : vector<1x1x16xf32> to vector<16xf32>
        %swap3A_914 = vector.shape_cast %select_n3A_907 : vector<16xf32> to vector<1x1x16xf32>
        tpu.vector_store %arg7[%swap3A_909, %swap3A_910, %swap3A_911], %swap3A_914 {strides = array<i32>} : memref<16x8x128xf32, #tpu.memory_space<vmem>>, vector<1x1x16xf32>,
        %gt3A_915 = arith.cmpf ogt, %get3A_686, %sub3A_774 : vector<16xf32>
        %jit3A_916 = arith.constant 0.000000e+00 : f32
        %broadcast_in_dim3A_917 = vector.broadcast %jit3A_916 : f32 to vector<16xf32>
        %select_n3A_918 = arith.select %gt3A_915, %get3A_686, %broadcast_in_dim3A_917 : vector<16xi1>, vector<16xf32>
        %swap3A_919 = arith.constant 13 : i32
        %swap3A_920 = arith.index_cast %swap3A_919 : i32 to index
        %swap3A_921 = arith.index_cast %select_n3A_585 : i32 to index
        %swap3A_922 = arith.index_cast %mul3A_603 : i32 to index
        %swap3A_923 = tpu.vector_load %arg7[%swap3A_920, %swap3A_921, %swap3A_922] {strides = array<i32>} : memref<16x8x128xf32, #tpu.memory_space<vmem>>, vector<1x1x16xf32>,
        %swap3A_924 = vector.shape_cast %swap3A_923 : vector<1x1x16xf32> to vector<16xf32>
        %swap3A_925 = vector.shape_cast %select_n3A_918 : vector<16xf32> to vector<1x1x16xf32>
        tpu.vector_store %arg7[%swap3A_920, %swap3A_921, %swap3A_922], %swap3A_925 {strides = array<i32>} : memref<16x8x128xf32, #tpu.memory_space<vmem>>, vector<1x1x16xf32>,
        %gt3A_926 = arith.cmpf ogt, %get3A_692, %sub3A_774 : vector<16xf32>
        %jit3A_927 = arith.constant 0.000000e+00 : f32
        %broadcast_in_dim3A_928 = vector.broadcast %jit3A_927 : f32 to vector<16xf32>
        %select_n3A_929 = arith.select %gt3A_926, %get3A_692, %broadcast_in_dim3A_928 : vector<16xi1>, vector<16xf32>
        %swap3A_930 = arith.constant 14 : i32
        %swap3A_931 = arith.index_cast %swap3A_930 : i32 to index
        %swap3A_932 = arith.index_cast %select_n3A_585 : i32 to index
        %swap3A_933 = arith.index_cast %mul3A_603 : i32 to index
        %swap3A_934 = tpu.vector_load %arg7[%swap3A_931, %swap3A_932, %swap3A_933] {strides = array<i32>} : memref<16x8x128xf32, #tpu.memory_space<vmem>>, vector<1x1x16xf32>,
        %swap3A_935 = vector.shape_cast %swap3A_934 : vector<1x1x16xf32> to vector<16xf32>
        %swap3A_936 = vector.shape_cast %select_n3A_929 : vector<16xf32> to vector<1x1x16xf32>
        tpu.vector_store %arg7[%swap3A_931, %swap3A_932, %swap3A_933], %swap3A_936 {strides = array<i32>} : memref<16x8x128xf32, #tpu.memory_space<vmem>>, vector<1x1x16xf32>,
        %gt3A_937 = arith.cmpf ogt, %get3A_698, %sub3A_774 : vector<16xf32>
        %jit3A_938 = arith.constant 0.000000e+00 : f32
        %broadcast_in_dim3A_939 = vector.broadcast %jit3A_938 : f32 to vector<16xf32>
        %select_n3A_940 = arith.select %gt3A_937, %get3A_698, %broadcast_in_dim3A_939 : vector<16xi1>, vector<16xf32>
        %swap3A_941 = arith.constant 15 : i32
        %swap3A_942 = arith.index_cast %swap3A_941 : i32 to index
        %swap3A_943 = arith.index_cast %select_n3A_585 : i32 to index
        %swap3A_944 = arith.index_cast %mul3A_603 : i32 to index
        %swap3A_945 = tpu.vector_load %arg7[%swap3A_942, %swap3A_943, %swap3A_944] {strides = array<i32>} : memref<16x8x128xf32, #tpu.memory_space<vmem>>, vector<1x1x16xf32>,
        %swap3A_946 = vector.shape_cast %swap3A_945 : vector<1x1x16xf32> to vector<16xf32>
        %swap3A_947 = vector.shape_cast %select_n3A_940 : vector<16xf32> to vector<1x1x16xf32>
        tpu.vector_store %arg7[%swap3A_942, %swap3A_943, %swap3A_944], %swap3A_947 {strides = array<i32>} : memref<16x8x128xf32, #tpu.memory_space<vmem>>, vector<1x1x16xf32>,
      }
      %scan3A_509 = arith.constant 64 : i32
      %jit3A_510 = arith.constant 16 : i32
      %div3A_511 = arith.divsi %add3A_445, %jit3A_510 : i32
      %sign3A_512 = arith.constant 0 : i32
      %sign3A_513 = arith.cmpi sgt, %add3A_445, %sign3A_512 : i32
      %sign3A_514 = arith.extui %sign3A_513 : i1 to i32
      %sign3A_515 = arith.constant 0 : i32
      %sign3A_516 = arith.cmpi slt, %add3A_445, %sign3A_515 : i32
      %sign3A_517 = arith.extui %sign3A_516 : i1 to i32
      %sign3A_518 = arith.subi %sign3A_514, %sign3A_517 : i32
      %sign3A_519 = arith.constant 0 : i32
      %sign3A_520 = arith.cmpi sgt, %jit3A_510, %sign3A_519 : i32
      %sign3A_521 = arith.extui %sign3A_520 : i1 to i32
      %sign3A_522 = arith.constant 0 : i32
      %sign3A_523 = arith.cmpi slt, %jit3A_510, %sign3A_522 : i32
      %sign3A_524 = arith.extui %sign3A_523 : i1 to i32
      %sign3A_525 = arith.subi %sign3A_521, %sign3A_524 : i32
      %ne3A_526 = arith.cmpi ne, %sign3A_518, %sign3A_525 : i32
      %rem3A_527 = arith.remsi %add3A_445, %jit3A_510 : i32
      %ne3A_528 = arith.constant 0 : i32
      %ne3A_529 = arith.cmpi ne, %rem3A_527, %ne3A_528 : i32
      %and3A_530 = arith.andi %ne3A_526, %ne3A_529 : i1
      %sub3A_531 = arith.constant 1 : i32
      %sub3A_532 = arith.subi %div3A_511, %sub3A_531 : i32
      %select_n3A_533 = arith.select %and3A_530, %sub3A_532, %div3A_511 : i32
      %jit3A_534 = arith.constant 16 : i32
      %eq3A_535 = arith.constant 0 : i32
      %eq3A_536 = arith.cmpi eq, %jit3A_534, %eq3A_535 : i32
      %jit3A_537 = arith.constant 1 : i32
      %select_n3A_538 = arith.select %eq3A_536, %jit3A_537, %jit3A_534 : i32
      %rem3A_539 = arith.remsi %add3A_445, %select_n3A_538 : i32
      %ne3A_540 = arith.constant 0 : i32
      %ne3A_541 = arith.cmpi ne, %rem3A_539, %ne3A_540 : i32
      %lt3A_542 = arith.constant 0 : i32
      %lt3A_543 = arith.cmpi slt, %rem3A_539, %lt3A_542 : i32
      %lt3A_544 = arith.constant 0 : i32
      %lt3A_545 = arith.cmpi slt, %select_n3A_538, %lt3A_544 : i32
      %ne3A_546 = arith.xori %lt3A_543, %lt3A_545 : i1
      %and3A_547 = arith.andi %ne3A_546, %ne3A_541 : i1
      %add3A_548 = arith.addi %rem3A_539, %select_n3A_538 : i32
      %select_n3A_549 = arith.select %and3A_547, %add3A_548, %rem3A_539 : i32
      %mul3A_550 = arith.constant 8 : i32
      %mul3A_551 = arith.muli %select_n3A_533, %mul3A_550 : i32
      %add3A_552 = arith.addi %select_n3A_32, %mul3A_551 : i32
      %mul3A_553 = arith.constant 128 : i32
      %mul3A_554 = arith.muli %select_n3A_549, %mul3A_553 : i32
      %dma_start3A_555 = arith.constant 0 : i32
      %dma_start3A_556 = tpu.memref_slice %arg3[%select_n3A, %dma_start3A_555, %add3A_552, %mul3A_554] : memref<2x16x512x2048xf32, #tpu.memory_space<hbm>> -> memref<1x16x8x128xf32, #tpu.memory_space<hbm>>
      %dma_start3A_557 = tpu.memref_squeeze %dma_start3A_556 : memref<1x16x8x128xf32, #tpu.memory_space<hbm>> -> memref<16x8x128xf32, #tpu.memory_space<hbm>>
      %dma_start3A_558 = arith.constant 0 : i32
      %dma_start3A_559 = tpu.memref_slice %arg3[%select_n3A, %dma_start3A_558, %add3A_552, %mul3A_554] : memref<2x16x512x2048xf32, #tpu.memory_space<hbm>> -> memref<1x16x8x128xf32, #tpu.memory_space<hbm>>
      %dma_start3A_560 = tpu.memref_squeeze %dma_start3A_559 : memref<1x16x8x128xf32, #tpu.memory_space<hbm>> -> memref<16x8x128xf32, #tpu.memory_space<hbm>>
      tpu.enqueue_dma source(%arg7 : memref<16x8x128xf32, #tpu.memory_space<vmem>>) target(%dma_start3A_560 : memref<16x8x128xf32, #tpu.memory_space<hbm>>) target_semaphore(%arg15 : memref<!tpu.dma_semaphore, #tpu.memory_space<semaphore_mem>>)
    }
    %scan3A_46 = arith.constant 16 : i32
    %add3A_47 = arith.constant 24 : i32
    %add3A_48 = arith.addi %select_n3A_32, %add3A_47 : i32
    %dma_wait3A = arith.constant 0 : i32
    %dma_wait3A_49 = arith.constant 1536 : i32
    %dma_wait3A_50 = tpu.memref_slice %arg3[%select_n3A, %dma_wait3A, %add3A_48, %dma_wait3A_49] : memref<2x16x512x2048xf32, #tpu.memory_space<hbm>> -> memref<1x16x8x128xf32, #tpu.memory_space<hbm>>
    %dma_wait3A_51 = tpu.memref_squeeze %dma_wait3A_50 : memref<1x16x8x128xf32, #tpu.memory_space<hbm>> -> memref<16x8x128xf32, #tpu.memory_space<hbm>>
    %dma_wait3A_52 = arith.constant 0 : i32
    %dma_wait3A_53 = arith.constant 1536 : i32
    %dma_wait3A_54 = tpu.memref_slice %arg3[%select_n3A, %dma_wait3A_52, %add3A_48, %dma_wait3A_53] : memref<2x16x512x2048xf32, #tpu.memory_space<hbm>> -> memref<1x16x8x128xf32, #tpu.memory_space<hbm>>
    %dma_wait3A_55 = tpu.memref_squeeze %dma_wait3A_54 : memref<1x16x8x128xf32, #tpu.memory_space<hbm>> -> memref<16x8x128xf32, #tpu.memory_space<hbm>>
    tpu.wait_dma2 semaphore(%arg12 : memref<!tpu.dma_semaphore, #tpu.memory_space<semaphore_mem>>) src(%arg4 : memref<16x8x128xf32, #tpu.memory_space<vmem>>) dst(%dma_wait3A_55 : memref<16x8x128xf32, #tpu.memory_space<hbm>>)
    %add3A_56 = arith.constant 24 : i32
    %add3A_57 = arith.addi %select_n3A_32, %add3A_56 : i32
    %dma_wait3A_58 = arith.constant 0 : i32
    %dma_wait3A_59 = arith.constant 1664 : i32
    %dma_wait3A_60 = tpu.memref_slice %arg3[%select_n3A, %dma_wait3A_58, %add3A_57, %dma_wait3A_59] : memref<2x16x512x2048xf32, #tpu.memory_space<hbm>> -> memref<1x16x8x128xf32, #tpu.memory_space<hbm>>
    %dma_wait3A_61 = tpu.memref_squeeze %dma_wait3A_60 : memref<1x16x8x128xf32, #tpu.memory_space<hbm>> -> memref<16x8x128xf32, #tpu.memory_space<hbm>>
    %dma_wait3A_62 = arith.constant 0 : i32
    %dma_wait3A_63 = arith.constant 1664 : i32
    %dma_wait3A_64 = tpu.memref_slice %arg3[%select_n3A, %dma_wait3A_62, %add3A_57, %dma_wait3A_63] : memref<2x16x512x2048xf32, #tpu.memory_space<hbm>> -> memref<1x16x8x128xf32, #tpu.memory_space<hbm>>
    %dma_wait3A_65 = tpu.memref_squeeze %dma_wait3A_64 : memref<1x16x8x128xf32, #tpu.memory_space<hbm>> -> memref<16x8x128xf32, #tpu.memory_space<hbm>>
    tpu.wait_dma2 semaphore(%arg13 : memref<!tpu.dma_semaphore, #tpu.memory_space<semaphore_mem>>) src(%arg5 : memref<16x8x128xf32, #tpu.memory_space<vmem>>) dst(%dma_wait3A_65 : memref<16x8x128xf32, #tpu.memory_space<hbm>>)
    %add3A_66 = arith.constant 24 : i32
    %add3A_67 = arith.addi %select_n3A_32, %add3A_66 : i32
    %dma_wait3A_68 = arith.constant 0 : i32
    %dma_wait3A_69 = arith.constant 1792 : i32
    %dma_wait3A_70 = tpu.memref_slice %arg3[%select_n3A, %dma_wait3A_68, %add3A_67, %dma_wait3A_69] : memref<2x16x512x2048xf32, #tpu.memory_space<hbm>> -> memref<1x16x8x128xf32, #tpu.memory_space<hbm>>
    %dma_wait3A_71 = tpu.memref_squeeze %dma_wait3A_70 : memref<1x16x8x128xf32, #tpu.memory_space<hbm>> -> memref<16x8x128xf32, #tpu.memory_space<hbm>>
    %dma_wait3A_72 = arith.constant 0 : i32
    %dma_wait3A_73 = arith.constant 1792 : i32
    %dma_wait3A_74 = tpu.memref_slice %arg3[%select_n3A, %dma_wait3A_72, %add3A_67, %dma_wait3A_73] : memref<2x16x512x2048xf32, #tpu.memory_space<hbm>> -> memref<1x16x8x128xf32, #tpu.memory_space<hbm>>
    %dma_wait3A_75 = tpu.memref_squeeze %dma_wait3A_74 : memref<1x16x8x128xf32, #tpu.memory_space<hbm>> -> memref<16x8x128xf32, #tpu.memory_space<hbm>>
    tpu.wait_dma2 semaphore(%arg14 : memref<!tpu.dma_semaphore, #tpu.memory_space<semaphore_mem>>) src(%arg6 : memref<16x8x128xf32, #tpu.memory_space<vmem>>) dst(%dma_wait3A_75 : memref<16x8x128xf32, #tpu.memory_space<hbm>>)
    %add3A_76 = arith.constant 24 : i32
    %add3A_77 = arith.addi %select_n3A_32, %add3A_76 : i32
    %dma_wait3A_78 = arith.constant 0 : i32
    %dma_wait3A_79 = arith.constant 1920 : i32
    %dma_wait3A_80 = tpu.memref_slice %arg3[%select_n3A, %dma_wait3A_78, %add3A_77, %dma_wait3A_79] : memref<2x16x512x2048xf32, #tpu.memory_space<hbm>> -> memref<1x16x8x128xf32, #tpu.memory_space<hbm>>
    %dma_wait3A_81 = tpu.memref_squeeze %dma_wait3A_80 : memref<1x16x8x128xf32, #tpu.memory_space<hbm>> -> memref<16x8x128xf32, #tpu.memory_space<hbm>>
    %dma_wait3A_82 = arith.constant 0 : i32
    %dma_wait3A_83 = arith.constant 1920 : i32
    %dma_wait3A_84 = tpu.memref_slice %arg3[%select_n3A, %dma_wait3A_82, %add3A_77, %dma_wait3A_83] : memref<2x16x512x2048xf32, #tpu.memory_space<hbm>> -> memref<1x16x8x128xf32, #tpu.memory_space<hbm>>
    %dma_wait3A_85 = tpu.memref_squeeze %dma_wait3A_84 : memref<1x16x8x128xf32, #tpu.memory_space<hbm>> -> memref<16x8x128xf32, #tpu.memory_space<hbm>>
    tpu.wait_dma2 semaphore(%arg15 : memref<!tpu.dma_semaphore, #tpu.memory_space<semaphore_mem>>) src(%arg7 : memref<16x8x128xf32, #tpu.memory_space<vmem>>) dst(%dma_wait3A_85 : memref<16x8x128xf32, #tpu.memory_space<hbm>>)
    return
  }
}

</mosaic_0001>

<sc_bundles>
// kernel: kernel.3.cloned.1.call-start
scs
__scs_entry_jumppad:
0x0: {  	(pc) =	sbr.rel $0x88, $3  }
0x1: {  	(tag) =	ssettag $0x0;
	lr =	simm.s32 $0x1  }
0x2: {  	[smem:$0x3FA0] =	sst lr;
	_ =	strace $0xD0000000  }
0x3: {  	_ = 	snop  }
0x4: {  	_ = 	snop  }
0x5: {  	_ = 	snop  }
0x6: {  	_ = 	snop  }
0x7: {  	_ = 	snop  }
__scs_overlays_trampoline_lowered:
0x8: {  	[smem:$0x3FAF] =	sst s0  }
0x9: {  	[smem:$0x3FB0] =	sst s1  }
0xa: {  	[smem:$0x3FB1] =	sst s2  }
0xb: {  	[smem:$0x3FB2] =	sst s3  }
0xc: {  	[smem:$0x3FB3] =	sst s4  }
0xd: {  	[smem:$0x3FB4] =	sst s5  }
0xe: {  	[smem:$0x3FB5] =	sst s6  }
0xf: {  	[smem:$0x3FB6] =	sst s7  }
0x10: {  	[smem:$0x3FB7] =	sst s8  }
0x11: {  	[smem:$0x3FB8] =	sst s9;
	s0 =	simm.s32 @!p0 $0x0  }
0x12: {  	s1 =	sld [smem:$0x3F9E];
	s0 =	simm.s32 @p0 $0x1  }
0x13: {  	[smem:$0x3FB9] =	sst s0;
	s0 =	simm.s32 @!p1 $0x0  }
0x14: {  	s2 =	sld [smem:$0x3F9D];
	s0 =	simm.s32 @p1 $0x1  }
0x15: {  	[smem:$0x3FBA] =	sst s0;
	s0 =	simm.s32 @!p2 $0x0  }
0x16: {  	s3 =	sld [smem:$0x3FDB];
	s0 =	simm.s32 @p2 $0x1  }
0x17: {  	s4 =	simm.s32 $0x1BF5;
	[smem:$0x3FBC] =	sst s0  }
0x18: {  	s0 =	sld [smem:$0x3F9F];
	_ =	swait.ge [sflag:s4], $0x0  }
0x19: {  	s7 =	sld [smem:$0x3FA0]  }
0x1a: {  	s8 =	sadd.s32 $0xFFFFE003, lr  }
0x1b: {  	s9 =	sadd.s32 $0xFFFFFEF7, lr;
	s5 =	simm.s32 $0xFFFFFFFF;
	p2 =	slt.u32 s8, $0xFFFFF086  }
0x1c: {  	p1 =	slt.u32 s9, $0xF7A;
	s5 =	simm.s32 @!p2 $0x0  }
0x1d: {  	s5 =	simm.s32 @p1 $0x1;
	p0 =	seq.s32 s7, s2  }
0x1e: {  	s7 =	smul.u32 @!p0 $0xF7A, s2;
	p2 =	seq.s32 @!p0 s5, $0x0  }
0x1f: {  	s9 =	smul.u32 $0xF7A, s1;
	s8 =	simm.s32 @!p0 $0x1BF5;
	p2 =	por !p2, p0  }
0x20: {  	[sflag:s8] =	ssyncset.s32 @!p0 $0xFFFFF086;
	s6 =	sadd.s32 @!p0 s3, s7;
	s7 =	simm.s32 @!p0 $0x108  }
0x21: {  	s3 =	sadd.s32 s3, s9;
	s6 =	sadd.s32 @!p0 $0x88, s6;
	s7 =	simm.s32 @p2 $0x1082  }
0x22: {  	[simem:s7], [sflag:s8] =	dma.local @!p0 [hbm:s6], $0xF7A  }
0x23: {  	s9 =	sor.u32 $0xD0000000, s2;
	s6 =	simm.s32 $0x108;
	_ =	swait.ge @!p0 [sflag:s8], $0x0  }
0x24: {  	s3 =	sadd.s32 $0x88, s3;
	s6 =	simm.s32 @!p1 $0x1082;
	[sflag:s4] =	ssyncset.s32 $0xFFFFF086  }
0x25: {  	[simem:s6], [sflag:s4] =	dma.local [hbm:s3], $0xF7A  }
0x26: {  	[smem:$0x3FA0] =	sst s1;
	(tag) =	ssettag s2;
	_ =	strace s9  }
0x27: {  	s1 =	sld [smem:$0x3FB0]  }
0x28: {  	s2 =	sld [smem:$0x3FB1]  }
0x29: {  	s4 =	sld [smem:$0x3FB3]  }
0x2a: {  	p0 =	seq.s32 s5, $0x0;
	s5 =	sld [smem:$0x3FB4]  }
0x2b: {  	s6 =	sld [smem:$0x3FB5]  }
0x2c: {  	s7 =	sld [smem:$0x3FB6]  }
0x2d: {  	s3 =	simm.s32 $0x108;
	s8 =	sld [smem:$0x3FB7]  }
0x2e: {  	s3 =	simm.s32 @!p0 $0x1082;
	s9 =	sld [smem:$0x3FB8]  }
0x2f: {  	lr =	sadd.s32 s0, s3;
	s0 =	sld [smem:$0x3FAF]  }
0x30: {  	s3 =	sld [smem:$0x3FB2]  }
0x31: {  	[smem:$0x3FBB] =	sst s10  }
0x32: {  	s10 =	sld [smem:$0x3FB9];
	_ =	sdelay $0x3  }
0x33: {  	p0 =	seq.s32 s10, $0x1;
	s10 =	sld [smem:$0x3FBB];
	_ =	sdelay $0x3  }
0x34: {  	[smem:$0x3FBB] =	sst s10  }
0x35: {  	s10 =	sld [smem:$0x3FBA];
	_ =	sdelay $0x3  }
0x36: {  	p1 =	seq.s32 s10, $0x1;
	s10 =	sld [smem:$0x3FBB];
	_ =	sdelay $0x3  }
0x37: {  	[smem:$0x3FBB] =	sst s10  }
0x38: {  	s10 =	sld [smem:$0x3FBC]  }
0x39: {  	_ = 	snop;
	(pc) =	sbr.ind lr, $3  }
0x3a: {  	_ = 	snop  }
0x3b: {  	_ = 	snop  }
0x3c: {  	p2 =	seq.s32 s10, $0x1;
	s10 =	sld [smem:$0x3FBB]  }
0x3d: {  	_ =	shalt  }
0x3e: {  	_ =	shalt  }
0x3f: {  	_ =	shalt  }
0x40: {  	_ =	shalt  }
0x41: {  	_ =	shalt  }
0x42: {  	_ =	shalt  }
0x43: {  	_ =	shalt  }
0x44: {  	_ =	shalt  }
0x45: {  	_ =	shalt  }
0x46: {  	_ =	shalt  }
0x47: {  	_ =	shalt  }
0x48: {  	_ =	shalt  }
0x49: {  	_ =	shalt  }
0x4a: {  	_ =	shalt  }
0x4b: {  	_ =	shalt  }
0x4c: {  	_ =	shalt  }
0x4d: {  	_ =	shalt  }
0x4e: {  	_ =	shalt  }
0x4f: {  	_ =	shalt  }
0x50: {  	_ =	shalt  }
0x51: {  	_ =	shalt  }
0x52: {  	_ =	shalt  }
0x53: {  	_ =	shalt  }
0x54: {  	_ =	shalt  }
0x55: {  	_ =	shalt  }
0x56: {  	_ =	shalt  }
0x57: {  	_ =	shalt  }
0x58: {  	_ =	shalt  }
0x59: {  	_ =	shalt  }
0x5a: {  	_ =	shalt  }
0x5b: {  	_ =	shalt  }
0x5c: {  	_ =	shalt  }
0x5d: {  	_ =	shalt  }
0x5e: {  	_ =	shalt  }
0x5f: {  	_ =	shalt  }
0x60: {  	_ =	shalt  }
0x61: {  	_ =	shalt  }
0x62: {  	_ =	shalt  }
0x63: {  	_ =	shalt  }
0x64: {  	_ =	shalt  }
0x65: {  	_ =	shalt  }
0x66: {  	_ =	shalt  }
0x67: {  	_ =	shalt  }
0x68: {  	_ =	shalt  }
0x69: {  	_ =	shalt  }
0x6a: {  	_ =	shalt  }
0x6b: {  	_ =	shalt  }
0x6c: {  	_ =	shalt  }
0x6d: {  	_ =	shalt  }
0x6e: {  	_ =	shalt  }
0x6f: {  	_ =	shalt  }
0x70: {  	_ =	shalt  }
0x71: {  	_ =	shalt  }
0x72: {  	_ =	shalt  }
0x73: {  	_ =	shalt  }
0x74: {  	_ =	shalt  }
0x75: {  	_ =	shalt  }
0x76: {  	_ =	shalt  }
0x77: {  	_ =	shalt  }
0x78: {  	_ =	shalt  }
0x79: {  	_ =	shalt  }
0x7a: {  	_ =	shalt  }
0x7b: {  	_ =	shalt  }
0x7c: {  	_ =	shalt  }
0x7d: {  	_ =	shalt  }
0x7e: {  	_ =	shalt  }
0x7f: {  	_ =	shalt  }
0x80: {  	_ =	shalt  }
0x81: {  	_ =	shalt  }
0x82: {  	_ =	shalt  }
0x83: {  	_ =	shalt  }
0x84: {  	_ =	shalt  }
0x85: {  	_ =	shalt  }
0x86: {  	_ =	shalt  }
0x87: {  	_ =	shalt  }
.Lfunc_end0:
.L_simem_size_0:
called_computation_lowered:
.L_overlay_start_0:
0x88: {  	s2 =	sld [smem:$0x3FD9]  }
0x89: {  	s3 =	sld [smem:$0x3FFE];
	_ =	sdelay $0x1  }
0x8a: {  	s1 =	srdreg.scid  }
0x8b: {  	s0 =	sand.u32 $0x1, s1  }
0x8c: {  	s18 =	sshll.u32 s0, $0xA;
	s2 =	sadd.s32 s3, s2  }
0x8d: {  	s2 =	sadd.s32 s2, s18  }
0x8e: {  	[smem:$0x3FC7] =	sst s2  }
0x8f: {  	_ = 	snop  }
0x90: {  	s2 =	sld [smem:$0x3FC9]  }
0x91: {  	s19 =	sld [smem:$0x3FD0];
	(tm) =	ssettm $0x1  }
0x92: {  	s4 =	sld [smem:$0x3FFB];
	_ =	sdelay $0x3  }
0x93: {  	_ =	strace s4  }
0x94: {  	s4 =	sld [smem:$0x3FFC];
	_ =	sdelay $0x3  }
0x95: {  	_ =	strace s4  }
0x96: {  	s4 =	sld [smem:$0x3FFD];
	_ =	sdelay $0x3  }
0x97: {  	_ =	strace s4  }
0x98: {  	_ =	strace $0x8FFFFFFF  }
0x99: {  	s20 =	sld [smem:$0x3FDB];
	_ =	sdelay $0x1  }
0x9a: {  	s5 =	simm.s32 $_scs_section_size  }
0x9b: {  	s6 =	simm.s32 $_size__tile_overlayer_lowered;
	s7 =	simm.s32 $_tile_overlayer_lowered  }
0x9c: {  	s23 =	simm.s32 $0x1BFF;
	s22 =	sshll.u32 s7, $0x1;
	s4 =	sadd.s32 s5, s20  }
0x9d: {  	s8 =	simm.s32 $0x0;
	s21 =	sshll.u32 s6, $0x1;
	s6 =	sadd.s32 s22, s4  }
0x9e: {  	[timem:s8], [sflag:s23] =	dma.local [hbm:s6], s21  }
0x9f: {  	_ =	swait.ge [sflag:s23], s21  }
0xa0: {  	s5 =	ssub.s32 $0x0, s21;
	[sflag:s23] =	ssyncset.done $0x0  }
0xa1: {  	[sflag:s23] =	ssyncadd.s32 s5;
	_ =	sdelay $0x1  }
0xa2: {  	s24 =	simm.s32 $0x1B8B  }
0xa3: {  	_ =	swait.ge [sflag:s24], $0x1  }
0xa4: {  	[sflag:s24] =	ssyncset.done $0x0  }
0xa5: {  	s25 =	simm.s32 $0x1B8E;
	[sflag:s24] =	ssyncadd.s32 $0xFFFFFFFF  }
0xa6: {  	s26 =	simm.s32 $execute0_lowered;
	[smem:$0x3FD2] =	sst s25  }
0xa7: {  	s5 =	sshll.u32 s26, $0x1;
	_ =	strace $0x80000046;
	[dreg:$0x1] =	wrdreg $0xFFFFFFFF  }
0xa8: {  	s28 =	simm.s32 $_size_execute0_lowered;
	s4 =	sadd.s32 s4, s5;
	[dreg:$0x0] =	wrdreg $0x0  }
0xa9: {  	s5 =	sshll.u32 s28, $0x1;
	[dreg:$0x2] =	wrdreg s4  }
0xaa: {  	[dreg:$0x3] =	wrdreg s5  }
0xab: {  	[dreg:$0x4] =	wrdreg $0xC0  }
0xac: {  	_ =	task [dreg:s8], $0x5FFFF  }
0xad: {  	[dreg:$0x1] =	wrdreg $0xFFFFFFFF  }
0xae: {  	[dreg:$0x0] =	wrdreg $0x60  }
0xaf: {  	[dreg:$0x2] =	wrdreg s2  }
0xb0: {  	[dreg:$0x3] =	wrdreg s19  }
0xb1: {  	[dreg:$0x4] =	wrdreg $0x9  }
0xb2: {  	_ =	task.clear_ibuf [dreg:s8], $0x5FFFF;
	_ =	strace $0x90000046  }
0xb3: {  	s29 =	simm.s32 $0x9;
	_ =	strace $0x80000048  }
0xb4: {  	_ =	swait.ge [sflag:s29], $0x1  }
0xb5: {  	[sflag:s29] =	ssyncadd.s32 $0xFFFFFFFF  }
0xb6: {  	_ =	strace $0x90000048  }
0xb7: {  	_ =	sfence  }
0xb8: {  	s30 =	sld [smem:$0x0];
	_ =	sdelay $0x2  }
0xb9: {  	s31 =	sshll.u32 s1, $0xD;
	s1 =	sshrl.u32 s1, $0x2  }
0xba: {  	s3 =	sand.u32 $0x4000, s31;
	s1 =	sadd.s32 s1, s30  }
0xbb: {  	s0 =	sor.u32 s3, s0;
	s1 =	sshll.u32 s1, $0x11  }
0xbc: {  	s0 =	sor.u32 s1, s0  }
0xbd: {  	s0 =	sadd.s32 $0x8F2B, s0  }
0xbe: {  	[sflag:s0] =	ssyncadd.remote.s32 $0x1  }
0xbf: {  	_ =	sfence.sel $0xFFFF  }
0xc0: {  	[dreg:$0x0] =	wrdreg $0xFFFFFFFF;
	(pc) =	sbr.abs _section_cstart, $3  }
0xc1: {  	[dreg:$0x1] =	wrdreg $0xFFFFFFFF  }
0xc2: {  	_ =	task.clear_ibuf [dreg:s8], $0x2FFFF;
	_ =	strace $0x9FFFFFFF  }
0xc3: {  	(tm) =	ssettm $0x7FFFFFFF  }
tec
execute0_lowered:
.L_overlay_start_1:
0x0: {  	(tag) =	ssettag $0x1  }
0x1: {  	s1 =	srdreg.scid;
	s2 =	rddreg [dreg:$0x0]  }
0x2: {  	s0 =	stileid.u32;
	s3 =	rddreg [dreg:$0x1];
	s10 =	simm.s32 $0x100000  }
0x3: {  	s11 =	simm.s32 $0x4000;
	s12 =	simm.s32 $0x1;
	s13 =	simm.s32 $0x8000  }
0x4: {  	s14 =	simm.s32 $0x2;
	s15 =	simm.s32 $0xC000;
	s16 =	simm.s32 $0x3  }
0x5: {  	s17 =	simm.s32 $0x4;
	s18 =	simm.s32 $0x5;
	s19 =	simm.s32 $0x6  }
0x6: {  	s20 =	simm.s32 $0x7;
	s21 =	simm.s32 $0x8;
	s22 =	simm.s32 $0x0  }
0x7: {  	s6 =	sand.u32 $0x1, s1;
	s30 =	sshll.u32 s0, $0x6;
	s1 =	rddreg [dreg:$0x2]  }
0x8: {  	s31 =	sshll.u32 s0, $0x15;
	s4 =	sshll.u32 s6, $0x5;
	s5 =	sand.u32 $0x1C0, s30  }
0x9: {  	s6 =	ssub.s32 $0x2, s6;
	s7 =	sor.u32 s4, s5;
	s4 =	simm.s32 $0x0  }
0xa: {  	s5 =	sand.u32 $0x1000000, s31;
	s9 =	sshrl.u32 s6, $0x1;
	s8 =	sshll.u32 s7, $0xB  }
0xb: {  	[smem:$0x7FF] =	sst s4;
	s9 =	ssub.s32 s6, s9;
	s8 =	sor.u32 s5, s8  }
0xc: {  	s7 =	sshrl.u32 s7, $0x3;
	_ =	strace $0x80000047;
	s8 =	sshrl.u32 s8, $0x3  }
0xd: {  	s6 =	sadd.s32 s2, s8;
	s8 =	smax.u32 s9, $0x1;
	s9 =	simm.s32 $0x400  }
.LBB2_1:
0xe: {  	[tilespmem:s4], [sflag:$0x1] =	stream.strided.gather [hbm4b:s6+s9], $0x4000, s10, s9, $0x38;
	[tilespmem:$0x10000] =	vst v63  }
0xf: {  	s23 =	simm.s32 $0x0  }
.LBB2_2:
0x10: {  	s24 =	sshrl.u32 s23, $0x2  }
0x11: {  	s25 =	sshll.u32 s23, $0xC;
	s24 =	sor.u32 s7, s24  }
0x12: {  	s25 =	sand.u32 $0x3000, s25;
	s24 =	sshll.u32 s24, $0xE  }
0x13: {  	p0 =	seq.s32 s23, $0x0;
	s24 =	sor.u32 s24, s25  }
0x14: {  	s28 =	simm.s32 @!p0 $0x6;
	s24 =	sor.u32 s5, s24  }
0x15: {  	_ =	swait.ge @!p0 [sflag:s28], $0x4000;
	s25 =	sshrl.u32 s24, $0x3  }
0x16: {  	[sflag:s28] =	ssyncset.done @!p0 $0x0;
	s26 =	sor.u32 $0x80, s25  }
0x17: {  	[sflag:s28] =	ssyncadd.s32 @!p0 $0xFFFFC000;
	s30 =	sadd.s32 s2, s26  }
0x18: {  	[tilespmem:s11], [sflag:$0x2] =	stream.strided.gather [hbm4b:s30+s9], $0x4000, s10, s9, $0x38;
	[tilespmem:$0x10000] =	vst v63  }
0x19: {  	_ =	swait.ge [sflag:s12], $0x4000  }
0x1a: {  	s31 =	simm.s32 $0x0;
	[sflag:s12] =	ssyncset.done $0x0  }
0x1b: {  	s28 =	sand.u32 $0x3F0, s31;
	[sflag:s12] =	ssyncadd.s32 $0xFFFFC000  }
0x1c: {  	v0 =	vld [tilespmem:s28+$0x1C00]  }
0x1d: {  	v1 =	vld [tilespmem:s28+$0x1800]  }
0x1e: {  	v2 =	vld [tilespmem:s28+$0x1400]  }
0x1f: {  	v3 =	vld [tilespmem:s28+$0x1000]  }
0x20: {  	v4 =	vld [tilespmem:s28+$0xC00]  }
0x21: {  	v5 =	vld [tilespmem:s28+$0x800]  }
0x22: {  	v6 =	vld [tilespmem:s28+$0x400]  }
0x23: {  	v7 =	vld [tilespmem:s28+$0x0];
	_ =	sdelay $0x1  }
0x24: {  	v9 =	vmin.f32 v1, v0;
	v10 =	vmin.f32 v3, v2;
	v11 =	vmax.f32 v3, v2  }
0x25: {  	v12 =	vmax.f32 v1, v0;
	v17 =	vmin.f32 v5, v4;
	v19 =	vmax.f32 v5, v4  }
0x26: {  	v8 =	vld [tilespmem:s28+$0x3C00];
	v13 =	vmax.f32 v10, v9;
	v14 =	vmin.f32 v11, v12;
	v15 =	vmin.f32 v10, v9  }
0x27: {  	v16 =	vmax.f32 v11, v12;
	v9 =	vld [tilespmem:s28+$0x3800];
	v12 =	vmin.f32 v7, v6;
	v18 =	vmax.f32 v14, v13  }
0x28: {  	v10 =	vld [tilespmem:s28+$0x3400];
	v14 =	vmin.f32 v14, v13;
	v13 =	vmax.f32 v7, v6;
	v20 =	vmin.f32 v12, v17  }
0x29: {  	v11 =	vld [tilespmem:s28+$0x3000];
	v17 =	vmax.f32 v12, v17;
	v21 =	vmin.f32 v13, v19;
	v19 =	vmax.f32 v13, v19  }
0x2a: {  	v12 =	vld [tilespmem:s28+$0x2C00];
	v15 =	vmax.f32 v20, v15;
	v22 =	vmin.f32 v21, v17;
	v23 =	vmax.f32 v21, v17  }
0x2b: {  	v13 =	vld [tilespmem:s28+$0x2800];
	v24 =	vmin.f32 v19, v16;
	v17 =	vmin.f32 v23, v18;
	v22 =	vmax.f32 v22, v14  }
0x2c: {  	v14 =	vld [tilespmem:s28+$0x2400];
	v18 =	vmax.f32 v23, v18;
	v20 =	vmax.f32 v17, v15;
	v21 =	vmin.f32 v24, v22  }
0x2d: {  	s29 =	simm.s32 $0x10;
	s24 =	sshll.u32 s23, $0x2;
	v17 =	vmax.f32 v19, v16;
	v15 =	vld [tilespmem:s28+$0x2000];
	v19 =	vmax.f32 v24, v22;
	v16 =	vmin.f32 v21, v20  }
.LBB2_3:
0x2e: {  	p1 =	sne.s32 s29, $0x3F0;
	v22 =	vmin.f32 v9, v8;
	v20 =	vmax.f32 v21, v20;
	v21 =	vmin.f32 v19, v18  }
0x2f: {  	v23 =	vmin.f32 v11, v10;
	v24 =	vmax.f32 v11, v10;
	v25 =	vmax.f32 v9, v8  }
0x30: {  	v18 =	vmax.f32 v19, v18;
	v26 =	vmax.f32 v23, v22;
	v27 =	vmin.f32 v24, v25  }
0x31: {  	v19 =	vmin.f32 v23, v22;
	v22 =	vmax.f32 v24, v25;
	v23 =	vmin.f32 v27, v26  }
0x32: {  	v25 =	vmin.f32 v13, v12;
	v26 =	vmax.f32 v27, v26;
	v24 =	vmin.f32 v15, v14  }
0x33: {  	v28 =	vmax.f32 v13, v12;
	v27 =	vmax.f32 v15, v14;
	v29 =	vmin.f32 v24, v25  }
0x34: {  	v24 =	vmax.f32 v24, v25;
	v25 =	vmin.f32 v27, v28;
	v27 =	vmax.f32 v27, v28  }
0x35: {  	v28 =	vmin.f32 v25, v24;
	v24 =	vmax.f32 v25, v24;
	v19 =	vmax.f32 v29, v19  }
0x36: {  	v25 =	vmin.f32 v24, v26;
	v23 =	vmax.f32 v28, v23;
	v28 =	vmin.f32 v27, v22  }
0x37: {  	v24 =	vmax.f32 v24, v26;
	v19 =	vmax.f32 v25, v19;
	v25 =	vmin.f32 v28, v23  }
0x38: {  	v23 =	vmax.f32 v28, v23;
	v26 =	vmin.f32 v25, v19;
	v19 =	vmax.f32 v25, v19  }
0x39: {  	v25 =	vmin.f32 v23, v24;
	v17 =	vmax.f32 v17, v26;
	v18 =	vmax.f32 v18, v19  }
0x3a: {  	v19 =	vmax.f32 v23, v24;
	v17 =	vmin.f32 v17, v18;
	v18 =	vmax.f32 v21, v25  }
0x3b: {  	v21 =	vmax.f32 v27, v22;
	v17 =	vmin.f32 v17, v18;
	v18 =	vmax.f32 v20, v19  }
0x3c: {  	v16 =	vmax.f32 v16, v21;
	v17 =	vmin.f32 v17, v18  }
0x3d: {  	v16 =	vmin.f32 v17, v16  }
0x3e: {  	v16 =	vadd.f32 $-9.999999740e-05, v16;
	_ =	sdelay $0x1  }
0x3f: {  	vm0 =	vgt.f32 v15, v16;
	vm1 =	vgt.f32 v14, v16;
	vm2 =	vgt.f32 v13, v16  }
0x40: {  	v15 =	vnsel vm0, $0x0, v15;
	v14 =	vnsel vm1, $0x0, v14;
	v13 =	vnsel vm2, $0x0, v13  }
0x41: {  	vm0 =	vgt.f32 v12, v16;
	vm1 =	vgt.f32 v11, v16;
	vm2 =	vgt.f32 v10, v16;
	[tilespmem:s28+$0x2000] =	vst v15  }
0x42: {  	v12 =	vnsel vm0, $0x0, v12;
	v11 =	vnsel vm1, $0x0, v11;
	v10 =	vnsel vm2, $0x0, v10;
	[tilespmem:s28+$0x2400] =	vst v14  }
0x43: {  	vm0 =	vgt.f32 v7, v16;
	vm1 =	vgt.f32 v9, v16;
	vm2 =	vgt.f32 v8, v16;
	[tilespmem:s28+$0x2800] =	vst v13  }
0x44: {  	v7 =	vnsel vm0, $0x0, v7;
	v9 =	vnsel vm1, $0x0, v9;
	v8 =	vnsel vm2, $0x0, v8;
	[tilespmem:s28+$0x2C00] =	vst v12  }
0x45: {  	vm0 =	vgt.f32 v6, v16;
	vm1 =	vgt.f32 v5, v16;
	vm2 =	vgt.f32 v4, v16;
	[tilespmem:s28+$0x3000] =	vst v11  }
0x46: {  	v6 =	vnsel vm0, $0x0, v6;
	v5 =	vnsel vm1, $0x0, v5;
	v4 =	vnsel vm2, $0x0, v4;
	[tilespmem:s28+$0x3400] =	vst v10  }
0x47: {  	vm0 =	vgt.f32 v3, v16;
	vm1 =	vgt.f32 v2, v16;
	vm2 =	vgt.f32 v1, v16;
	[tilespmem:s28+$0x3800] =	vst v9  }
0x48: {  	v3 =	vnsel vm0, $0x0, v3;
	v2 =	vnsel vm1, $0x0, v2;
	v1 =	vnsel vm2, $0x0, v1;
	[tilespmem:s28+$0x3C00] =	vst v8  }
0x49: {  	vm0 =	vgt.f32 v0, v16;
	[tilespmem:s28+$0x0] =	vst v7  }
0x4a: {  	v0 =	vnsel vm0, $0x0, v0;
	[tilespmem:s28+$0x400] =	vst v6  }
0x4b: {  	[tilespmem:s28+$0x800] =	vst v5  }
0x4c: {  	[tilespmem:s28+$0xC00] =	vst v4  }
0x4d: {  	[tilespmem:s28+$0x1000] =	vst v3  }
0x4e: {  	[tilespmem:s28+$0x1400] =	vst v2  }
0x4f: {  	[tilespmem:s28+$0x1800] =	vst v1  }
0x50: {  	[tilespmem:s28+$0x1C00] =	vst v0;
	s28 =	sand.u32 $0x3F0, s29  }
0x51: {  	v0 =	vld [tilespmem:s28+$0x1C00]  }
0x52: {  	v1 =	vld [tilespmem:s28+$0x1800]  }
0x53: {  	v2 =	vld [tilespmem:s28+$0x1400]  }
0x54: {  	v3 =	vld [tilespmem:s28+$0x1000]  }
0x55: {  	v4 =	vld [tilespmem:s28+$0xC00]  }
0x56: {  	v5 =	vld [tilespmem:s28+$0x800]  }
0x57: {  	v6 =	vld [tilespmem:s28+$0x400]  }
0x58: {  	v7 =	vld [tilespmem:s28+$0x0]  }
0x59: {  	v9 =	vmin.f32 v1, v0  }
0x5a: {  	v12 =	vmax.f32 v1, v0;
	v10 =	vmin.f32 v3, v2;
	v11 =	vmax.f32 v3, v2  }
0x5b: {  	v13 =	vmax.f32 v10, v9;
	v14 =	vmin.f32 v11, v12  }
0x5c: {  	v15 =	vmin.f32 v10, v9;
	v16 =	vmax.f32 v11, v12;
	v18 =	vmax.f32 v14, v13;
	v8 =	vld [tilespmem:s28+$0x3C00]  }
0x5d: {  	v17 =	vmin.f32 v5, v4;
	v14 =	vmin.f32 v14, v13;
	v9 =	vld [tilespmem:s28+$0x3800];
	v12 =	vmin.f32 v7, v6  }
0x5e: {  	v19 =	vmax.f32 v5, v4;
	v13 =	vmax.f32 v7, v6;
	v10 =	vld [tilespmem:s28+$0x3400];
	v20 =	vmin.f32 v12, v17  }
.Ltmp0:
0x5f: {  	v17 =	vmax.f32 v12, v17;
	v21 =	vmin.f32 v13, v19;
	v19 =	vmax.f32 v13, v19;
	v11 =	vld [tilespmem:s28+$0x3000];
	(pc) =	sbr.rel @p1 .LBB2_3-.Ltmp0, $4  }
0x60: {  	v22 =	vmin.f32 v21, v17;
	v23 =	vmax.f32 v21, v17;
	v15 =	vmax.f32 v20, v15;
	v12 =	vld [tilespmem:s28+$0x2C00]  }
0x61: {  	v24 =	vmin.f32 v19, v16;
	v17 =	vmin.f32 v23, v18;
	v22 =	vmax.f32 v22, v14;
	v13 =	vld [tilespmem:s28+$0x2800]  }
0x62: {  	v20 =	vmax.f32 v17, v15;
	v17 =	vmax.f32 v19, v16;
	v21 =	vmin.f32 v24, v22;
	v14 =	vld [tilespmem:s28+$0x2400]  }
0x63: {  	s29 =	sadd.s32 $0x10, s29;
	v18 =	vmax.f32 v23, v18;
	v19 =	vmax.f32 v24, v22;
	v16 =	vmin.f32 v21, v20;
	v15 =	vld [tilespmem:s28+$0x2000]  }
0x64: {  	v22 =	vmin.f32 v9, v8;
	v20 =	vmax.f32 v21, v20;
	v21 =	vmin.f32 v19, v18  }
0x65: {  	v23 =	vmin.f32 v11, v10;
	v24 =	vmax.f32 v11, v10;
	v25 =	vmax.f32 v9, v8  }
0x66: {  	v18 =	vmax.f32 v19, v18;
	v26 =	vmax.f32 v23, v22;
	v27 =	vmin.f32 v24, v25  }
0x67: {  	v19 =	vmin.f32 v23, v22;
	v22 =	vmax.f32 v24, v25;
	v23 =	vmin.f32 v27, v26  }
0x68: {  	v55 =	vmin.f32 v13, v12;
	v26 =	vmax.f32 v27, v26;
	v54 =	vmin.f32 v15, v14  }
0x69: {  	v28 =	vmax.f32 v13, v12;
	v56 =	vmax.f32 v15, v14;
	v29 =	vmin.f32 v54, v55  }
0x6a: {  	v24 =	vmax.f32 v54, v55;
	v57 =	vmin.f32 v56, v28;
	v27 =	vmax.f32 v56, v28  }
0x6b: {  	v58 =	vmin.f32 v57, v24;
	v24 =	vmax.f32 v57, v24;
	v19 =	vmax.f32 v29, v19  }
0x6c: {  	v59 =	vmin.f32 v27, v22;
	v25 =	vmin.f32 v24, v26;
	v23 =	vmax.f32 v58, v23  }
0x6d: {  	v24 =	vmax.f32 v24, v26;
	v19 =	vmax.f32 v25, v19;
	v60 =	vmin.f32 v59, v23  }
0x6e: {  	v23 =	vmax.f32 v59, v23;
	v61 =	vmin.f32 v60, v19;
	v19 =	vmax.f32 v60, v19  }
0x6f: {  	v62 =	vmin.f32 v23, v24;
	v17 =	vmax.f32 v17, v61;
	v18 =	vmax.f32 v18, v19  }
0x70: {  	v19 =	vmax.f32 v23, v24;
	v17 =	vmin.f32 v17, v18;
	v18 =	vmax.f32 v21, v62  }
0x71: {  	v21 =	vmax.f32 v27, v22;
	v17 =	vmin.f32 v17, v18;
	v18 =	vmax.f32 v20, v19  }
0x72: {  	v16 =	vmax.f32 v16, v21;
	v17 =	vmin.f32 v17, v18  }
0x73: {  	v16 =	vmin.f32 v17, v16  }
0x74: {  	v16 =	vadd.f32 $-9.999999740e-05, v16;
	_ =	sdelay $0x1  }
0x75: {  	vm0 =	vgt.f32 v15, v16  }
0x76: {  	vm1 =	vgt.f32 v14, v16;
	v15 =	vnsel vm0, $0x0, v15  }
0x77: {  	vm14 =	vgt.f32 v13, v16;
	v14 =	vnsel vm1, $0x0, v14;
	[tilespmem:s28+$0x2000] =	vst v15  }
0x78: {  	vm15 =	vgt.f32 v12, v16;
	v13 =	vnsel vm14, $0x0, v13;
	[tilespmem:s28+$0x2400] =	vst v14  }
0x79: {  	vm4 =	vgt.f32 v11, v16;
	v12 =	vnsel vm15, $0x0, v12;
	[tilespmem:s28+$0x2800] =	vst v13  }
0x7a: {  	vm5 =	vgt.f32 v10, v16;
	v11 =	vnsel vm4, $0x0, v11;
	[tilespmem:s28+$0x2C00] =	vst v12  }
0x7b: {  	vm6 =	vgt.f32 v9, v16;
	v10 =	vnsel vm5, $0x0, v10;
	[tilespmem:s28+$0x3000] =	vst v11  }
0x7c: {  	vm7 =	vgt.f32 v8, v16;
	v9 =	vnsel vm6, $0x0, v9;
	[tilespmem:s28+$0x3400] =	vst v10  }
0x7d: {  	vm8 =	vgt.f32 v7, v16;
	v8 =	vnsel vm7, $0x0, v8;
	[tilespmem:s28+$0x3800] =	vst v9  }
0x7e: {  	vm9 =	vgt.f32 v6, v16;
	v7 =	vnsel vm8, $0x0, v7;
	[tilespmem:s28+$0x3C00] =	vst v8  }
0x7f: {  	vm10 =	vgt.f32 v5, v16;
	v6 =	vnsel vm9, $0x0, v6;
	[tilespmem:s28+$0x0] =	vst v7  }
0x80: {  	vm11 =	vgt.f32 v4, v16;
	v5 =	vnsel vm10, $0x0, v5;
	[tilespmem:s28+$0x400] =	vst v6  }
0x81: {  	vm12 =	vgt.f32 v3, v16;
	v4 =	vnsel vm11, $0x0, v4;
	[tilespmem:s28+$0x800] =	vst v5  }
0x82: {  	vm13 =	vgt.f32 v2, v16;
	v3 =	vnsel vm12, $0x0, v3;
	[tilespmem:s28+$0xC00] =	vst v4  }
0x83: {  	vm14 =	vgt.f32 v1, v16;
	v2 =	vnsel vm13, $0x0, v2;
	[tilespmem:s28+$0x1000] =	vst v3  }
0x84: {  	vm15 =	vgt.f32 v0, v16;
	v1 =	vnsel vm14, $0x0, v1;
	[tilespmem:s28+$0x1400] =	vst v2  }
0x85: {  	v0 =	vnsel vm15, $0x0, v0;
	[tilespmem:s28+$0x1800] =	vst v1  }
0x86: {  	s29 =	simm.s32 @!p0 $0x7;
	[tilespmem:s28+$0x1C00] =	vst v0;
	s28 =	sadd.s32 s3, s25  }
0x87: {  	[hbm4b:s28+s9] =	stream.strided.scatter [tilespmem:s4], [sflag:$0x5], $0x4000, s10, s9, $0x38;
	[tilespmem:$0x10000] =	vst v63  }
0x88: {  	_ =	swait.ge @!p0 [sflag:s29], $0x4000  }
0x89: {  	s28 =	sor.u32 $0x100, s25;
	[sflag:s29] =	ssyncset.done @!p0 $0x0  }
0x8a: {  	[sflag:s29] =	ssyncadd.s32 @!p0 $0xFFFFC000;
	s29 =	sadd.s32 s2, s28  }
0x8b: {  	[tilespmem:s13], [sflag:$0x3] =	stream.strided.gather [hbm4b:s29+s9], $0x4000, s10, s9, $0x38;
	[tilespmem:$0x10000] =	vst v63  }
0x8c: {  	_ =	swait.ge [sflag:s14], $0x4000  }
0x8d: {  	s29 =	simm.s32 $0x0;
	[sflag:s14] =	ssyncset.done $0x0  }
0x8e: {  	s29 =	sand.u32 $0x3F0, s29;
	[sflag:s14] =	ssyncadd.s32 $0xFFFFC000  }
0x8f: {  	v0 =	vld [tilespmem:s29+$0x5C00]  }
0x90: {  	v1 =	vld [tilespmem:s29+$0x5800]  }
0x91: {  	v2 =	vld [tilespmem:s29+$0x5400]  }
0x92: {  	v3 =	vld [tilespmem:s29+$0x5000]  }
0x93: {  	v4 =	vld [tilespmem:s29+$0x4C00]  }
0x94: {  	v5 =	vld [tilespmem:s29+$0x4800]  }
0x95: {  	v6 =	vld [tilespmem:s29+$0x4400]  }
0x96: {  	v7 =	vld [tilespmem:s29+$0x4000];
	_ =	sdelay $0x1  }
0x97: {  	v9 =	vmin.f32 v1, v0;
	v10 =	vmin.f32 v3, v2;
	v11 =	vmax.f32 v3, v2  }
0x98: {  	v12 =	vmax.f32 v1, v0;
	v17 =	vmin.f32 v5, v4;
	v19 =	vmax.f32 v5, v4  }
0x99: {  	v8 =	vld [tilespmem:s29+$0x7C00];
	v13 =	vmax.f32 v10, v9;
	v14 =	vmin.f32 v11, v12;
	v15 =	vmin.f32 v10, v9  }
0x9a: {  	v16 =	vmax.f32 v11, v12;
	v9 =	vld [tilespmem:s29+$0x7800];
	v12 =	vmin.f32 v7, v6;
	v18 =	vmax.f32 v14, v13  }
0x9b: {  	v10 =	vld [tilespmem:s29+$0x7400];
	v14 =	vmin.f32 v14, v13;
	v13 =	vmax.f32 v7, v6;
	v20 =	vmin.f32 v12, v17  }
0x9c: {  	v11 =	vld [tilespmem:s29+$0x7000];
	v17 =	vmax.f32 v12, v17;
	v21 =	vmin.f32 v13, v19;
	v19 =	vmax.f32 v13, v19  }
0x9d: {  	v12 =	vld [tilespmem:s29+$0x6C00];
	v15 =	vmax.f32 v20, v15;
	v22 =	vmin.f32 v21, v17;
	v23 =	vmax.f32 v21, v17  }
0x9e: {  	v13 =	vld [tilespmem:s29+$0x6800];
	v63 =	vmin.f32 v19, v16;
	v17 =	vmin.f32 v23, v18;
	v22 =	vmax.f32 v22, v14  }
0x9f: {  	v14 =	vld [tilespmem:s29+$0x6400];
	v18 =	vmax.f32 v23, v18;
	v20 =	vmax.f32 v17, v15;
	v21 =	vmin.f32 v63, v22  }
0xa0: {  	s30 =	simm.s32 $0x10;
	v17 =	vmax.f32 v19, v16;
	v15 =	vld [tilespmem:s29+$0x6000];
	v19 =	vmax.f32 v63, v22;
	v16 =	vmin.f32 v21, v20  }
.LBB2_5:
0xa1: {  	p1 =	sne.s32 s30, $0x3F0;
	v22 =	vmin.f32 v9, v8;
	v20 =	vmax.f32 v21, v20;
	v21 =	vmin.f32 v19, v18  }
0xa2: {  	v23 =	vmin.f32 v11, v10;
	v24 =	vmax.f32 v11, v10;
	v25 =	vmax.f32 v9, v8  }
0xa3: {  	v18 =	vmax.f32 v19, v18;
	v26 =	vmax.f32 v23, v22;
	v27 =	vmin.f32 v24, v25  }
0xa4: {  	v19 =	vmin.f32 v23, v22;
	v22 =	vmax.f32 v24, v25;
	v23 =	vmin.f32 v27, v26  }
0xa5: {  	v25 =	vmin.f32 v13, v12;
	v26 =	vmax.f32 v27, v26;
	v24 =	vmin.f32 v15, v14  }
0xa6: {  	v28 =	vmax.f32 v13, v12;
	v27 =	vmax.f32 v15, v14;
	v29 =	vmin.f32 v24, v25  }
0xa7: {  	v24 =	vmax.f32 v24, v25;
	v25 =	vmin.f32 v27, v28;
	v27 =	vmax.f32 v27, v28  }
0xa8: {  	v28 =	vmin.f32 v25, v24;
	v24 =	vmax.f32 v25, v24;
	v19 =	vmax.f32 v29, v19  }
0xa9: {  	v25 =	vmin.f32 v24, v26;
	v23 =	vmax.f32 v28, v23;
	v28 =	vmin.f32 v27, v22  }
0xaa: {  	v24 =	vmax.f32 v24, v26;
	v19 =	vmax.f32 v25, v19;
	v25 =	vmin.f32 v28, v23  }
0xab: {  	v23 =	vmax.f32 v28, v23;
	v26 =	vmin.f32 v25, v19;
	v19 =	vmax.f32 v25, v19  }
0xac: {  	v25 =	vmin.f32 v23, v24;
	v17 =	vmax.f32 v17, v26;
	v18 =	vmax.f32 v18, v19  }
0xad: {  	v19 =	vmax.f32 v23, v24;
	v17 =	vmin.f32 v17, v18;
	v18 =	vmax.f32 v21, v25  }
0xae: {  	v21 =	vmax.f32 v27, v22;
	v17 =	vmin.f32 v17, v18;
	v18 =	vmax.f32 v20, v19  }
0xaf: {  	v16 =	vmax.f32 v16, v21;
	v17 =	vmin.f32 v17, v18  }
0xb0: {  	v16 =	vmin.f32 v17, v16  }
0xb1: {  	v16 =	vadd.f32 $-9.999999740e-05, v16;
	_ =	sdelay $0x1  }
0xb2: {  	vm0 =	vgt.f32 v15, v16;
	vm1 =	vgt.f32 v14, v16;
	vm2 =	vgt.f32 v13, v16  }
0xb3: {  	v15 =	vnsel vm0, $0x0, v15;
	v14 =	vnsel vm1, $0x0, v14;
	v13 =	vnsel vm2, $0x0, v13  }
0xb4: {  	vm0 =	vgt.f32 v12, v16;
	vm1 =	vgt.f32 v11, v16;
	vm2 =	vgt.f32 v10, v16;
	[tilespmem:s29+$0x6000] =	vst v15  }
0xb5: {  	v12 =	vnsel vm0, $0x0, v12;
	v11 =	vnsel vm1, $0x0, v11;
	v10 =	vnsel vm2, $0x0, v10;
	[tilespmem:s29+$0x6400] =	vst v14  }
0xb6: {  	vm0 =	vgt.f32 v7, v16;
	vm1 =	vgt.f32 v9, v16;
	vm2 =	vgt.f32 v8, v16;
	[tilespmem:s29+$0x6800] =	vst v13  }
0xb7: {  	v7 =	vnsel vm0, $0x0, v7;
	v9 =	vnsel vm1, $0x0, v9;
	v8 =	vnsel vm2, $0x0, v8;
	[tilespmem:s29+$0x6C00] =	vst v12  }
0xb8: {  	vm0 =	vgt.f32 v6, v16;
	vm1 =	vgt.f32 v5, v16;
	vm2 =	vgt.f32 v4, v16;
	[tilespmem:s29+$0x7000] =	vst v11  }
0xb9: {  	v6 =	vnsel vm0, $0x0, v6;
	v5 =	vnsel vm1, $0x0, v5;
	v4 =	vnsel vm2, $0x0, v4;
	[tilespmem:s29+$0x7400] =	vst v10  }
0xba: {  	vm0 =	vgt.f32 v3, v16;
	vm1 =	vgt.f32 v2, v16;
	vm2 =	vgt.f32 v1, v16;
	[tilespmem:s29+$0x7800] =	vst v9  }
0xbb: {  	v3 =	vnsel vm0, $0x0, v3;
	v2 =	vnsel vm1, $0x0, v2;
	v1 =	vnsel vm2, $0x0, v1;
	[tilespmem:s29+$0x7C00] =	vst v8  }
0xbc: {  	vm0 =	vgt.f32 v0, v16;
	[tilespmem:s29+$0x4000] =	vst v7  }
0xbd: {  	v0 =	vnsel vm0, $0x0, v0;
	[tilespmem:s29+$0x4400] =	vst v6  }
0xbe: {  	[tilespmem:s29+$0x4800] =	vst v5  }
0xbf: {  	[tilespmem:s29+$0x4C00] =	vst v4  }
0xc0: {  	[tilespmem:s29+$0x5000] =	vst v3  }
0xc1: {  	[tilespmem:s29+$0x5400] =	vst v2  }
0xc2: {  	[tilespmem:s29+$0x5800] =	vst v1  }
0xc3: {  	[tilespmem:s29+$0x5C00] =	vst v0;
	s29 =	sand.u32 $0x3F0, s30  }
0xc4: {  	v0 =	vld [tilespmem:s29+$0x5C00]  }
0xc5: {  	v1 =	vld [tilespmem:s29+$0x5800]  }
0xc6: {  	v2 =	vld [tilespmem:s29+$0x5400]  }
0xc7: {  	v3 =	vld [tilespmem:s29+$0x5000]  }
0xc8: {  	v4 =	vld [tilespmem:s29+$0x4C00]  }
0xc9: {  	v5 =	vld [tilespmem:s29+$0x4800]  }
0xca: {  	v6 =	vld [tilespmem:s29+$0x4400]  }
0xcb: {  	v7 =	vld [tilespmem:s29+$0x4000]  }
0xcc: {  	v9 =	vmin.f32 v1, v0  }
0xcd: {  	v12 =	vmax.f32 v1, v0;
	v10 =	vmin.f32 v3, v2;
	v11 =	vmax.f32 v3, v2  }
0xce: {  	v13 =	vmax.f32 v10, v9;
	v14 =	vmin.f32 v11, v12  }
0xcf: {  	v15 =	vmin.f32 v10, v9;
	v16 =	vmax.f32 v11, v12;
	v18 =	vmax.f32 v14, v13;
	v8 =	vld [tilespmem:s29+$0x7C00]  }
0xd0: {  	v17 =	vmin.f32 v5, v4;
	v14 =	vmin.f32 v14, v13;
	v9 =	vld [tilespmem:s29+$0x7800];
	v12 =	vmin.f32 v7, v6  }
0xd1: {  	v19 =	vmax.f32 v5, v4;
	v13 =	vmax.f32 v7, v6;
	v10 =	vld [tilespmem:s29+$0x7400];
	v20 =	vmin.f32 v12, v17  }
.Ltmp1:
0xd2: {  	v17 =	vmax.f32 v12, v17;
	v21 =	vmin.f32 v13, v19;
	v19 =	vmax.f32 v13, v19;
	v11 =	vld [tilespmem:s29+$0x7000];
	(pc) =	sbr.rel @p1 .LBB2_5-.Ltmp1, $4  }
0xd3: {  	v22 =	vmin.f32 v21, v17;
	v23 =	vmax.f32 v21, v17;
	v15 =	vmax.f32 v20, v15;
	v12 =	vld [tilespmem:s29+$0x6C00]  }
0xd4: {  	v24 =	vmin.f32 v19, v16;
	v17 =	vmin.f32 v23, v18;
	v22 =	vmax.f32 v22, v14;
	v13 =	vld [tilespmem:s29+$0x6800]  }
0xd5: {  	v20 =	vmax.f32 v17, v15;
	v17 =	vmax.f32 v19, v16;
	v21 =	vmin.f32 v24, v22;
	v14 =	vld [tilespmem:s29+$0x6400]  }
0xd6: {  	s30 =	sadd.s32 $0x10, s30;
	v18 =	vmax.f32 v23, v18;
	v19 =	vmax.f32 v24, v22;
	v16 =	vmin.f32 v21, v20;
	v15 =	vld [tilespmem:s29+$0x6000]  }
0xd7: {  	v22 =	vmin.f32 v9, v8;
	v20 =	vmax.f32 v21, v20;
	v21 =	vmin.f32 v19, v18  }
0xd8: {  	v23 =	vmin.f32 v11, v10;
	v24 =	vmax.f32 v11, v10;
	v25 =	vmax.f32 v9, v8  }
0xd9: {  	v18 =	vmax.f32 v19, v18;
	v26 =	vmax.f32 v23, v22;
	v27 =	vmin.f32 v24, v25  }
0xda: {  	v19 =	vmin.f32 v23, v22;
	v22 =	vmax.f32 v24, v25;
	v23 =	vmin.f32 v27, v26  }
0xdb: {  	v55 =	vmin.f32 v13, v12;
	v26 =	vmax.f32 v27, v26;
	v54 =	vmin.f32 v15, v14  }
0xdc: {  	v28 =	vmax.f32 v13, v12;
	v56 =	vmax.f32 v15, v14;
	v29 =	vmin.f32 v54, v55  }
0xdd: {  	v24 =	vmax.f32 v54, v55;
	v57 =	vmin.f32 v56, v28;
	v27 =	vmax.f32 v56, v28  }
0xde: {  	v58 =	vmin.f32 v57, v24;
	v24 =	vmax.f32 v57, v24;
	v19 =	vmax.f32 v29, v19  }
0xdf: {  	v59 =	vmin.f32 v27, v22;
	v25 =	vmin.f32 v24, v26;
	v23 =	vmax.f32 v58, v23  }
0xe0: {  	v24 =	vmax.f32 v24, v26;
	v19 =	vmax.f32 v25, v19;
	v60 =	vmin.f32 v59, v23  }
0xe1: {  	v23 =	vmax.f32 v59, v23;
	v61 =	vmin.f32 v60, v19;
	v19 =	vmax.f32 v60, v19  }
0xe2: {  	v62 =	vmin.f32 v23, v24;
	v17 =	vmax.f32 v17, v61;
	v18 =	vmax.f32 v18, v19  }
0xe3: {  	v19 =	vmax.f32 v23, v24;
	v17 =	vmin.f32 v17, v18;
	v18 =	vmax.f32 v21, v62  }
0xe4: {  	v21 =	vmax.f32 v27, v22;
	v17 =	vmin.f32 v17, v18;
	v18 =	vmax.f32 v20, v19  }
0xe5: {  	v16 =	vmax.f32 v16, v21;
	v17 =	vmin.f32 v17, v18  }
0xe6: {  	v16 =	vmin.f32 v17, v16  }
0xe7: {  	v16 =	vadd.f32 $-9.999999740e-05, v16;
	_ =	sdelay $0x1  }
0xe8: {  	vm0 =	vgt.f32 v15, v16  }
0xe9: {  	vm1 =	vgt.f32 v14, v16;
	v15 =	vnsel vm0, $0x0, v15  }
0xea: {  	vm14 =	vgt.f32 v13, v16;
	v14 =	vnsel vm1, $0x0, v14;
	[tilespmem:s29+$0x6000] =	vst v15  }
0xeb: {  	vm15 =	vgt.f32 v12, v16;
	v13 =	vnsel vm14, $0x0, v13;
	[tilespmem:s29+$0x6400] =	vst v14  }
0xec: {  	vm4 =	vgt.f32 v11, v16;
	v12 =	vnsel vm15, $0x0, v12;
	[tilespmem:s29+$0x6800] =	vst v13  }
0xed: {  	vm5 =	vgt.f32 v10, v16;
	v11 =	vnsel vm4, $0x0, v11;
	[tilespmem:s29+$0x6C00] =	vst v12  }
0xee: {  	vm6 =	vgt.f32 v9, v16;
	v10 =	vnsel vm5, $0x0, v10;
	[tilespmem:s29+$0x7000] =	vst v11  }
0xef: {  	vm7 =	vgt.f32 v8, v16;
	v9 =	vnsel vm6, $0x0, v9;
	[tilespmem:s29+$0x7400] =	vst v10  }
0xf0: {  	vm8 =	vgt.f32 v7, v16;
	v8 =	vnsel vm7, $0x0, v8;
	[tilespmem:s29+$0x7800] =	vst v9  }
0xf1: {  	vm9 =	vgt.f32 v6, v16;
	v7 =	vnsel vm8, $0x0, v7;
	[tilespmem:s29+$0x7C00] =	vst v8  }
0xf2: {  	vm10 =	vgt.f32 v5, v16;
	v6 =	vnsel vm9, $0x0, v6;
	[tilespmem:s29+$0x4000] =	vst v7  }
0xf3: {  	vm11 =	vgt.f32 v4, v16;
	v5 =	vnsel vm10, $0x0, v5;
	[tilespmem:s29+$0x4400] =	vst v6  }
0xf4: {  	vm12 =	vgt.f32 v3, v16;
	v4 =	vnsel vm11, $0x0, v4;
	[tilespmem:s29+$0x4800] =	vst v5  }
0xf5: {  	vm13 =	vgt.f32 v2, v16;
	v3 =	vnsel vm12, $0x0, v3;
	[tilespmem:s29+$0x4C00] =	vst v4  }
0xf6: {  	vm14 =	vgt.f32 v1, v16;
	v2 =	vnsel vm13, $0x0, v2;
	[tilespmem:s29+$0x5000] =	vst v3  }
0xf7: {  	vm15 =	vgt.f32 v0, v16;
	v1 =	vnsel vm14, $0x0, v1;
	[tilespmem:s29+$0x5400] =	vst v2  }
0xf8: {  	v0 =	vnsel vm15, $0x0, v0;
	[tilespmem:s29+$0x5800] =	vst v1  }
0xf9: {  	s26 =	sadd.s32 s3, s26;
	[tilespmem:s29+$0x5C00] =	vst v0  }
0xfa: {  	[hbm4b:s26+s9] =	stream.strided.scatter [tilespmem:s11], [sflag:$0x6], $0x4000, s10, s9, $0x38;
	[tilespmem:$0x10000] =	vst v63  }
0xfb: {  	s26 =	simm.s32 @!p0 $0x8  }
0xfc: {  	_ =	swait.ge @!p0 [sflag:s26], $0x4000  }
0xfd: {  	s25 =	sor.u32 $0x180, s25;
	[sflag:s26] =	ssyncset.done @!p0 $0x0  }
0xfe: {  	s30 =	sadd.s32 s2, s25;
	[sflag:s26] =	ssyncadd.s32 @!p0 $0xFFFFC000  }
0xff: {  	[tilespmem:s15], [sflag:$0x4] =	stream.strided.gather [hbm4b:s30+s9], $0x4000, s10, s9, $0x38;
	[tilespmem:$0x10000] =	vst v63  }
0x100: {  	_ =	swait.ge [sflag:s16], $0x4000  }
0x101: {  	s31 =	simm.s32 $0x0;
	[sflag:s16] =	ssyncset.done $0x0  }
0x102: {  	s26 =	sand.u32 $0x3F0, s31;
	[sflag:s16] =	ssyncadd.s32 $0xFFFFC000  }
0x103: {  	v0 =	vld [tilespmem:s26+$0x9C00]  }
0x104: {  	v1 =	vld [tilespmem:s26+$0x9800]  }
0x105: {  	v2 =	vld [tilespmem:s26+$0x9400]  }
0x106: {  	v3 =	vld [tilespmem:s26+$0x9000]  }
0x107: {  	v4 =	vld [tilespmem:s26+$0x8C00]  }
0x108: {  	v5 =	vld [tilespmem:s26+$0x8800]  }
0x109: {  	v6 =	vld [tilespmem:s26+$0x8400]  }
0x10a: {  	v7 =	vld [tilespmem:s26+$0x8000];
	_ =	sdelay $0x1  }
0x10b: {  	v9 =	vmin.f32 v1, v0;
	v10 =	vmin.f32 v3, v2;
	v11 =	vmax.f32 v3, v2  }
0x10c: {  	v12 =	vmax.f32 v1, v0;
	v17 =	vmin.f32 v5, v4;
	v19 =	vmax.f32 v5, v4  }
0x10d: {  	v8 =	vld [tilespmem:s26+$0xBC00];
	v13 =	vmax.f32 v10, v9;
	v14 =	vmin.f32 v11, v12;
	v15 =	vmin.f32 v10, v9  }
0x10e: {  	v16 =	vmax.f32 v11, v12;
	v9 =	vld [tilespmem:s26+$0xB800];
	v12 =	vmin.f32 v7, v6;
	v18 =	vmax.f32 v14, v13  }
0x10f: {  	v10 =	vld [tilespmem:s26+$0xB400];
	v14 =	vmin.f32 v14, v13;
	v13 =	vmax.f32 v7, v6;
	v20 =	vmin.f32 v12, v17  }
0x110: {  	v11 =	vld [tilespmem:s26+$0xB000];
	v17 =	vmax.f32 v12, v17;
	v21 =	vmin.f32 v13, v19;
	v19 =	vmax.f32 v13, v19  }
0x111: {  	v12 =	vld [tilespmem:s26+$0xAC00];
	v15 =	vmax.f32 v20, v15;
	v22 =	vmin.f32 v21, v17;
	v23 =	vmax.f32 v21, v17  }
0x112: {  	v13 =	vld [tilespmem:s26+$0xA800];
	v63 =	vmin.f32 v19, v16;
	v17 =	vmin.f32 v23, v18;
	v22 =	vmax.f32 v22, v14  }
0x113: {  	v14 =	vld [tilespmem:s26+$0xA400];
	v18 =	vmax.f32 v23, v18;
	v20 =	vmax.f32 v17, v15;
	v21 =	vmin.f32 v63, v22  }
0x114: {  	s29 =	simm.s32 $0x10;
	v17 =	vmax.f32 v19, v16;
	v15 =	vld [tilespmem:s26+$0xA000];
	v19 =	vmax.f32 v63, v22;
	v16 =	vmin.f32 v21, v20  }
.LBB2_7:
0x115: {  	p0 =	sne.s32 s29, $0x3F0;
	v22 =	vmin.f32 v9, v8;
	v20 =	vmax.f32 v21, v20;
	v21 =	vmin.f32 v19, v18  }
0x116: {  	v23 =	vmin.f32 v11, v10;
	v24 =	vmax.f32 v11, v10;
	v25 =	vmax.f32 v9, v8  }
0x117: {  	v18 =	vmax.f32 v19, v18;
	v26 =	vmax.f32 v23, v22;
	v27 =	vmin.f32 v24, v25  }
0x118: {  	v19 =	vmin.f32 v23, v22;
	v22 =	vmax.f32 v24, v25;
	v23 =	vmin.f32 v27, v26  }
0x119: {  	v25 =	vmin.f32 v13, v12;
	v26 =	vmax.f32 v27, v26;
	v24 =	vmin.f32 v15, v14  }
0x11a: {  	v28 =	vmax.f32 v13, v12;
	v27 =	vmax.f32 v15, v14;
	v29 =	vmin.f32 v24, v25  }
0x11b: {  	v24 =	vmax.f32 v24, v25;
	v25 =	vmin.f32 v27, v28;
	v27 =	vmax.f32 v27, v28  }
0x11c: {  	v28 =	vmin.f32 v25, v24;
	v24 =	vmax.f32 v25, v24;
	v19 =	vmax.f32 v29, v19  }
0x11d: {  	v25 =	vmin.f32 v24, v26;
	v23 =	vmax.f32 v28, v23;
	v28 =	vmin.f32 v27, v22  }
0x11e: {  	v24 =	vmax.f32 v24, v26;
	v19 =	vmax.f32 v25, v19;
	v25 =	vmin.f32 v28, v23  }
0x11f: {  	v23 =	vmax.f32 v28, v23;
	v26 =	vmin.f32 v25, v19;
	v19 =	vmax.f32 v25, v19  }
0x120: {  	v25 =	vmin.f32 v23, v24;
	v17 =	vmax.f32 v17, v26;
	v18 =	vmax.f32 v18, v19  }
0x121: {  	v19 =	vmax.f32 v23, v24;
	v17 =	vmin.f32 v17, v18;
	v18 =	vmax.f32 v21, v25  }
0x122: {  	v21 =	vmax.f32 v27, v22;
	v17 =	vmin.f32 v17, v18;
	v18 =	vmax.f32 v20, v19  }
0x123: {  	v16 =	vmax.f32 v16, v21;
	v17 =	vmin.f32 v17, v18  }
0x124: {  	v16 =	vmin.f32 v17, v16  }
0x125: {  	v16 =	vadd.f32 $-9.999999740e-05, v16;
	_ =	sdelay $0x1  }
0x126: {  	vm0 =	vgt.f32 v15, v16;
	vm1 =	vgt.f32 v14, v16;
	vm2 =	vgt.f32 v13, v16  }
0x127: {  	v15 =	vnsel vm0, $0x0, v15;
	v14 =	vnsel vm1, $0x0, v14;
	v13 =	vnsel vm2, $0x0, v13  }
0x128: {  	vm0 =	vgt.f32 v12, v16;
	vm1 =	vgt.f32 v11, v16;
	vm2 =	vgt.f32 v10, v16;
	[tilespmem:s26+$0xA000] =	vst v15  }
0x129: {  	v12 =	vnsel vm0, $0x0, v12;
	v11 =	vnsel vm1, $0x0, v11;
	v10 =	vnsel vm2, $0x0, v10;
	[tilespmem:s26+$0xA400] =	vst v14  }
0x12a: {  	vm0 =	vgt.f32 v7, v16;
	vm1 =	vgt.f32 v9, v16;
	vm2 =	vgt.f32 v8, v16;
	[tilespmem:s26+$0xA800] =	vst v13  }
0x12b: {  	v7 =	vnsel vm0, $0x0, v7;
	v9 =	vnsel vm1, $0x0, v9;
	v8 =	vnsel vm2, $0x0, v8;
	[tilespmem:s26+$0xAC00] =	vst v12  }
0x12c: {  	vm0 =	vgt.f32 v6, v16;
	vm1 =	vgt.f32 v5, v16;
	vm2 =	vgt.f32 v4, v16;
	[tilespmem:s26+$0xB000] =	vst v11  }
0x12d: {  	v6 =	vnsel vm0, $0x0, v6;
	v5 =	vnsel vm1, $0x0, v5;
	v4 =	vnsel vm2, $0x0, v4;
	[tilespmem:s26+$0xB400] =	vst v10  }
0x12e: {  	vm0 =	vgt.f32 v3, v16;
	vm1 =	vgt.f32 v2, v16;
	vm2 =	vgt.f32 v1, v16;
	[tilespmem:s26+$0xB800] =	vst v9  }
0x12f: {  	v3 =	vnsel vm0, $0x0, v3;
	v2 =	vnsel vm1, $0x0, v2;
	v1 =	vnsel vm2, $0x0, v1;
	[tilespmem:s26+$0xBC00] =	vst v8  }
0x130: {  	vm0 =	vgt.f32 v0, v16;
	[tilespmem:s26+$0x8000] =	vst v7  }
0x131: {  	v0 =	vnsel vm0, $0x0, v0;
	[tilespmem:s26+$0x8400] =	vst v6  }
0x132: {  	[tilespmem:s26+$0x8800] =	vst v5  }
0x133: {  	[tilespmem:s26+$0x8C00] =	vst v4  }
0x134: {  	[tilespmem:s26+$0x9000] =	vst v3  }
0x135: {  	[tilespmem:s26+$0x9400] =	vst v2  }
0x136: {  	[tilespmem:s26+$0x9800] =	vst v1  }
0x137: {  	[tilespmem:s26+$0x9C00] =	vst v0;
	s26 =	sand.u32 $0x3F0, s29  }
0x138: {  	v0 =	vld [tilespmem:s26+$0x9C00]  }
0x139: {  	v1 =	vld [tilespmem:s26+$0x9800]  }
0x13a: {  	v2 =	vld [tilespmem:s26+$0x9400]  }
0x13b: {  	v3 =	vld [tilespmem:s26+$0x9000]  }
0x13c: {  	v4 =	vld [tilespmem:s26+$0x8C00]  }
0x13d: {  	v5 =	vld [tilespmem:s26+$0x8800]  }
0x13e: {  	v6 =	vld [tilespmem:s26+$0x8400]  }
0x13f: {  	v7 =	vld [tilespmem:s26+$0x8000]  }
0x140: {  	v9 =	vmin.f32 v1, v0  }
0x141: {  	v12 =	vmax.f32 v1, v0;
	v10 =	vmin.f32 v3, v2;
	v11 =	vmax.f32 v3, v2  }
0x142: {  	v13 =	vmax.f32 v10, v9;
	v14 =	vmin.f32 v11, v12  }
0x143: {  	v15 =	vmin.f32 v10, v9;
	v16 =	vmax.f32 v11, v12;
	v18 =	vmax.f32 v14, v13;
	v8 =	vld [tilespmem:s26+$0xBC00]  }
0x144: {  	v17 =	vmin.f32 v5, v4;
	v14 =	vmin.f32 v14, v13;
	v9 =	vld [tilespmem:s26+$0xB800];
	v12 =	vmin.f32 v7, v6  }
0x145: {  	v19 =	vmax.f32 v5, v4;
	v13 =	vmax.f32 v7, v6;
	v10 =	vld [tilespmem:s26+$0xB400];
	v20 =	vmin.f32 v12, v17  }
.Ltmp2:
0x146: {  	v17 =	vmax.f32 v12, v17;
	v21 =	vmin.f32 v13, v19;
	v19 =	vmax.f32 v13, v19;
	v11 =	vld [tilespmem:s26+$0xB000];
	(pc) =	sbr.rel @p0 .LBB2_7-.Ltmp2, $4  }
0x147: {  	v22 =	vmin.f32 v21, v17;
	v23 =	vmax.f32 v21, v17;
	v15 =	vmax.f32 v20, v15;
	v12 =	vld [tilespmem:s26+$0xAC00]  }
0x148: {  	v24 =	vmin.f32 v19, v16;
	v17 =	vmin.f32 v23, v18;
	v22 =	vmax.f32 v22, v14;
	v13 =	vld [tilespmem:s26+$0xA800]  }
0x149: {  	v20 =	vmax.f32 v17, v15;
	v17 =	vmax.f32 v19, v16;
	v21 =	vmin.f32 v24, v22;
	v14 =	vld [tilespmem:s26+$0xA400]  }
0x14a: {  	s29 =	sadd.s32 $0x10, s29;
	v18 =	vmax.f32 v23, v18;
	v19 =	vmax.f32 v24, v22;
	v16 =	vmin.f32 v21, v20;
	v15 =	vld [tilespmem:s26+$0xA000]  }
0x14b: {  	v22 =	vmin.f32 v9, v8;
	v20 =	vmax.f32 v21, v20;
	v21 =	vmin.f32 v19, v18  }
0x14c: {  	v23 =	vmin.f32 v11, v10;
	v24 =	vmax.f32 v11, v10;
	v25 =	vmax.f32 v9, v8  }
0x14d: {  	v18 =	vmax.f32 v19, v18;
	v26 =	vmax.f32 v23, v22;
	v27 =	vmin.f32 v24, v25  }
0x14e: {  	v19 =	vmin.f32 v23, v22;
	v22 =	vmax.f32 v24, v25;
	v23 =	vmin.f32 v27, v26  }
0x14f: {  	v55 =	vmin.f32 v13, v12;
	v26 =	vmax.f32 v27, v26;
	v54 =	vmin.f32 v15, v14  }
0x150: {  	v28 =	vmax.f32 v13, v12;
	v56 =	vmax.f32 v15, v14;
	v29 =	vmin.f32 v54, v55  }
0x151: {  	v24 =	vmax.f32 v54, v55;
	v57 =	vmin.f32 v56, v28;
	v27 =	vmax.f32 v56, v28  }
0x152: {  	v58 =	vmin.f32 v57, v24;
	v24 =	vmax.f32 v57, v24;
	v19 =	vmax.f32 v29, v19  }
0x153: {  	v59 =	vmin.f32 v27, v22;
	v25 =	vmin.f32 v24, v26;
	v23 =	vmax.f32 v58, v23  }
0x154: {  	v24 =	vmax.f32 v24, v26;
	v19 =	vmax.f32 v25, v19;
	v60 =	vmin.f32 v59, v23  }
0x155: {  	v23 =	vmax.f32 v59, v23;
	v61 =	vmin.f32 v60, v19;
	v19 =	vmax.f32 v60, v19  }
0x156: {  	v62 =	vmin.f32 v23, v24;
	v17 =	vmax.f32 v17, v61;
	v18 =	vmax.f32 v18, v19  }
0x157: {  	v19 =	vmax.f32 v23, v24;
	v17 =	vmin.f32 v17, v18;
	v18 =	vmax.f32 v21, v62  }
0x158: {  	v21 =	vmax.f32 v27, v22;
	v17 =	vmin.f32 v17, v18;
	v18 =	vmax.f32 v20, v19  }
0x159: {  	v16 =	vmax.f32 v16, v21;
	v17 =	vmin.f32 v17, v18  }
0x15a: {  	v16 =	vmin.f32 v17, v16  }
0x15b: {  	v16 =	vadd.f32 $-9.999999740e-05, v16;
	_ =	sdelay $0x1  }
0x15c: {  	vm0 =	vgt.f32 v15, v16  }
0x15d: {  	vm1 =	vgt.f32 v14, v16;
	v15 =	vnsel vm0, $0x0, v15  }
0x15e: {  	vm14 =	vgt.f32 v13, v16;
	v14 =	vnsel vm1, $0x0, v14;
	[tilespmem:s26+$0xA000] =	vst v15  }
0x15f: {  	vm15 =	vgt.f32 v12, v16;
	v13 =	vnsel vm14, $0x0, v13;
	[tilespmem:s26+$0xA400] =	vst v14  }
0x160: {  	vm4 =	vgt.f32 v11, v16;
	v12 =	vnsel vm15, $0x0, v12;
	[tilespmem:s26+$0xA800] =	vst v13  }
0x161: {  	vm5 =	vgt.f32 v10, v16;
	v11 =	vnsel vm4, $0x0, v11;
	[tilespmem:s26+$0xAC00] =	vst v12  }
0x162: {  	vm6 =	vgt.f32 v9, v16;
	v10 =	vnsel vm5, $0x0, v10;
	[tilespmem:s26+$0xB000] =	vst v11  }
0x163: {  	vm7 =	vgt.f32 v8, v16;
	v9 =	vnsel vm6, $0x0, v9;
	[tilespmem:s26+$0xB400] =	vst v10  }
0x164: {  	vm8 =	vgt.f32 v7, v16;
	v8 =	vnsel vm7, $0x0, v8;
	[tilespmem:s26+$0xB800] =	vst v9  }
0x165: {  	vm9 =	vgt.f32 v6, v16;
	v7 =	vnsel vm8, $0x0, v7;
	[tilespmem:s26+$0xBC00] =	vst v8  }
0x166: {  	vm10 =	vgt.f32 v5, v16;
	v6 =	vnsel vm9, $0x0, v6;
	[tilespmem:s26+$0x8000] =	vst v7  }
0x167: {  	vm11 =	vgt.f32 v4, v16;
	v5 =	vnsel vm10, $0x0, v5;
	[tilespmem:s26+$0x8400] =	vst v6  }
0x168: {  	vm12 =	vgt.f32 v3, v16;
	v4 =	vnsel vm11, $0x0, v4;
	[tilespmem:s26+$0x8800] =	vst v5  }
0x169: {  	vm13 =	vgt.f32 v2, v16;
	v3 =	vnsel vm12, $0x0, v3;
	[tilespmem:s26+$0x8C00] =	vst v4  }
0x16a: {  	vm14 =	vgt.f32 v1, v16;
	v2 =	vnsel vm13, $0x0, v2;
	[tilespmem:s26+$0x9000] =	vst v3  }
0x16b: {  	p0 =	seq.s32 s23, $0xF;
	vm15 =	vgt.f32 v0, v16;
	v1 =	vnsel vm14, $0x0, v1;
	[tilespmem:s26+$0x9400] =	vst v2  }
0x16c: {  	s24 =	sadd.s32 @!p0 $0x4, s24;
	v0 =	vnsel vm15, $0x0, v0;
	[tilespmem:s26+$0x9800] =	vst v1  }
0x16d: {  	s30 =	sadd.s32 s3, s28;
	[tilespmem:s26+$0x9C00] =	vst v0;
	s26 =	sshrl.u32 @!p0 s24, $0x4  }
0x16e: {  	[hbm4b:s30+s9] =	stream.strided.scatter [tilespmem:s13], [sflag:$0x7], $0x4000, s10, s9, $0x38;
	[tilespmem:$0x10000] =	vst v63  }
0x16f: {  	s24 =	sshll.u32 @!p0 s24, $0xA;
	s26 =	sadd.s32 @!p0 s7, s26  }
0x170: {  	s24 =	sand.u32 @!p0 $0x3000, s24;
	s26 =	sshll.u32 @!p0 s26, $0xE  }
0x171: {  	s28 =	simm.s32 @!p0 $0x5;
	s24 =	sor.u32 @!p0 s24, s26  }
0x172: {  	s29 =	simm.s32 @!p0 $0x0;
	_ =	swait.ge @!p0 [sflag:s28], $0x4000;
	s24 =	sor.u32 @!p0 s5, s24  }
0x173: {  	[sflag:s28] =	ssyncset.done @!p0 $0x0;
	s26 =	simm.s32 @!p0 $0x400;
	s24 =	sshrl.u32 @!p0 s24, $0x3  }
0x174: {  	[sflag:s28] =	ssyncadd.s32 @!p0 $0xFFFFC000;
	s28 =	simm.s32 @!p0 $0x100000;
	s24 =	sadd.s32 @!p0 s2, s24  }
0x175: {  	[tilespmem:s29], [sflag:$0x1] =	stream.strided.gather @!p0 [hbm4b:s24+s26], $0x4000, s28, s26, $0x38;
	[tilespmem:$0x10000] =	vst v63  }
0x176: {  	_ =	swait.ge [sflag:s17], $0x4000  }
0x177: {  	s31 =	simm.s32 $0x0;
	[sflag:s17] =	ssyncset.done $0x0  }
0x178: {  	s24 =	sand.u32 $0x3F0, s31;
	[sflag:s17] =	ssyncadd.s32 $0xFFFFC000  }
0x179: {  	v0 =	vld [tilespmem:s24+$0xDC00]  }
0x17a: {  	v1 =	vld [tilespmem:s24+$0xD800]  }
0x17b: {  	v2 =	vld [tilespmem:s24+$0xD400]  }
0x17c: {  	v3 =	vld [tilespmem:s24+$0xD000]  }
0x17d: {  	v4 =	vld [tilespmem:s24+$0xCC00]  }
0x17e: {  	v5 =	vld [tilespmem:s24+$0xC800]  }
0x17f: {  	v6 =	vld [tilespmem:s24+$0xC400]  }
0x180: {  	v7 =	vld [tilespmem:s24+$0xC000];
	_ =	sdelay $0x1  }
0x181: {  	v9 =	vmin.f32 v1, v0;
	v10 =	vmin.f32 v3, v2;
	v11 =	vmax.f32 v3, v2  }
0x182: {  	v12 =	vmax.f32 v1, v0;
	v17 =	vmin.f32 v5, v4;
	v19 =	vmax.f32 v5, v4  }
0x183: {  	v8 =	vld [tilespmem:s24+$0xFC00];
	v13 =	vmax.f32 v10, v9;
	v14 =	vmin.f32 v11, v12;
	v15 =	vmin.f32 v10, v9  }
0x184: {  	v16 =	vmax.f32 v11, v12;
	v9 =	vld [tilespmem:s24+$0xF800];
	v12 =	vmin.f32 v7, v6;
	v18 =	vmax.f32 v14, v13  }
0x185: {  	v10 =	vld [tilespmem:s24+$0xF400];
	v14 =	vmin.f32 v14, v13;
	v13 =	vmax.f32 v7, v6;
	v20 =	vmin.f32 v12, v17  }
0x186: {  	v11 =	vld [tilespmem:s24+$0xF000];
	v17 =	vmax.f32 v12, v17;
	v21 =	vmin.f32 v13, v19;
	v19 =	vmax.f32 v13, v19  }
0x187: {  	v12 =	vld [tilespmem:s24+$0xEC00];
	v15 =	vmax.f32 v20, v15;
	v22 =	vmin.f32 v21, v17;
	v23 =	vmax.f32 v21, v17  }
0x188: {  	v13 =	vld [tilespmem:s24+$0xE800];
	v63 =	vmin.f32 v19, v16;
	v17 =	vmin.f32 v23, v18;
	v22 =	vmax.f32 v22, v14  }
0x189: {  	v14 =	vld [tilespmem:s24+$0xE400];
	v18 =	vmax.f32 v23, v18;
	v20 =	vmax.f32 v17, v15;
	v21 =	vmin.f32 v63, v22  }
0x18a: {  	s26 =	simm.s32 $0x10;
	v17 =	vmax.f32 v19, v16;
	v15 =	vld [tilespmem:s24+$0xE000];
	v19 =	vmax.f32 v63, v22;
	v16 =	vmin.f32 v21, v20  }
.LBB2_9:
0x18b: {  	p0 =	sne.s32 s26, $0x3F0;
	v22 =	vmin.f32 v9, v8;
	v20 =	vmax.f32 v21, v20;
	v21 =	vmin.f32 v19, v18  }
0x18c: {  	v23 =	vmin.f32 v11, v10;
	v24 =	vmax.f32 v11, v10;
	v25 =	vmax.f32 v9, v8  }
0x18d: {  	v18 =	vmax.f32 v19, v18;
	v26 =	vmax.f32 v23, v22;
	v27 =	vmin.f32 v24, v25  }
0x18e: {  	v19 =	vmin.f32 v23, v22;
	v22 =	vmax.f32 v24, v25;
	v23 =	vmin.f32 v27, v26  }
0x18f: {  	v25 =	vmin.f32 v13, v12;
	v26 =	vmax.f32 v27, v26;
	v24 =	vmin.f32 v15, v14  }
0x190: {  	v28 =	vmax.f32 v13, v12;
	v27 =	vmax.f32 v15, v14;
	v29 =	vmin.f32 v24, v25  }
0x191: {  	v24 =	vmax.f32 v24, v25;
	v25 =	vmin.f32 v27, v28;
	v27 =	vmax.f32 v27, v28  }
0x192: {  	v28 =	vmin.f32 v25, v24;
	v24 =	vmax.f32 v25, v24;
	v19 =	vmax.f32 v29, v19  }
0x193: {  	v25 =	vmin.f32 v24, v26;
	v23 =	vmax.f32 v28, v23;
	v28 =	vmin.f32 v27, v22  }
0x194: {  	v24 =	vmax.f32 v24, v26;
	v19 =	vmax.f32 v25, v19;
	v25 =	vmin.f32 v28, v23  }
0x195: {  	v23 =	vmax.f32 v28, v23;
	v26 =	vmin.f32 v25, v19;
	v19 =	vmax.f32 v25, v19  }
0x196: {  	v25 =	vmin.f32 v23, v24;
	v17 =	vmax.f32 v17, v26;
	v18 =	vmax.f32 v18, v19  }
0x197: {  	v19 =	vmax.f32 v23, v24;
	v17 =	vmin.f32 v17, v18;
	v18 =	vmax.f32 v21, v25  }
0x198: {  	v21 =	vmax.f32 v27, v22;
	v17 =	vmin.f32 v17, v18;
	v18 =	vmax.f32 v20, v19  }
0x199: {  	v16 =	vmax.f32 v16, v21;
	v17 =	vmin.f32 v17, v18  }
0x19a: {  	v16 =	vmin.f32 v17, v16  }
0x19b: {  	v16 =	vadd.f32 $-9.999999740e-05, v16;
	_ =	sdelay $0x1  }
0x19c: {  	vm0 =	vgt.f32 v15, v16;
	vm1 =	vgt.f32 v14, v16;
	vm2 =	vgt.f32 v13, v16  }
0x19d: {  	v15 =	vnsel vm0, $0x0, v15;
	v14 =	vnsel vm1, $0x0, v14;
	v13 =	vnsel vm2, $0x0, v13  }
0x19e: {  	vm0 =	vgt.f32 v12, v16;
	vm1 =	vgt.f32 v11, v16;
	vm2 =	vgt.f32 v10, v16;
	[tilespmem:s24+$0xE000] =	vst v15  }
0x19f: {  	v12 =	vnsel vm0, $0x0, v12;
	v11 =	vnsel vm1, $0x0, v11;
	v10 =	vnsel vm2, $0x0, v10;
	[tilespmem:s24+$0xE400] =	vst v14  }
0x1a0: {  	vm0 =	vgt.f32 v7, v16;
	vm1 =	vgt.f32 v9, v16;
	vm2 =	vgt.f32 v8, v16;
	[tilespmem:s24+$0xE800] =	vst v13  }
0x1a1: {  	v7 =	vnsel vm0, $0x0, v7;
	v9 =	vnsel vm1, $0x0, v9;
	v8 =	vnsel vm2, $0x0, v8;
	[tilespmem:s24+$0xEC00] =	vst v12  }
0x1a2: {  	vm0 =	vgt.f32 v6, v16;
	vm1 =	vgt.f32 v5, v16;
	vm2 =	vgt.f32 v4, v16;
	[tilespmem:s24+$0xF000] =	vst v11  }
0x1a3: {  	v6 =	vnsel vm0, $0x0, v6;
	v5 =	vnsel vm1, $0x0, v5;
	v4 =	vnsel vm2, $0x0, v4;
	[tilespmem:s24+$0xF400] =	vst v10  }
0x1a4: {  	vm0 =	vgt.f32 v3, v16;
	vm1 =	vgt.f32 v2, v16;
	vm2 =	vgt.f32 v1, v16;
	[tilespmem:s24+$0xF800] =	vst v9  }
0x1a5: {  	v3 =	vnsel vm0, $0x0, v3;
	v2 =	vnsel vm1, $0x0, v2;
	v1 =	vnsel vm2, $0x0, v1;
	[tilespmem:s24+$0xFC00] =	vst v8  }
0x1a6: {  	vm0 =	vgt.f32 v0, v16;
	[tilespmem:s24+$0xC000] =	vst v7  }
0x1a7: {  	v0 =	vnsel vm0, $0x0, v0;
	[tilespmem:s24+$0xC400] =	vst v6  }
0x1a8: {  	[tilespmem:s24+$0xC800] =	vst v5  }
0x1a9: {  	[tilespmem:s24+$0xCC00] =	vst v4  }
0x1aa: {  	[tilespmem:s24+$0xD000] =	vst v3  }
0x1ab: {  	[tilespmem:s24+$0xD400] =	vst v2  }
0x1ac: {  	[tilespmem:s24+$0xD800] =	vst v1  }
0x1ad: {  	[tilespmem:s24+$0xDC00] =	vst v0;
	s24 =	sand.u32 $0x3F0, s26  }
0x1ae: {  	v0 =	vld [tilespmem:s24+$0xDC00]  }
0x1af: {  	v1 =	vld [tilespmem:s24+$0xD800]  }
0x1b0: {  	v2 =	vld [tilespmem:s24+$0xD400]  }
0x1b1: {  	v3 =	vld [tilespmem:s24+$0xD000]  }
0x1b2: {  	v4 =	vld [tilespmem:s24+$0xCC00]  }
0x1b3: {  	v5 =	vld [tilespmem:s24+$0xC800]  }
0x1b4: {  	v6 =	vld [tilespmem:s24+$0xC400]  }
0x1b5: {  	v7 =	vld [tilespmem:s24+$0xC000]  }
0x1b6: {  	v9 =	vmin.f32 v1, v0  }
0x1b7: {  	v12 =	vmax.f32 v1, v0;
	v10 =	vmin.f32 v3, v2;
	v11 =	vmax.f32 v3, v2  }
0x1b8: {  	v13 =	vmax.f32 v10, v9;
	v14 =	vmin.f32 v11, v12  }
0x1b9: {  	v15 =	vmin.f32 v10, v9;
	v16 =	vmax.f32 v11, v12;
	v18 =	vmax.f32 v14, v13;
	v8 =	vld [tilespmem:s24+$0xFC00]  }
0x1ba: {  	v17 =	vmin.f32 v5, v4;
	v14 =	vmin.f32 v14, v13;
	v9 =	vld [tilespmem:s24+$0xF800];
	v12 =	vmin.f32 v7, v6  }
0x1bb: {  	v19 =	vmax.f32 v5, v4;
	v13 =	vmax.f32 v7, v6;
	v10 =	vld [tilespmem:s24+$0xF400];
	v20 =	vmin.f32 v12, v17  }
.Ltmp3:
0x1bc: {  	v17 =	vmax.f32 v12, v17;
	v21 =	vmin.f32 v13, v19;
	v19 =	vmax.f32 v13, v19;
	v11 =	vld [tilespmem:s24+$0xF000];
	(pc) =	sbr.rel @p0 .LBB2_9-.Ltmp3, $4  }
0x1bd: {  	v22 =	vmin.f32 v21, v17;
	v23 =	vmax.f32 v21, v17;
	v15 =	vmax.f32 v20, v15;
	v12 =	vld [tilespmem:s24+$0xEC00]  }
0x1be: {  	v24 =	vmin.f32 v19, v16;
	v17 =	vmin.f32 v23, v18;
	v22 =	vmax.f32 v22, v14;
	v13 =	vld [tilespmem:s24+$0xE800]  }
0x1bf: {  	v20 =	vmax.f32 v17, v15;
	v17 =	vmax.f32 v19, v16;
	v21 =	vmin.f32 v24, v22;
	v14 =	vld [tilespmem:s24+$0xE400]  }
0x1c0: {  	s26 =	sadd.s32 $0x10, s26;
	v18 =	vmax.f32 v23, v18;
	v19 =	vmax.f32 v24, v22;
	v16 =	vmin.f32 v21, v20;
	v15 =	vld [tilespmem:s24+$0xE000]  }
0x1c1: {  	v22 =	vmin.f32 v9, v8;
	v20 =	vmax.f32 v21, v20;
	v46 =	vmin.f32 v19, v18  }
0x1c2: {  	v23 =	vmin.f32 v11, v10;
	v24 =	vmax.f32 v11, v10;
	v25 =	vmax.f32 v9, v8  }
0x1c3: {  	v47 =	vmax.f32 v19, v18;
	v26 =	vmax.f32 v23, v22;
	v27 =	vmin.f32 v24, v25  }
0x1c4: {  	v48 =	vmin.f32 v23, v22;
	v49 =	vmax.f32 v24, v25;
	v50 =	vmin.f32 v27, v26  }
0x1c5: {  	v52 =	vmin.f32 v13, v12;
	v26 =	vmax.f32 v27, v26;
	v51 =	vmin.f32 v15, v14  }
0x1c6: {  	v28 =	vmax.f32 v13, v12;
	v53 =	vmax.f32 v15, v14;
	v29 =	vmin.f32 v51, v52  }
0x1c7: {  	v24 =	vmax.f32 v51, v52;
	v54 =	vmin.f32 v53, v28;
	v27 =	vmax.f32 v53, v28  }
0x1c8: {  	v55 =	vmin.f32 v54, v24;
	v24 =	vmax.f32 v54, v24;
	v19 =	vmax.f32 v29, v48  }
0x1c9: {  	v56 =	vmin.f32 v27, v49;
	v25 =	vmin.f32 v24, v26;
	v23 =	vmax.f32 v55, v50  }
0x1ca: {  	v24 =	vmax.f32 v24, v26;
	v19 =	vmax.f32 v25, v19;
	v57 =	vmin.f32 v56, v23  }
0x1cb: {  	v23 =	vmax.f32 v56, v23;
	v58 =	vmin.f32 v57, v19;
	v19 =	vmax.f32 v57, v19  }
0x1cc: {  	v59 =	vmin.f32 v23, v24;
	v17 =	vmax.f32 v17, v58;
	v18 =	vmax.f32 v47, v19  }
0x1cd: {  	v60 =	vmax.f32 v23, v24;
	v61 =	vmax.f32 v46, v59;
	v17 =	vmin.f32 v17, v18  }
0x1ce: {  	v62 =	vmax.f32 v27, v49;
	v63 =	vmax.f32 v20, v60;
	v17 =	vmin.f32 v17, v61  }
0x1cf: {  	v16 =	vmax.f32 v16, v62;
	v17 =	vmin.f32 v17, v63  }
0x1d0: {  	v16 =	vmin.f32 v17, v16  }
0x1d1: {  	v16 =	vadd.f32 $-9.999999740e-05, v16;
	_ =	sdelay $0x1  }
0x1d2: {  	vm0 =	vgt.f32 v15, v16  }
0x1d3: {  	vm1 =	vgt.f32 v14, v16;
	v15 =	vnsel vm0, $0x0, v15  }
0x1d4: {  	vm14 =	vgt.f32 v13, v16;
	v14 =	vnsel vm1, $0x0, v14;
	[tilespmem:s24+$0xE000] =	vst v15  }
0x1d5: {  	vm15 =	vgt.f32 v12, v16;
	v13 =	vnsel vm14, $0x0, v13;
	[tilespmem:s24+$0xE400] =	vst v14  }
0x1d6: {  	vm4 =	vgt.f32 v11, v16;
	v12 =	vnsel vm15, $0x0, v12;
	[tilespmem:s24+$0xE800] =	vst v13  }
0x1d7: {  	vm5 =	vgt.f32 v10, v16;
	v11 =	vnsel vm4, $0x0, v11;
	[tilespmem:s24+$0xEC00] =	vst v12  }
0x1d8: {  	vm6 =	vgt.f32 v9, v16;
	v10 =	vnsel vm5, $0x0, v10;
	[tilespmem:s24+$0xF000] =	vst v11  }
0x1d9: {  	vm7 =	vgt.f32 v8, v16;
	v9 =	vnsel vm6, $0x0, v9;
	[tilespmem:s24+$0xF400] =	vst v10  }
0x1da: {  	vm8 =	vgt.f32 v7, v16;
	v8 =	vnsel vm7, $0x0, v8;
	[tilespmem:s24+$0xF800] =	vst v9  }
0x1db: {  	vm9 =	vgt.f32 v6, v16;
	v7 =	vnsel vm8, $0x0, v7;
	[tilespmem:s24+$0xFC00] =	vst v8  }
0x1dc: {  	vm10 =	vgt.f32 v5, v16;
	v6 =	vnsel vm9, $0x0, v6;
	[tilespmem:s24+$0xC000] =	vst v7  }
0x1dd: {  	vm11 =	vgt.f32 v4, v16;
	v5 =	vnsel vm10, $0x0, v5;
	[tilespmem:s24+$0xC400] =	vst v6  }
0x1de: {  	s23 =	sadd.s32 $0x1, s23;
	vm12 =	vgt.f32 v3, v16;
	v4 =	vnsel vm11, $0x0, v4;
	[tilespmem:s24+$0xC800] =	vst v5  }
0x1df: {  	p0 =	sne.s32 s23, $0x10;
	vm13 =	vgt.f32 v2, v16;
	v3 =	vnsel vm12, $0x0, v3;
	[tilespmem:s24+$0xCC00] =	vst v4  }
.Ltmp4:
0x1e0: {  	vm14 =	vgt.f32 v1, v16;
	v2 =	vnsel vm13, $0x0, v2;
	[tilespmem:s24+$0xD000] =	vst v3;
	(pc) =	sbr.rel @p0 .LBB2_2-.Ltmp4, $4  }
0x1e1: {  	vm15 =	vgt.f32 v0, v16;
	v1 =	vnsel vm14, $0x0, v1;
	[tilespmem:s24+$0xD400] =	vst v2  }
0x1e2: {  	v0 =	vnsel vm15, $0x0, v0;
	[tilespmem:s24+$0xD800] =	vst v1  }
0x1e3: {  	s31 =	sadd.s32 s3, s25;
	[tilespmem:s24+$0xDC00] =	vst v0  }
0x1e4: {  	[hbm4b:s31+s9] =	stream.strided.scatter [tilespmem:s15], [sflag:$0x8], $0x4000, s10, s9, $0x38;
	[tilespmem:$0x10000] =	vst v63  }
0x1e5: {  	_ =	swait.ge [sflag:s18], $0x4000  }
0x1e6: {  	[sflag:s18] =	ssyncset.done $0x0  }
0x1e7: {  	[sflag:s18] =	ssyncadd.s32 $0xFFFFC000  }
0x1e8: {  	_ =	swait.ge [sflag:s19], $0x4000  }
0x1e9: {  	[sflag:s19] =	ssyncset.done $0x0  }
0x1ea: {  	s22 =	sadd.s32 $0x1, s22;
	[sflag:s19] =	ssyncadd.s32 $0xFFFFC000  }
0x1eb: {  	p0 =	sne.s32 s22, s8;
	_ =	swait.ge [sflag:s20], $0x4000  }
.Ltmp5:
0x1ec: {  	[sflag:s20] =	ssyncset.done $0x0;
	(pc) =	sbr.rel @p0 .LBB2_1-.Ltmp5, $4  }
0x1ed: {  	[sflag:s20] =	ssyncadd.s32 $0xFFFFC000  }
0x1ee: {  	_ =	swait.ge [sflag:s21], $0x4000  }
0x1ef: {  	[sflag:s21] =	ssyncset.done $0x0  }
0x1f0: {  	[sflag:s21] =	ssyncadd.s32 $0xFFFFC000  }
0x1f1: {  	_ =	sfence.sel $0x180000  }
0x1f2: {  	[bflag:$0x0] =	sbarrier.arrive $0xFFFF  }
0x1f3: {  	p0 =	sne.s32 s0, $0x0;
	_ =	strace $0x90000047  }
0x1f4: {  	s0 =	sadd.s32 @!p0 $0x100000, s1;
	[bflag:$0x2] =	sbarrier.arrive $0xFFFF  }
0x1f5: {  	[sflag:s0] =	ssyncadd.tile.s32 @!p0 $0x1;
	_ =	shalt  }
.Lfunc_end2:
_tile_overlayer_lowered:
.L_overlay_start_2:
0x1f6: {  	(tag) =	ssettag $0x2  }
0x1f7: {  	s0 =	rddreg [dreg:$0x0];
	s2 =	stileid.u32  }
0x1f8: {  	s1 =	rddreg [dreg:$0x1];
	p0 =	sne.s32 s2, $0x0  }
0x1f9: {  	s3 =	rddreg [dreg:$0x2];
	[bflag:$0x3] =	sbarrier.arrive $0xFFFF;
	s2 =	simm.s32 @!p0 $0x1C09  }
0x1fa: {  	[timem:s3], [sflag:s2] =	dma.local @!p0 [hbm:s0], s1  }
0x1fb: {  	s0 =	simm.s32 @!p0 $0x9  }
0x1fc: {  	_ =	swait.ge @!p0 [sflag:s0], s1  }
0x1fd: {  	s1 =	ssub.s32 @!p0 $0x0, s1;
	[sflag:s0] =	ssyncset.done @!p0 $0x0  }
0x1fe: {  	[sflag:s0] =	ssyncadd.s32 @!p0 s1  }
0x1ff: {  	[bflag:$0x3] =	sbarrier.arrive $0xFFFF  }
0x200: {  	_ =	shalt  }

</sc_bundles>
